<compile_context>
chip_gen: v7x
topology: tpu7x:2x2x1
jax: 0.10.2.dev20260603
libtpu: 0.0.44.dev20260713+nightly
codegen_flags: <defaults>
</compile_context>

<pallas_src>
import functools

import jax
import jax.numpy as jnp
from jax import lax
from jax.experimental import pallas as pl
from jax.experimental.pallas import tpu as pltpu
from jax.experimental.pallas import tpu_sc as plsc

_WIN = 5
_WIN2 = _WIN * _WIN
_LANES = 16


def _sc_gather(t0, t1, x0, y0, x1, y1, b_ids, i_ids, j_ids, c0f, c1f,
               lc, whf, hf, wf):
    m = b_ids.shape[0]
    dw = t0.shape[1]
    d_c = c0f.shape[1]
    zrow = t0.shape[0] - 1

    ntiles = 2 * _LANES
    mpt = (2 * m) // ntiles
    nchunks = mpt // 128

    mesh = plsc.VectorSubcoreMesh(core_axis_name="c", subcore_axis_name="s")

    @functools.partial(
        pl.kernel,
        mesh=mesh,
        out_type=(
            jax.ShapeDtypeStruct((_WIN2 * m, dw), jnp.float32),
            jax.ShapeDtypeStruct((_WIN2 * m, dw), jnp.float32),
            jax.ShapeDtypeStruct((m, d_c), jnp.float32),
            jax.ShapeDtypeStruct((m, d_c), jnp.float32),
        ),
        scratch_types=[
            pltpu.VMEM((mpt,), jnp.int32),
            pltpu.VMEM((mpt,), jnp.int32),
            pltpu.VMEM((mpt,), jnp.int32),
            pltpu.VMEM((mpt,), jnp.int32),
            pltpu.VMEM((mpt,), jnp.int32),
            pltpu.VMEM((128,), jnp.int32),
            pltpu.VMEM((128,), jnp.int32),
            pltpu.VMEM((mpt, dw), jnp.float32),
            pltpu.VMEM((128, d_c), jnp.float32),
            pltpu.SemaphoreType.DMA,
            pltpu.SemaphoreType.DMA,
        ],
    )
    def gather_kernel(t0h, t1h, x0h, y0h, x1h, y1h, bh, ih, jh, c0h, c1h,
                      f0h, f1h, cr0h, cr1h,
                      bbuf, idbuf, pxbuf, pybuf, pbbuf,
                      idx0, idx1, rows, crows, sem_g, sem_w):
        wid = lax.axis_index("s") * 2 + lax.axis_index("c")
        side = wid // _LANES
        q = wid % _LANES
        base_m = q * mpt
        idxbufs = [idx0, idx1]

        def work(th, xh, yh, idsh, ch, fh, crh):
            pltpu.sync_copy(bh.at[pl.ds(base_m, mpt)], bbuf)
            pltpu.sync_copy(idsh.at[pl.ds(base_m, mpt)], idbuf)

            for c in range(nchunks):
                ib = idxbufs[c % 2]

                def cfill(t, _):
                    ssl = pl.ds(c * 128 + t * _LANES, _LANES)
                    dsl = pl.ds(t * _LANES, _LANES)
                    ib[dsl] = bbuf[ssl] * lc + idbuf[ssl]
                    return 0

                lax.fori_loop(0, 128 // _LANES, cfill, 0)
                csl = pl.ds(c * 128, 128)
                g0 = pltpu.async_copy(xh.at[ib], pxbuf.at[csl], sem_g)
                g1 = pltpu.async_copy(yh.at[ib], pybuf.at[csl], sem_g)
                g2 = pltpu.async_copy(ch.at[ib], crows, sem_g)
                g0.wait()
                g1.wait()
                g2.wait()
                pltpu.sync_copy(crows, crh.at[pl.ds(base_m + c * 128, 128)])

            def bfill(t, _):
                sl = pl.ds(t * _LANES, _LANES)
                pbbuf[sl] = bbuf[sl] * whf
                return 0

            lax.fori_loop(0, mpt // _LANES, bfill, 0)

            def kbody(kk, first):
                dx = kk % _WIN - 2
                dy = kk // _WIN - 2
                gathers = []
                for c in range(nchunks):
                    ib = idxbufs[c % 2]

                    def wfill(t, _):
                        ssl = pl.ds(c * 128 + t * _LANES, _LANES)
                        dsl = pl.ds(t * _LANES, _LANES)
                        xv = pxbuf[ssl] + dx
                        yv = pybuf[ssl] + dy
                        valid = ((xv >= 0) & (xv < wf)
                                 & (yv >= 0) & (yv < hf))
                        ib[dsl] = jnp.where(
                            valid, pbbuf[ssl] + xv * hf + yv, zrow)
                        return 0

                    lax.fori_loop(0, 128 // _LANES, wfill, 0)
                    if c == 0 and not first:
                        pltpu.make_async_copy(
                            rows, fh.at[pl.ds(0, mpt)], sem_w).wait()
                    gathers.append(pltpu.async_copy(
                        th.at[ib], rows.at[pl.ds(c * 128, 128)], sem_g))
                for g in gathers:
                    g.wait()
                pltpu.async_copy(
                    rows, fh.at[pl.ds(kk * m + base_m, mpt)], sem_w)

            kbody(0, True)

            def kstep(kk, _):
                kbody(kk, False)
                return 0

            lax.fori_loop(1, _WIN2, kstep, 0)
            pltpu.make_async_copy(rows, fh.at[pl.ds(0, mpt)], sem_w).wait()

        @pl.when(side == 0)
        def _():
            work(t0h, x0h, y0h, ih, c0h, f0h, cr0h)

        @pl.when(side == 1)
        def _():
            work(t1h, x1h, y1h, jh, c1h, f1h, cr1h)

    return gather_kernel(t0, t1, x0, y0, x1, y1, b_ids, i_ids, j_ids,
                         c0f, c1f)


def _tc_merge(f3, cr, w_down, w_merge, b_down, b_merge, interpret=False):
    m, d_c = cr.shape
    d_f = w_down.shape[0]
    wm1 = w_merge[:, :d_f]
    wm2 = w_merge[:, d_f:]
    bd = b_down.reshape(1, d_f)
    bm = b_merge.reshape(1, d_f)
    blk = 128
    grid = m // blk
    hp = lax.Precision.HIGHEST
    cdims = (((1,), (1,)), ((), ()))

    def body(f_ref, c_ref, wd_ref, w1_ref, w2_ref, bd_ref, bm_ref, o_ref):
        d = lax.dot_general(c_ref[...], wd_ref[...], cdims,
                            precision=hp) + bd_ref[...]
        e = lax.dot_general(d, w2_ref[...], cdims, precision=hp) + bm_ref[...]
        for kk in range(_WIN2):
            fo = lax.dot_general(f_ref[kk], w1_ref[...], cdims, precision=hp)
            o_ref[:, kk, :] = fo + e

    return pl.pallas_call(
        body,
        grid=(grid,),
        in_specs=[
            pl.BlockSpec((_WIN2, blk, d_f), lambda g: (0, g, 0)),
            pl.BlockSpec((blk, d_c), lambda g: (g, 0)),
            pl.BlockSpec((d_f, d_c), lambda g: (0, 0)),
            pl.BlockSpec((d_f, d_f), lambda g: (0, 0)),
            pl.BlockSpec((d_f, d_f), lambda g: (0, 0)),
            pl.BlockSpec((1, d_f), lambda g: (0, 0)),
            pl.BlockSpec((1, d_f), lambda g: (0, 0)),
        ],
        out_specs=pl.BlockSpec((blk, _WIN2, d_f), lambda g: (g, 0, 0)),
        out_shape=jax.ShapeDtypeStruct((m, _WIN2, d_f), jnp.float32),
        interpret=interpret,
    )(f3, cr, w_down, wm1, wm2, bd, bm)


def kernel(feat_f0, feat_f1, feat_c0, feat_c1, coord0_f, coord1_f,
           b_ids, i_ids, j_ids, image0, W_down, b_down, W_merge, b_merge):
    n, c_f, hf, wf = feat_f0.shape
    lc = feat_c0.shape[1]
    d_c = feat_c0.shape[2]
    m = b_ids.shape[0]

    zero_row = jnp.zeros((1, c_f), jnp.float32)
    t0 = jnp.concatenate(
        [jnp.transpose(feat_f0, (0, 3, 2, 1)).reshape(n * wf * hf, c_f),
         zero_row], axis=0)
    t1 = jnp.concatenate(
        [jnp.transpose(feat_f1, (0, 3, 2, 1)).reshape(n * wf * hf, c_f),
         zero_row], axis=0)

    coord0 = jnp.round(coord0_f).astype(jnp.int32)
    coord1 = jnp.round(coord1_f).astype(jnp.int32)
    x0 = coord0[..., 0].reshape(n * lc)
    y0 = coord0[..., 1].reshape(n * lc)
    x1 = coord1[..., 0].reshape(n * lc)
    y1 = coord1[..., 1].reshape(n * lc)

    c0f = feat_c0.reshape(n * lc, d_c)
    c1f = feat_c1.reshape(n * lc, d_c)

    f0, f1, cr0, cr1 = _sc_gather(
        t0, t1, x0, y0, x1, y1,
        b_ids.astype(jnp.int32), i_ids.astype(jnp.int32),
        j_ids.astype(jnp.int32), c0f, c1f, lc, wf * hf, hf, wf)

    d_f = W_down.shape[0]
    out0 = _tc_merge(f0.reshape(_WIN2, m, d_f), cr0,
                     W_down, W_merge, b_down, b_merge)
    out1 = _tc_merge(f1.reshape(_WIN2, m, d_f), cr1,
                     W_down, W_merge, b_down, b_merge)
    return (out0, out1)

# --- scband reference (transcript-rebuilt; emitter-appended) ---
"""Pipeline reference for scband-fine-preprocess-36945308680200 (READ-ONLY COPY).

The authoritative reference and input builder live on the scoring server;
editing this copy changes nothing except your own understanding.
"""

import jax, jax.numpy as jnp
import numpy as np

N, C_F, HF, WF = 2, 128, 192, 192
HC, WC = 48, 48
LC, D_C, D_F = HC * WC, 256, 128
M, WIN = 4096, 5


def setup_inputs(seed: int = 0):
    key = jax.random.key(seed)
    ks = jax.random.split(key, 12)
    feat_f0 = jax.random.normal(ks[0], (N, C_F, HF, WF), jnp.float32)
    feat_f1 = jax.random.normal(ks[1], (N, C_F, HF, WF), jnp.float32)
    feat_c0 = jax.random.normal(ks[2], (N, LC, D_C), jnp.float32)
    feat_c1 = jax.random.normal(ks[3], (N, LC, D_C), jnp.float32)
    coord0_f = jax.random.randint(ks[4], (N, HC, WC, 2), 0, 191).astype(jnp.float32)
    coord1_f = jax.random.randint(ks[5], (N, HC, WC, 2), 0, 191).astype(jnp.float32)
    b_ids = jax.random.randint(ks[6], (M,), 0, N)
    i_ids = jax.random.randint(ks[7], (M,), 0, LC)
    j_ids = jax.random.randint(ks[8], (M,), 0, LC)
    image0 = jax.random.normal(ks[9], (N, 1, 384, 384), jnp.float32)
    W_down = jax.random.normal(ks[10], (D_F, D_C), jnp.float32) * 0.05
    b_down = jnp.zeros((D_F,), jnp.float32)
    W_merge = jax.random.normal(ks[11], (D_F, 2 * D_F), jnp.float32) * 0.05
    b_merge = jnp.zeros((D_F,), jnp.float32)
    return {"feat_f0": feat_f0, "feat_f1": feat_f1, "feat_c0": feat_c0, "feat_c1": feat_c1,
            "coord0_f": coord0_f, "coord1_f": coord1_f, "b_ids": b_ids, "i_ids": i_ids,
            "j_ids": j_ids, "image0": image0, "W_down": W_down, "b_down": b_down,
            "W_merge": W_merge, "b_merge": b_merge}


def _unfold_55(feat_pad, b, x, y):
    # feat_pad: [N, W+4, H+4, C]; b, x, y: [N, hw]
    outs = []
    for dy in range(WIN):
        for dx in range(WIN):
            outs.append(feat_pad[b, x + dx, y + dy])
    return jnp.stack(outs, axis=-2)  # [N, hw, 25, C]


def reference(feat_f0, feat_f1, feat_c0, feat_c1, coord0_f, coord1_f, b_ids, i_ids, j_ids, image0, W_down, b_down, W_merge, b_merge):
    n = image0.shape[0]
    coord0 = jnp.round(coord0_f).astype(jnp.int32)
    coord1 = jnp.round(coord1_f).astype(jnp.int32)
    hw0 = coord0.shape[1] * coord0.shape[2]
    hw1 = coord1.shape[1] * coord1.shape[2]
    b0 = jnp.broadcast_to(jnp.arange(n)[:, None], (n, hw0))
    x0 = coord0[..., 0].reshape(n, hw0)
    y0 = coord0[..., 1].reshape(n, hw0)
    b1 = jnp.broadcast_to(jnp.arange(n)[:, None], (n, hw1))
    x1 = coord1[..., 0].reshape(n, hw1)
    y1 = coord1[..., 1].reshape(n, hw1)
    pad0 = jnp.transpose(jnp.pad(feat_f0, ((0, 0), (0, 0), (2, 2), (2, 2))), (0, 3, 2, 1))
    pad1 = jnp.transpose(jnp.pad(feat_f1, ((0, 0), (0, 0), (2, 2), (2, 2))), (0, 3, 2, 1))
    u0 = _unfold_55(pad0, b0, x0, y0)  # [N, hw, 25, C]
    u1 = _unfold_55(pad1, b1, x1, y1)
    f0 = u0[b_ids, i_ids]  # [M, 25, C]
    f1 = u1[b_ids, j_ids]
    c_cat = jnp.concatenate([feat_c0[b_ids, i_ids], feat_c1[b_ids, j_ids]], axis=0)  # [2M, d_c]
    feat_c_win = c_cat @ W_down.T + b_down  # [2M, d_f]
    rep = jnp.broadcast_to(feat_c_win[:, None, :], (feat_c_win.shape[0], WIN * WIN, feat_c_win.shape[1]))
    cat = jnp.concatenate([jnp.concatenate([f0, f1], axis=0), rep], axis=-1)  # [2M, 25, 2*d_f]
    merged = cat @ W_merge.T + b_merge  # [2M, 25, d_f]
    out0, out1 = jnp.split(merged, 2, axis=0)
    return (out0, out1)

if __name__ == "__main__":
    import jax
    _d = setup_inputs()
    print(jax.jit(kernel)(*tuple(_d.values())))

</pallas_src>

<mosaic_0001>
#map = affine_map<(d0, d1) -> (0, 0)>
#map1 = affine_map<(d0, d1) -> (0)>
module attributes {stable_mosaic.version = 14 : i64} {
  func.func @gather_kernel(%arg0: i32, %arg1: i32, %arg2: memref<73729x128xf32, #tpu.memory_space<hbm>>, %arg3: memref<73729x128xf32, #tpu.memory_space<hbm>>, %arg4: memref<4608xi32, #tpu.memory_space<hbm>>, %arg5: memref<4608xi32, #tpu.memory_space<hbm>>, %arg6: memref<4608xi32, #tpu.memory_space<hbm>>, %arg7: memref<4608xi32, #tpu.memory_space<hbm>>, %arg8: memref<4096xi32, #tpu.memory_space<hbm>>, %arg9: memref<4096xi32, #tpu.memory_space<hbm>>, %arg10: memref<4096xi32, #tpu.memory_space<hbm>>, %arg11: memref<4608x256xf32, #tpu.memory_space<hbm>>, %arg12: memref<4608x256xf32, #tpu.memory_space<hbm>>, %arg13: memref<102400x128xf32, #tpu.memory_space<hbm>>, %arg14: memref<102400x128xf32, #tpu.memory_space<hbm>>, %arg15: memref<4096x256xf32, #tpu.memory_space<hbm>>, %arg16: memref<4096x256xf32, #tpu.memory_space<hbm>>, %arg17: memref<256xi32, #tpu.memory_space<vmem>>, %arg18: memref<256xi32, #tpu.memory_space<vmem>>, %arg19: memref<256xi32, #tpu.memory_space<vmem>>, %arg20: memref<256xi32, #tpu.memory_space<vmem>>, %arg21: memref<256xi32, #tpu.memory_space<vmem>>, %arg22: memref<128xi32, #tpu.memory_space<vmem>>, %arg23: memref<128xi32, #tpu.memory_space<vmem>>, %arg24: memref<256x128xf32, #tpu.memory_space<vmem>>, %arg25: memref<128x256xf32, #tpu.memory_space<vmem>>, %arg26: memref<!tpu.dma_semaphore, #tpu.memory_space<semaphore_mem>>, %arg27: memref<!tpu.dma_semaphore, #tpu.memory_space<semaphore_mem>>) attributes {dimension_semantics = [#tpu.dimension_semantics<core_parallel>, #tpu.dimension_semantics<subcore_parallel>], iteration_bounds = array<i64: 2, 16>, scalar_prefetch = 0 : i64, scratch_operands = 11 : i64, tpu.core_type = #tpu.core_type<sc_vector_subcore>, window_params = [{transform_indices = #map}, {transform_indices = #map}, {transform_indices = #map1}, {transform_indices = #map1}, {transform_indices = #map1}, {transform_indices = #map1}, {transform_indices = #map1}, {transform_indices = #map1}, {transform_indices = #map1}, {transform_indices = #map}, {transform_indices = #map}, {transform_indices = #map}, {transform_indices = #map}, {transform_indices = #map}, {transform_indices = #map}]} {
    %mul3A = arith.constant 2 : i32
    %mul3A_0 = arith.muli %arg1, %mul3A : i32
    %add3A = arith.addi %mul3A_0, %arg0 : i32
    %jit3A = arith.constant 16 : i32
    %div3A = arith.divsi %add3A, %jit3A : i32
    %sign3A = arith.constant 0 : i32
    %sign3A_1 = arith.cmpi sgt, %add3A, %sign3A : i32
    %sign3A_2 = arith.extui %sign3A_1 : i1 to i32
    %sign3A_3 = arith.constant 0 : i32
    %sign3A_4 = arith.cmpi slt, %add3A, %sign3A_3 : i32
    %sign3A_5 = arith.extui %sign3A_4 : i1 to i32
    %sign3A_6 = arith.subi %sign3A_2, %sign3A_5 : i32
    %sign3A_7 = arith.constant 0 : i32
    %sign3A_8 = arith.cmpi sgt, %jit3A, %sign3A_7 : i32
    %sign3A_9 = arith.extui %sign3A_8 : i1 to i32
    %sign3A_10 = arith.constant 0 : i32
    %sign3A_11 = arith.cmpi slt, %jit3A, %sign3A_10 : i32
    %sign3A_12 = arith.extui %sign3A_11 : i1 to i32
    %sign3A_13 = arith.subi %sign3A_9, %sign3A_12 : i32
    %ne3A = arith.cmpi ne, %sign3A_6, %sign3A_13 : i32
    %rem3A = arith.remsi %add3A, %jit3A : i32
    %ne3A_14 = arith.constant 0 : i32
    %ne3A_15 = arith.cmpi ne, %rem3A, %ne3A_14 : i32
    %and3A = arith.andi %ne3A, %ne3A_15 : i1
    %sub3A = arith.constant 1 : i32
    %sub3A_16 = arith.subi %div3A, %sub3A : i32
    %select_n3A = arith.select %and3A, %sub3A_16, %div3A : i32
    %jit3A_17 = arith.constant 16 : i32
    %eq3A = arith.constant 0 : i32
    %eq3A_18 = arith.cmpi eq, %jit3A_17, %eq3A : i32
    %jit3A_19 = arith.constant 1 : i32
    %select_n3A_20 = arith.select %eq3A_18, %jit3A_19, %jit3A_17 : i32
    %rem3A_21 = arith.remsi %add3A, %select_n3A_20 : i32
    %ne3A_22 = arith.constant 0 : i32
    %ne3A_23 = arith.cmpi ne, %rem3A_21, %ne3A_22 : i32
    %lt3A = arith.constant 0 : i32
    %lt3A_24 = arith.cmpi slt, %rem3A_21, %lt3A : i32
    %lt3A_25 = arith.constant 0 : i32
    %lt3A_26 = arith.cmpi slt, %select_n3A_20, %lt3A_25 : i32
    %ne3A_27 = arith.xori %lt3A_24, %lt3A_26 : i1
    %and3A_28 = arith.andi %ne3A_27, %ne3A_23 : i1
    %add3A_29 = arith.addi %rem3A_21, %select_n3A_20 : i32
    %select_n3A_30 = arith.select %and3A_28, %add3A_29, %rem3A_21 : i32
    %mul3A_31 = arith.constant 256 : i32
    %mul3A_32 = arith.muli %select_n3A_30, %mul3A_31 : i32
    %eq3A_33 = arith.constant 0 : i32
    %eq3A_34 = arith.cmpi eq, %select_n3A, %eq3A_33 : i32
    %convert_element_type3A = arith.extui %eq3A_34 : i1 to i32
    %cond3A = arith.constant 0 : i32
    %cond3A_35 = arith.cmpi ne, %convert_element_type3A, %cond3A : i32
    scf.if %cond3A_35 {
      "tpu.region"() ({
        %run_scoped3A = tpu.sem_alloc : memref<!tpu.dma_semaphore, #tpu.memory_space<semaphore_mem>>
        %dma_start3A_164 = tpu.memref_slice %arg8[%mul3A_32] : memref<4096xi32, #tpu.memory_space<hbm>> -> memref<256xi32, #tpu.memory_space<hbm>>
        %dma_start3A_165 = tpu.memref_slice %arg8[%mul3A_32] : memref<4096xi32, #tpu.memory_space<hbm>> -> memref<256xi32, #tpu.memory_space<hbm>>
        tpu.enqueue_dma source(%dma_start3A_165 : memref<256xi32, #tpu.memory_space<hbm>>) target(%arg17 : memref<256xi32, #tpu.memory_space<vmem>>) target_semaphore(%run_scoped3A : memref<!tpu.dma_semaphore, #tpu.memory_space<semaphore_mem>>)
        %dma_wait3A_166 = tpu.memref_slice %arg8[%mul3A_32] : memref<4096xi32, #tpu.memory_space<hbm>> -> memref<256xi32, #tpu.memory_space<hbm>>
        %dma_wait3A_167 = tpu.memref_slice %arg8[%mul3A_32] : memref<4096xi32, #tpu.memory_space<hbm>> -> memref<256xi32, #tpu.memory_space<hbm>>
        tpu.wait_dma2 semaphore(%run_scoped3A : memref<!tpu.dma_semaphore, #tpu.memory_space<semaphore_mem>>) src(%dma_wait3A_167 : memref<256xi32, #tpu.memory_space<hbm>>) dst(%arg17 : memref<256xi32, #tpu.memory_space<vmem>>)
        tpu.yield
      }) : () -> ()
      "tpu.region"() ({
        %run_scoped3A = tpu.sem_alloc : memref<!tpu.dma_semaphore, #tpu.memory_space<semaphore_mem>>
        %dma_start3A_164 = tpu.memref_slice %arg9[%mul3A_32] : memref<4096xi32, #tpu.memory_space<hbm>> -> memref<256xi32, #tpu.memory_space<hbm>>
        %dma_start3A_165 = tpu.memref_slice %arg9[%mul3A_32] : memref<4096xi32, #tpu.memory_space<hbm>> -> memref<256xi32, #tpu.memory_space<hbm>>
        tpu.enqueue_dma source(%dma_start3A_165 : memref<256xi32, #tpu.memory_space<hbm>>) target(%arg18 : memref<256xi32, #tpu.memory_space<vmem>>) target_semaphore(%run_scoped3A : memref<!tpu.dma_semaphore, #tpu.memory_space<semaphore_mem>>)
        %dma_wait3A_166 = tpu.memref_slice %arg9[%mul3A_32] : memref<4096xi32, #tpu.memory_space<hbm>> -> memref<256xi32, #tpu.memory_space<hbm>>
        %dma_wait3A_167 = tpu.memref_slice %arg9[%mul3A_32] : memref<4096xi32, #tpu.memory_space<hbm>> -> memref<256xi32, #tpu.memory_space<hbm>>
        tpu.wait_dma2 semaphore(%run_scoped3A : memref<!tpu.dma_semaphore, #tpu.memory_space<semaphore_mem>>) src(%dma_wait3A_167 : memref<256xi32, #tpu.memory_space<hbm>>) dst(%arg18 : memref<256xi32, #tpu.memory_space<vmem>>)
        tpu.yield
      }) : () -> ()
      %scan3A = arith.constant 0 : i32
      %scan3A_41 = arith.constant 0 : i32
      %scan3A_42 = arith.constant 8 : i32
      %scan3A_43 = arith.addi %scan3A_41, %scan3A_42 : i32
      %scan3A_44 = arith.constant 1 : i32
      %scan3A_45 = scf.for %scan3A_164 = %scan3A_41 to %scan3A_43 step %scan3A_44 iter_args(%scan3A_165 = %scan3A) -> (i32)  : i32 {
        %mul3A_166 = arith.constant 16 : i32
        %mul3A_167 = arith.muli %scan3A_164, %mul3A_166 : i32
        %add3A_168 = arith.constant 0 : i32
        %add3A_169 = arith.addi %add3A_168, %mul3A_167 : i32
        %mul3A_170 = arith.constant 16 : i32
        %mul3A_171 = arith.muli %scan3A_164, %mul3A_170 : i32
        %get3A = arith.index_cast %add3A_169 : i32 to index
        %get3A_172 = tpu.vector_load %arg17[%get3A] {strides = array<i32>} : memref<256xi32, #tpu.memory_space<vmem>>, vector<16xi32>,
        %get3A_173 = vector.shape_cast %get3A_172 : vector<16xi32> to vector<16xi32>
        %mul3A_174 = arith.constant 2304 : i32
        %mul3A_175 = vector.broadcast %mul3A_174 : i32 to vector<16xi32>
        %mul3A_176 = arith.muli %get3A_173, %mul3A_175 : vector<16xi32>
        %get3A_177 = arith.index_cast %add3A_169 : i32 to index
        %get3A_178 = tpu.vector_load %arg18[%get3A_177] {strides = array<i32>} : memref<256xi32, #tpu.memory_space<vmem>>, vector<16xi32>,
        %get3A_179 = vector.shape_cast %get3A_178 : vector<16xi32> to vector<16xi32>
        %add3A_180 = arith.addi %mul3A_176, %get3A_179 : vector<16xi32>
        %swap3A = arith.index_cast %mul3A_171 : i32 to index
        %swap3A_181 = tpu.vector_load %arg22[%swap3A] {strides = array<i32>} : memref<128xi32, #tpu.memory_space<vmem>>, vector<16xi32>,
        %swap3A_182 = vector.shape_cast %swap3A_181 : vector<16xi32> to vector<16xi32>
        %swap3A_183 = vector.shape_cast %add3A_180 : vector<16xi32> to vector<16xi32>
        tpu.vector_store %arg22[%swap3A], %swap3A_183 {strides = array<i32>} : memref<128xi32, #tpu.memory_space<vmem>>, vector<16xi32>,
        %scan3A_184 = arith.constant 0 : i32
        scf.yield %scan3A_184 : i32
      }
      %scan3A_46 = arith.constant 8 : i32
      %dma_start3A = arith.constant 0 : i32
      %dma_start3A_47 = tpu.memref_slice %arg19[%dma_start3A] : memref<256xi32, #tpu.memory_space<vmem>> -> memref<128xi32, #tpu.memory_space<vmem>>
      %dma_start3A_48 = arith.constant 0 : i32
      %dma_start3A_49 = tpu.memref_slice %arg4[%dma_start3A_48] : memref<4608xi32, #tpu.memory_space<hbm>> -> memref<4608xi32, #tpu.memory_space<hbm>>
      tpu.enqueue_indirect_dma source(%dma_start3A_49 : memref<4608xi32, #tpu.memory_space<hbm>>) target(%dma_start3A_47 : memref<128xi32, #tpu.memory_space<vmem>>) offsets(%arg22 : memref<128xi32, #tpu.memory_space<vmem>>) semaphore(%arg26 : memref<!tpu.dma_semaphore, #tpu.memory_space<semaphore_mem>>)
      %dma_start3A_50 = arith.constant 0 : i32
      %dma_start3A_51 = tpu.memref_slice %arg20[%dma_start3A_50] : memref<256xi32, #tpu.memory_space<vmem>> -> memref<128xi32, #tpu.memory_space<vmem>>
      %dma_start3A_52 = arith.constant 0 : i32
      %dma_start3A_53 = tpu.memref_slice %arg5[%dma_start3A_52] : memref<4608xi32, #tpu.memory_space<hbm>> -> memref<4608xi32, #tpu.memory_space<hbm>>
      tpu.enqueue_indirect_dma source(%dma_start3A_53 : memref<4608xi32, #tpu.memory_space<hbm>>) target(%dma_start3A_51 : memref<128xi32, #tpu.memory_space<vmem>>) offsets(%arg22 : memref<128xi32, #tpu.memory_space<vmem>>) semaphore(%arg26 : memref<!tpu.dma_semaphore, #tpu.memory_space<semaphore_mem>>)
      %dma_start3A_54 = arith.constant 0 : i32
      %dma_start3A_55 = arith.constant 0 : i32
      %dma_start3A_56 = tpu.memref_slice %arg11[%dma_start3A_54, %dma_start3A_55] : memref<4608x256xf32, #tpu.memory_space<hbm>> -> memref<4608x256xf32, #tpu.memory_space<hbm>>
      tpu.enqueue_indirect_dma source(%dma_start3A_56 : memref<4608x256xf32, #tpu.memory_space<hbm>>) target(%arg25 : memref<128x256xf32, #tpu.memory_space<vmem>>) offsets(%arg22 : memref<128xi32, #tpu.memory_space<vmem>>) semaphore(%arg26 : memref<!tpu.dma_semaphore, #tpu.memory_space<semaphore_mem>>)
      %dma_wait3A = arith.constant 0 : i32
      %dma_wait3A_57 = tpu.memref_slice %arg19[%dma_wait3A] : memref<256xi32, #tpu.memory_space<vmem>> -> memref<128xi32, #tpu.memory_space<vmem>>
      %dma_wait3A_58 = arith.constant 0 : i32
      %dma_wait3A_59 = tpu.memref_slice %arg4[%dma_wait3A_58] : memref<4608xi32, #tpu.memory_space<hbm>> -> memref<4608xi32, #tpu.memory_space<hbm>>
      tpu.wait_indirect_dma semaphore(%arg26 : memref<!tpu.dma_semaphore, #tpu.memory_space<semaphore_mem>>) src(%dma_wait3A_59 : memref<4608xi32, #tpu.memory_space<hbm>>) dst(%dma_wait3A_57 : memref<128xi32, #tpu.memory_space<vmem>>)
      %dma_wait3A_60 = arith.constant 0 : i32
      %dma_wait3A_61 = tpu.memref_slice %arg20[%dma_wait3A_60] : memref<256xi32, #tpu.memory_space<vmem>> -> memref<128xi32, #tpu.memory_space<vmem>>
      %dma_wait3A_62 = arith.constant 0 : i32
      %dma_wait3A_63 = tpu.memref_slice %arg5[%dma_wait3A_62] : memref<4608xi32, #tpu.memory_space<hbm>> -> memref<4608xi32, #tpu.memory_space<hbm>>
      tpu.wait_indirect_dma semaphore(%arg26 : memref<!tpu.dma_semaphore, #tpu.memory_space<semaphore_mem>>) src(%dma_wait3A_63 : memref<4608xi32, #tpu.memory_space<hbm>>) dst(%dma_wait3A_61 : memref<128xi32, #tpu.memory_space<vmem>>)
      %dma_wait3A_64 = arith.constant 0 : i32
      %dma_wait3A_65 = arith.constant 0 : i32
      %dma_wait3A_66 = tpu.memref_slice %arg11[%dma_wait3A_64, %dma_wait3A_65] : memref<4608x256xf32, #tpu.memory_space<hbm>> -> memref<4608x256xf32, #tpu.memory_space<hbm>>
      tpu.wait_indirect_dma semaphore(%arg26 : memref<!tpu.dma_semaphore, #tpu.memory_space<semaphore_mem>>) src(%dma_wait3A_66 : memref<4608x256xf32, #tpu.memory_space<hbm>>) dst(%arg25 : memref<128x256xf32, #tpu.memory_space<vmem>>)
      %add3A_67 = arith.constant 0 : i32
      %add3A_68 = arith.addi %mul3A_32, %add3A_67 : i32
      "tpu.region"() ({
        %run_scoped3A = tpu.sem_alloc : memref<!tpu.dma_semaphore, #tpu.memory_space<semaphore_mem>>
        %dma_start3A_164 = arith.constant 0 : i32
        %dma_start3A_165 = tpu.memref_slice %arg15[%add3A_68, %dma_start3A_164] : memref<4096x256xf32, #tpu.memory_space<hbm>> -> memref<128x256xf32, #tpu.memory_space<hbm>>
        %dma_start3A_166 = arith.constant 0 : i32
        %dma_start3A_167 = tpu.memref_slice %arg15[%add3A_68, %dma_start3A_166] : memref<4096x256xf32, #tpu.memory_space<hbm>> -> memref<128x256xf32, #tpu.memory_space<hbm>>
        tpu.enqueue_dma source(%arg25 : memref<128x256xf32, #tpu.memory_space<vmem>>) target(%dma_start3A_167 : memref<128x256xf32, #tpu.memory_space<hbm>>) target_semaphore(%run_scoped3A : memref<!tpu.dma_semaphore, #tpu.memory_space<semaphore_mem>>)
        %dma_wait3A_168 = arith.constant 0 : i32
        %dma_wait3A_169 = tpu.memref_slice %arg15[%add3A_68, %dma_wait3A_168] : memref<4096x256xf32, #tpu.memory_space<hbm>> -> memref<128x256xf32, #tpu.memory_space<hbm>>
        %dma_wait3A_170 = arith.constant 0 : i32
        %dma_wait3A_171 = tpu.memref_slice %arg15[%add3A_68, %dma_wait3A_170] : memref<4096x256xf32, #tpu.memory_space<hbm>> -> memref<128x256xf32, #tpu.memory_space<hbm>>
        tpu.wait_dma2 semaphore(%run_scoped3A : memref<!tpu.dma_semaphore, #tpu.memory_space<semaphore_mem>>) src(%arg25 : memref<128x256xf32, #tpu.memory_space<vmem>>) dst(%dma_wait3A_171 : memref<128x256xf32, #tpu.memory_space<hbm>>)
        tpu.yield
      }) : () -> ()
      %scan3A_69 = arith.constant 0 : i32
      %scan3A_70 = arith.constant 0 : i32
      %scan3A_71 = arith.constant 8 : i32
      %scan3A_72 = arith.addi %scan3A_70, %scan3A_71 : i32
      %scan3A_73 = arith.constant 1 : i32
      %scan3A_74 = scf.for %scan3A_164 = %scan3A_70 to %scan3A_72 step %scan3A_73 iter_args(%scan3A_165 = %scan3A_69) -> (i32)  : i32 {
        %mul3A_166 = arith.constant 16 : i32
        %mul3A_167 = arith.muli %scan3A_164, %mul3A_166 : i32
        %add3A_168 = arith.constant 128 : i32
        %add3A_169 = arith.addi %add3A_168, %mul3A_167 : i32
        %mul3A_170 = arith.constant 16 : i32
        %mul3A_171 = arith.muli %scan3A_164, %mul3A_170 : i32
        %get3A = arith.index_cast %add3A_169 : i32 to index
        %get3A_172 = tpu.vector_load %arg17[%get3A] {strides = array<i32>} : memref<256xi32, #tpu.memory_space<vmem>>, vector<16xi32>,
        %get3A_173 = vector.shape_cast %get3A_172 : vector<16xi32> to vector<16xi32>
        %mul3A_174 = arith.constant 2304 : i32
        %mul3A_175 = vector.broadcast %mul3A_174 : i32 to vector<16xi32>
        %mul3A_176 = arith.muli %get3A_173, %mul3A_175 : vector<16xi32>
        %get3A_177 = arith.index_cast %add3A_169 : i32 to index
        %get3A_178 = tpu.vector_load %arg18[%get3A_177] {strides = array<i32>} : memref<256xi32, #tpu.memory_space<vmem>>, vector<16xi32>,
        %get3A_179 = vector.shape_cast %get3A_178 : vector<16xi32> to vector<16xi32>
        %add3A_180 = arith.addi %mul3A_176, %get3A_179 : vector<16xi32>
        %swap3A = arith.index_cast %mul3A_171 : i32 to index
        %swap3A_181 = tpu.vector_load %arg23[%swap3A] {strides = array<i32>} : memref<128xi32, #tpu.memory_space<vmem>>, vector<16xi32>,
        %swap3A_182 = vector.shape_cast %swap3A_181 : vector<16xi32> to vector<16xi32>
        %swap3A_183 = vector.shape_cast %add3A_180 : vector<16xi32> to vector<16xi32>
        tpu.vector_store %arg23[%swap3A], %swap3A_183 {strides = array<i32>} : memref<128xi32, #tpu.memory_space<vmem>>, vector<16xi32>,
        %scan3A_184 = arith.constant 0 : i32
        scf.yield %scan3A_184 : i32
      }
      %scan3A_75 = arith.constant 8 : i32
      %dma_start3A_76 = arith.constant 128 : i32
      %dma_start3A_77 = tpu.memref_slice %arg19[%dma_start3A_76] : memref<256xi32, #tpu.memory_space<vmem>> -> memref<128xi32, #tpu.memory_space<vmem>>
      %dma_start3A_78 = arith.constant 0 : i32
      %dma_start3A_79 = tpu.memref_slice %arg4[%dma_start3A_78] : memref<4608xi32, #tpu.memory_space<hbm>> -> memref<4608xi32, #tpu.memory_space<hbm>>
      tpu.enqueue_indirect_dma source(%dma_start3A_79 : memref<4608xi32, #tpu.memory_space<hbm>>) target(%dma_start3A_77 : memref<128xi32, #tpu.memory_space<vmem>>) offsets(%arg23 : memref<128xi32, #tpu.memory_space<vmem>>) semaphore(%arg26 : memref<!tpu.dma_semaphore, #tpu.memory_space<semaphore_mem>>)
      %dma_start3A_80 = arith.constant 128 : i32
      %dma_start3A_81 = tpu.memref_slice %arg20[%dma_start3A_80] : memref<256xi32, #tpu.memory_space<vmem>> -> memref<128xi32, #tpu.memory_space<vmem>>
      %dma_start3A_82 = arith.constant 0 : i32
      %dma_start3A_83 = tpu.memref_slice %arg5[%dma_start3A_82] : memref<4608xi32, #tpu.memory_space<hbm>> -> memref<4608xi32, #tpu.memory_space<hbm>>
      tpu.enqueue_indirect_dma source(%dma_start3A_83 : memref<4608xi32, #tpu.memory_space<hbm>>) target(%dma_start3A_81 : memref<128xi32, #tpu.memory_space<vmem>>) offsets(%arg23 : memref<128xi32, #tpu.memory_space<vmem>>) semaphore(%arg26 : memref<!tpu.dma_semaphore, #tpu.memory_space<semaphore_mem>>)
      %dma_start3A_84 = arith.constant 0 : i32
      %dma_start3A_85 = arith.constant 0 : i32
      %dma_start3A_86 = tpu.memref_slice %arg11[%dma_start3A_84, %dma_start3A_85] : memref<4608x256xf32, #tpu.memory_space<hbm>> -> memref<4608x256xf32, #tpu.memory_space<hbm>>
      tpu.enqueue_indirect_dma source(%dma_start3A_86 : memref<4608x256xf32, #tpu.memory_space<hbm>>) target(%arg25 : memref<128x256xf32, #tpu.memory_space<vmem>>) offsets(%arg23 : memref<128xi32, #tpu.memory_space<vmem>>) semaphore(%arg26 : memref<!tpu.dma_semaphore, #tpu.memory_space<semaphore_mem>>)
      %dma_wait3A_87 = arith.constant 128 : i32
      %dma_wait3A_88 = tpu.memref_slice %arg19[%dma_wait3A_87] : memref<256xi32, #tpu.memory_space<vmem>> -> memref<128xi32, #tpu.memory_space<vmem>>
      %dma_wait3A_89 = arith.constant 0 : i32
      %dma_wait3A_90 = tpu.memref_slice %arg4[%dma_wait3A_89] : memref<4608xi32, #tpu.memory_space<hbm>> -> memref<4608xi32, #tpu.memory_space<hbm>>
      tpu.wait_indirect_dma semaphore(%arg26 : memref<!tpu.dma_semaphore, #tpu.memory_space<semaphore_mem>>) src(%dma_wait3A_90 : memref<4608xi32, #tpu.memory_space<hbm>>) dst(%dma_wait3A_88 : memref<128xi32, #tpu.memory_space<vmem>>)
      %dma_wait3A_91 = arith.constant 128 : i32
      %dma_wait3A_92 = tpu.memref_slice %arg20[%dma_wait3A_91] : memref<256xi32, #tpu.memory_space<vmem>> -> memref<128xi32, #tpu.memory_space<vmem>>
      %dma_wait3A_93 = arith.constant 0 : i32
      %dma_wait3A_94 = tpu.memref_slice %arg5[%dma_wait3A_93] : memref<4608xi32, #tpu.memory_space<hbm>> -> memref<4608xi32, #tpu.memory_space<hbm>>
      tpu.wait_indirect_dma semaphore(%arg26 : memref<!tpu.dma_semaphore, #tpu.memory_space<semaphore_mem>>) src(%dma_wait3A_94 : memref<4608xi32, #tpu.memory_space<hbm>>) dst(%dma_wait3A_92 : memref<128xi32, #tpu.memory_space<vmem>>)
      %dma_wait3A_95 = arith.constant 0 : i32
      %dma_wait3A_96 = arith.constant 0 : i32
      %dma_wait3A_97 = tpu.memref_slice %arg11[%dma_wait3A_95, %dma_wait3A_96] : memref<4608x256xf32, #tpu.memory_space<hbm>> -> memref<4608x256xf32, #tpu.memory_space<hbm>>
      tpu.wait_indirect_dma semaphore(%arg26 : memref<!tpu.dma_semaphore, #tpu.memory_space<semaphore_mem>>) src(%dma_wait3A_97 : memref<4608x256xf32, #tpu.memory_space<hbm>>) dst(%arg25 : memref<128x256xf32, #tpu.memory_space<vmem>>)
      %add3A_98 = arith.constant 128 : i32
      %add3A_99 = arith.addi %mul3A_32, %add3A_98 : i32
      "tpu.region"() ({
        %run_scoped3A = tpu.sem_alloc : memref<!tpu.dma_semaphore, #tpu.memory_space<semaphore_mem>>
        %dma_start3A_164 = arith.constant 0 : i32
        %dma_start3A_165 = tpu.memref_slice %arg15[%add3A_99, %dma_start3A_164] : memref<4096x256xf32, #tpu.memory_space<hbm>> -> memref<128x256xf32, #tpu.memory_space<hbm>>
        %dma_start3A_166 = arith.constant 0 : i32
        %dma_start3A_167 = tpu.memref_slice %arg15[%add3A_99, %dma_start3A_166] : memref<4096x256xf32, #tpu.memory_space<hbm>> -> memref<128x256xf32, #tpu.memory_space<hbm>>
        tpu.enqueue_dma source(%arg25 : memref<128x256xf32, #tpu.memory_space<vmem>>) target(%dma_start3A_167 : memref<128x256xf32, #tpu.memory_space<hbm>>) target_semaphore(%run_scoped3A : memref<!tpu.dma_semaphore, #tpu.memory_space<semaphore_mem>>)
        %dma_wait3A_168 = arith.constant 0 : i32
        %dma_wait3A_169 = tpu.memref_slice %arg15[%add3A_99, %dma_wait3A_168] : memref<4096x256xf32, #tpu.memory_space<hbm>> -> memref<128x256xf32, #tpu.memory_space<hbm>>
        %dma_wait3A_170 = arith.constant 0 : i32
        %dma_wait3A_171 = tpu.memref_slice %arg15[%add3A_99, %dma_wait3A_170] : memref<4096x256xf32, #tpu.memory_space<hbm>> -> memref<128x256xf32, #tpu.memory_space<hbm>>
        tpu.wait_dma2 semaphore(%run_scoped3A : memref<!tpu.dma_semaphore, #tpu.memory_space<semaphore_mem>>) src(%arg25 : memref<128x256xf32, #tpu.memory_space<vmem>>) dst(%dma_wait3A_171 : memref<128x256xf32, #tpu.memory_space<hbm>>)
        tpu.yield
      }) : () -> ()
      %scan3A_100 = arith.constant 0 : i32
      %scan3A_101 = arith.constant 0 : i32
      %scan3A_102 = arith.constant 16 : i32
      %scan3A_103 = arith.addi %scan3A_101, %scan3A_102 : i32
      %scan3A_104 = arith.constant 1 : i32
      %scan3A_105 = scf.for %scan3A_164 = %scan3A_101 to %scan3A_103 step %scan3A_104 iter_args(%scan3A_165 = %scan3A_100) -> (i32)  : i32 {
        %mul3A_166 = arith.constant 16 : i32
        %mul3A_167 = arith.muli %scan3A_164, %mul3A_166 : i32
        %get3A = arith.index_cast %mul3A_167 : i32 to index
        %get3A_168 = tpu.vector_load %arg17[%get3A] {strides = array<i32>} : memref<256xi32, #tpu.memory_space<vmem>>, vector<16xi32>,
        %get3A_169 = vector.shape_cast %get3A_168 : vector<16xi32> to vector<16xi32>
        %mul3A_170 = arith.constant 36864 : i32
        %mul3A_171 = vector.broadcast %mul3A_170 : i32 to vector<16xi32>
        %mul3A_172 = arith.muli %get3A_169, %mul3A_171 : vector<16xi32>
        %swap3A = arith.index_cast %mul3A_167 : i32 to index
        %swap3A_173 = tpu.vector_load %arg21[%swap3A] {strides = array<i32>} : memref<256xi32, #tpu.memory_space<vmem>>, vector<16xi32>,
        %swap3A_174 = vector.shape_cast %swap3A_173 : vector<16xi32> to vector<16xi32>
        %swap3A_175 = vector.shape_cast %mul3A_172 : vector<16xi32> to vector<16xi32>
        tpu.vector_store %arg21[%swap3A], %swap3A_175 {strides = array<i32>} : memref<256xi32, #tpu.memory_space<vmem>>, vector<16xi32>,
        %scan3A_176 = arith.constant 0 : i32
        scf.yield %scan3A_176 : i32
      }
      %scan3A_106 = arith.constant 16 : i32
      %scan3A_107 = arith.constant 0 : i32
      %scan3A_108 = arith.constant 0 : i32
      %scan3A_109 = arith.constant 8 : i32
      %scan3A_110 = arith.addi %scan3A_108, %scan3A_109 : i32
      %scan3A_111 = arith.constant 1 : i32
      %scan3A_112 = scf.for %scan3A_164 = %scan3A_108 to %scan3A_110 step %scan3A_111 iter_args(%scan3A_165 = %scan3A_107) -> (i32)  : i32 {
        %mul3A_166 = arith.constant 16 : i32
        %mul3A_167 = arith.muli %scan3A_164, %mul3A_166 : i32
        %add3A_168 = arith.constant 0 : i32
        %add3A_169 = arith.addi %add3A_168, %mul3A_167 : i32
        %mul3A_170 = arith.constant 16 : i32
        %mul3A_171 = arith.muli %scan3A_164, %mul3A_170 : i32
        %get3A = arith.index_cast %add3A_169 : i32 to index
        %get3A_172 = tpu.vector_load %arg19[%get3A] {strides = array<i32>} : memref<256xi32, #tpu.memory_space<vmem>>, vector<16xi32>,
        %get3A_173 = vector.shape_cast %get3A_172 : vector<16xi32> to vector<16xi32>
        %add3A_174 = arith.constant -2 : i32
        %add3A_175 = vector.broadcast %add3A_174 : i32 to vector<16xi32>
        %add3A_176 = arith.addi %get3A_173, %add3A_175 : vector<16xi32>
        %get3A_177 = arith.index_cast %add3A_169 : i32 to index
        %get3A_178 = tpu.vector_load %arg20[%get3A_177] {strides = array<i32>} : memref<256xi32, #tpu.memory_space<vmem>>, vector<16xi32>,
        %get3A_179 = vector.shape_cast %get3A_178 : vector<16xi32> to vector<16xi32>
        %add3A_180 = arith.constant -2 : i32
        %add3A_181 = vector.broadcast %add3A_180 : i32 to vector<16xi32>
        %add3A_182 = arith.addi %get3A_179, %add3A_181 : vector<16xi32>
        %ge3A = arith.constant 0 : i32
        %ge3A_183 = vector.broadcast %ge3A : i32 to vector<16xi32>
        %ge3A_184 = arith.cmpi sge, %add3A_176, %ge3A_183 : vector<16xi32>
        %lt3A_185 = arith.constant 192 : i32
        %lt3A_186 = vector.broadcast %lt3A_185 : i32 to vector<16xi32>
        %lt3A_187 = arith.cmpi slt, %add3A_176, %lt3A_186 : vector<16xi32>
        %and3A_188 = arith.andi %ge3A_184, %lt3A_187 : vector<16xi1>
        %ge3A_189 = arith.constant 0 : i32
        %ge3A_190 = vector.broadcast %ge3A_189 : i32 to vector<16xi32>
        %ge3A_191 = arith.cmpi sge, %add3A_182, %ge3A_190 : vector<16xi32>
        %and3A_192 = arith.andi %and3A_188, %ge3A_191 : vector<16xi1>
        %lt3A_193 = arith.constant 192 : i32
        %lt3A_194 = vector.broadcast %lt3A_193 : i32 to vector<16xi32>
        %lt3A_195 = arith.cmpi slt, %add3A_182, %lt3A_194 : vector<16xi32>
        %and3A_196 = arith.andi %and3A_192, %lt3A_195 : vector<16xi1>
        %get3A_197 = arith.index_cast %add3A_169 : i32 to index
        %get3A_198 = tpu.vector_load %arg21[%get3A_197] {strides = array<i32>} : memref<256xi32, #tpu.memory_space<vmem>>, vector<16xi32>,
        %get3A_199 = vector.shape_cast %get3A_198 : vector<16xi32> to vector<16xi32>
        %mul3A_200 = arith.constant 192 : i32
        %mul3A_201 = vector.broadcast %mul3A_200 : i32 to vector<16xi32>
        %mul3A_202 = arith.muli %add3A_176, %mul3A_201 : vector<16xi32>
        %add3A_203 = arith.addi %get3A_199, %mul3A_202 : vector<16xi32>
        %add3A_204 = arith.addi %add3A_203, %add3A_182 : vector<16xi32>
        %jit3A_205 = arith.constant 73728 : i32
        %broadcast_in_dim3A = vector.broadcast %jit3A_205 : i32 to vector<16xi32>
        %select_n3A_206 = arith.select %and3A_196, %add3A_204, %broadcast_in_dim3A : vector<16xi1>, vector<16xi32>
        %swap3A = arith.index_cast %mul3A_171 : i32 to index
        %swap3A_207 = tpu.vector_load %arg22[%swap3A] {strides = array<i32>} : memref<128xi32, #tpu.memory_space<vmem>>, vector<16xi32>,
        %swap3A_208 = vector.shape_cast %swap3A_207 : vector<16xi32> to vector<16xi32>
        %swap3A_209 = vector.shape_cast %select_n3A_206 : vector<16xi32> to vector<16xi32>
        tpu.vector_store %arg22[%swap3A], %swap3A_209 {strides = array<i32>} : memref<128xi32, #tpu.memory_space<vmem>>, vector<16xi32>,
        %scan3A_210 = arith.constant 0 : i32
        scf.yield %scan3A_210 : i32
      }
      %scan3A_113 = arith.constant 8 : i32
      %dma_start3A_114 = arith.constant 0 : i32
      %dma_start3A_115 = arith.constant 0 : i32
      %dma_start3A_116 = tpu.memref_slice %arg24[%dma_start3A_114, %dma_start3A_115] : memref<256x128xf32, #tpu.memory_space<vmem>> -> memref<128x128xf32, #tpu.memory_space<vmem>>
      %dma_start3A_117 = arith.constant 0 : i32
      %dma_start3A_118 = arith.constant 0 : i32
      %dma_start3A_119 = tpu.memref_slice %arg2[%dma_start3A_117, %dma_start3A_118] : memref<73729x128xf32, #tpu.memory_space<hbm>> -> memref<73729x128xf32, #tpu.memory_space<hbm>>
      tpu.enqueue_indirect_dma source(%dma_start3A_119 : memref<73729x128xf32, #tpu.memory_space<hbm>>) target(%dma_start3A_116 : memref<128x128xf32, #tpu.memory_space<vmem>>) offsets(%arg22 : memref<128xi32, #tpu.memory_space<vmem>>) semaphore(%arg26 : memref<!tpu.dma_semaphore, #tpu.memory_space<semaphore_mem>>)
      %scan3A_120 = arith.constant 0 : i32
      %scan3A_121 = arith.constant 0 : i32
      %scan3A_122 = arith.constant 8 : i32
      %scan3A_123 = arith.addi %scan3A_121, %scan3A_122 : i32
      %scan3A_124 = arith.constant 1 : i32
      %scan3A_125 = scf.for %scan3A_164 = %scan3A_121 to %scan3A_123 step %scan3A_124 iter_args(%scan3A_165 = %scan3A_120) -> (i32)  : i32 {
        %mul3A_166 = arith.constant 16 : i32
        %mul3A_167 = arith.muli %scan3A_164, %mul3A_166 : i32
        %add3A_168 = arith.constant 128 : i32
        %add3A_169 = arith.addi %add3A_168, %mul3A_167 : i32
        %mul3A_170 = arith.constant 16 : i32
        %mul3A_171 = arith.muli %scan3A_164, %mul3A_170 : i32
        %get3A = arith.index_cast %add3A_169 : i32 to index
        %get3A_172 = tpu.vector_load %arg19[%get3A] {strides = array<i32>} : memref<256xi32, #tpu.memory_space<vmem>>, vector<16xi32>,
        %get3A_173 = vector.shape_cast %get3A_172 : vector<16xi32> to vector<16xi32>
        %add3A_174 = arith.constant -2 : i32
        %add3A_175 = vector.broadcast %add3A_174 : i32 to vector<16xi32>
        %add3A_176 = arith.addi %get3A_173, %add3A_175 : vector<16xi32>
        %get3A_177 = arith.index_cast %add3A_169 : i32 to index
        %get3A_178 = tpu.vector_load %arg20[%get3A_177] {strides = array<i32>} : memref<256xi32, #tpu.memory_space<vmem>>, vector<16xi32>,
        %get3A_179 = vector.shape_cast %get3A_178 : vector<16xi32> to vector<16xi32>
        %add3A_180 = arith.constant -2 : i32
        %add3A_181 = vector.broadcast %add3A_180 : i32 to vector<16xi32>
        %add3A_182 = arith.addi %get3A_179, %add3A_181 : vector<16xi32>
        %ge3A = arith.constant 0 : i32
        %ge3A_183 = vector.broadcast %ge3A : i32 to vector<16xi32>
        %ge3A_184 = arith.cmpi sge, %add3A_176, %ge3A_183 : vector<16xi32>
        %lt3A_185 = arith.constant 192 : i32
        %lt3A_186 = vector.broadcast %lt3A_185 : i32 to vector<16xi32>
        %lt3A_187 = arith.cmpi slt, %add3A_176, %lt3A_186 : vector<16xi32>
        %and3A_188 = arith.andi %ge3A_184, %lt3A_187 : vector<16xi1>
        %ge3A_189 = arith.constant 0 : i32
        %ge3A_190 = vector.broadcast %ge3A_189 : i32 to vector<16xi32>
        %ge3A_191 = arith.cmpi sge, %add3A_182, %ge3A_190 : vector<16xi32>
        %and3A_192 = arith.andi %and3A_188, %ge3A_191 : vector<16xi1>
        %lt3A_193 = arith.constant 192 : i32
        %lt3A_194 = vector.broadcast %lt3A_193 : i32 to vector<16xi32>
        %lt3A_195 = arith.cmpi slt, %add3A_182, %lt3A_194 : vector<16xi32>
        %and3A_196 = arith.andi %and3A_192, %lt3A_195 : vector<16xi1>
        %get3A_197 = arith.index_cast %add3A_169 : i32 to index
        %get3A_198 = tpu.vector_load %arg21[%get3A_197] {strides = array<i32>} : memref<256xi32, #tpu.memory_space<vmem>>, vector<16xi32>,
        %get3A_199 = vector.shape_cast %get3A_198 : vector<16xi32> to vector<16xi32>
        %mul3A_200 = arith.constant 192 : i32
        %mul3A_201 = vector.broadcast %mul3A_200 : i32 to vector<16xi32>
        %mul3A_202 = arith.muli %add3A_176, %mul3A_201 : vector<16xi32>
        %add3A_203 = arith.addi %get3A_199, %mul3A_202 : vector<16xi32>
        %add3A_204 = arith.addi %add3A_203, %add3A_182 : vector<16xi32>
        %jit3A_205 = arith.constant 73728 : i32
        %broadcast_in_dim3A = vector.broadcast %jit3A_205 : i32 to vector<16xi32>
        %select_n3A_206 = arith.select %and3A_196, %add3A_204, %broadcast_in_dim3A : vector<16xi1>, vector<16xi32>
        %swap3A = arith.index_cast %mul3A_171 : i32 to index
        %swap3A_207 = tpu.vector_load %arg23[%swap3A] {strides = array<i32>} : memref<128xi32, #tpu.memory_space<vmem>>, vector<16xi32>,
        %swap3A_208 = vector.shape_cast %swap3A_207 : vector<16xi32> to vector<16xi32>
        %swap3A_209 = vector.shape_cast %select_n3A_206 : vector<16xi32> to vector<16xi32>
        tpu.vector_store %arg23[%swap3A], %swap3A_209 {strides = array<i32>} : memref<128xi32, #tpu.memory_space<vmem>>, vector<16xi32>,
        %scan3A_210 = arith.constant 0 : i32
        scf.yield %scan3A_210 : i32
      }
      %scan3A_126 = arith.constant 8 : i32
      %dma_start3A_127 = arith.constant 128 : i32
      %dma_start3A_128 = arith.constant 0 : i32
      %dma_start3A_129 = tpu.memref_slice %arg24[%dma_start3A_127, %dma_start3A_128] : memref<256x128xf32, #tpu.memory_space<vmem>> -> memref<128x128xf32, #tpu.memory_space<vmem>>
      %dma_start3A_130 = arith.constant 0 : i32
      %dma_start3A_131 = arith.constant 0 : i32
      %dma_start3A_132 = tpu.memref_slice %arg2[%dma_start3A_130, %dma_start3A_131] : memref<73729x128xf32, #tpu.memory_space<hbm>> -> memref<73729x128xf32, #tpu.memory_space<hbm>>
      tpu.enqueue_indirect_dma source(%dma_start3A_132 : memref<73729x128xf32, #tpu.memory_space<hbm>>) target(%dma_start3A_129 : memref<128x128xf32, #tpu.memory_space<vmem>>) offsets(%arg23 : memref<128xi32, #tpu.memory_space<vmem>>) semaphore(%arg26 : memref<!tpu.dma_semaphore, #tpu.memory_space<semaphore_mem>>)
      %dma_wait3A_133 = arith.constant 0 : i32
      %dma_wait3A_134 = arith.constant 0 : i32
      %dma_wait3A_135 = tpu.memref_slice %arg24[%dma_wait3A_133, %dma_wait3A_134] : memref<256x128xf32, #tpu.memory_space<vmem>> -> memref<128x128xf32, #tpu.memory_space<vmem>>
      %dma_wait3A_136 = arith.constant 0 : i32
      %dma_wait3A_137 = arith.constant 0 : i32
      %dma_wait3A_138 = tpu.memref_slice %arg2[%dma_wait3A_136, %dma_wait3A_137] : memref<73729x128xf32, #tpu.memory_space<hbm>> -> memref<73729x128xf32, #tpu.memory_space<hbm>>
      tpu.wait_indirect_dma semaphore(%arg26 : memref<!tpu.dma_semaphore, #tpu.memory_space<semaphore_mem>>) src(%dma_wait3A_138 : memref<73729x128xf32, #tpu.memory_space<hbm>>) dst(%dma_wait3A_135 : memref<128x128xf32, #tpu.memory_space<vmem>>)
      %dma_wait3A_139 = arith.constant 128 : i32
      %dma_wait3A_140 = arith.constant 0 : i32
      %dma_wait3A_141 = tpu.memref_slice %arg24[%dma_wait3A_139, %dma_wait3A_140] : memref<256x128xf32, #tpu.memory_space<vmem>> -> memref<128x128xf32, #tpu.memory_space<vmem>>
      %dma_wait3A_142 = arith.constant 0 : i32
      %dma_wait3A_143 = arith.constant 0 : i32
      %dma_wait3A_144 = tpu.memref_slice %arg2[%dma_wait3A_142, %dma_wait3A_143] : memref<73729x128xf32, #tpu.memory_space<hbm>> -> memref<73729x128xf32, #tpu.memory_space<hbm>>
      tpu.wait_indirect_dma semaphore(%arg26 : memref<!tpu.dma_semaphore, #tpu.memory_space<semaphore_mem>>) src(%dma_wait3A_144 : memref<73729x128xf32, #tpu.memory_space<hbm>>) dst(%dma_wait3A_141 : memref<128x128xf32, #tpu.memory_space<vmem>>)
      %add3A_145 = arith.constant 0 : i32
      %add3A_146 = arith.addi %add3A_145, %mul3A_32 : i32
      %dma_start3A_147 = arith.constant 0 : i32
      %dma_start3A_148 = tpu.memref_slice %arg13[%add3A_146, %dma_start3A_147] : memref<102400x128xf32, #tpu.memory_space<hbm>> -> memref<256x128xf32, #tpu.memory_space<hbm>>
      %dma_start3A_149 = arith.constant 0 : i32
      %dma_start3A_150 = tpu.memref_slice %arg13[%add3A_146, %dma_start3A_149] : memref<102400x128xf32, #tpu.memory_space<hbm>> -> memref<256x128xf32, #tpu.memory_space<hbm>>
      tpu.enqueue_dma source(%arg24 : memref<256x128xf32, #tpu.memory_space<vmem>>) target(%dma_start3A_150 : memref<256x128xf32, #tpu.memory_space<hbm>>) target_semaphore(%arg27 : memref<!tpu.dma_semaphore, #tpu.memory_space<semaphore_mem>>)
      %scan3A_151 = arith.constant 0 : i32
      %scan3A_152 = arith.constant 1 : i32
      %scan3A_153 = arith.constant 24 : i32
      %scan3A_154 = arith.addi %scan3A_152, %scan3A_153 : i32
      %scan3A_155 = arith.constant 1 : i32
      %scan3A_156 = scf.for %scan3A_164 = %scan3A_152 to %scan3A_154 step %scan3A_155 iter_args(%scan3A_165 = %scan3A_151) -> (i32)  : i32 {
        %jit3A_166 = arith.constant 5 : i32
        %eq3A_167 = arith.constant 0 : i32
        %eq3A_168 = arith.cmpi eq, %jit3A_166, %eq3A_167 : i32
        %jit3A_169 = arith.constant 1 : i32
        %select_n3A_170 = arith.select %eq3A_168, %jit3A_169, %jit3A_166 : i32
        %rem3A_171 = arith.remsi %scan3A_164, %select_n3A_170 : i32
        %ne3A_172 = arith.constant 0 : i32
        %ne3A_173 = arith.cmpi ne, %rem3A_171, %ne3A_172 : i32
        %lt3A_174 = arith.constant 0 : i32
        %lt3A_175 = arith.cmpi slt, %rem3A_171, %lt3A_174 : i32
        %lt3A_176 = arith.constant 0 : i32
        %lt3A_177 = arith.cmpi slt, %select_n3A_170, %lt3A_176 : i32
        %ne3A_178 = arith.xori %lt3A_175, %lt3A_177 : i1
        %and3A_179 = arith.andi %ne3A_178, %ne3A_173 : i1
        %add3A_180 = arith.addi %rem3A_171, %select_n3A_170 : i32
        %select_n3A_181 = arith.select %and3A_179, %add3A_180, %rem3A_171 : i32
        %sub3A_182 = arith.constant 2 : i32
        %sub3A_183 = arith.subi %select_n3A_181, %sub3A_182 : i32
        %jit3A_184 = arith.constant 5 : i32
        %div3A_185 = arith.divsi %scan3A_164, %jit3A_184 : i32
        %sign3A_186 = arith.constant 0 : i32
        %sign3A_187 = arith.cmpi sgt, %scan3A_164, %sign3A_186 : i32
        %sign3A_188 = arith.extui %sign3A_187 : i1 to i32
        %sign3A_189 = arith.constant 0 : i32
        %sign3A_190 = arith.cmpi slt, %scan3A_164, %sign3A_189 : i32
        %sign3A_191 = arith.extui %sign3A_190 : i1 to i32
        %sign3A_192 = arith.subi %sign3A_188, %sign3A_191 : i32
        %sign3A_193 = arith.constant 0 : i32
        %sign3A_194 = arith.cmpi sgt, %jit3A_184, %sign3A_193 : i32
        %sign3A_195 = arith.extui %sign3A_194 : i1 to i32
        %sign3A_196 = arith.constant 0 : i32
        %sign3A_197 = arith.cmpi slt, %jit3A_184, %sign3A_196 : i32
        %sign3A_198 = arith.extui %sign3A_197 : i1 to i32
        %sign3A_199 = arith.subi %sign3A_195, %sign3A_198 : i32
        %ne3A_200 = arith.cmpi ne, %sign3A_192, %sign3A_199 : i32
        %rem3A_201 = arith.remsi %scan3A_164, %jit3A_184 : i32
        %ne3A_202 = arith.constant 0 : i32
        %ne3A_203 = arith.cmpi ne, %rem3A_201, %ne3A_202 : i32
        %and3A_204 = arith.andi %ne3A_200, %ne3A_203 : i1
        %sub3A_205 = arith.constant 1 : i32
        %sub3A_206 = arith.subi %div3A_185, %sub3A_205 : i32
        %select_n3A_207 = arith.select %and3A_204, %sub3A_206, %div3A_185 : i32
        %sub3A_208 = arith.constant 2 : i32
        %sub3A_209 = arith.subi %select_n3A_207, %sub3A_208 : i32
        %scan3A_210 = arith.constant 0 : i32
        %scan3A_211 = arith.constant 0 : i32
        %scan3A_212 = arith.constant 8 : i32
        %scan3A_213 = arith.addi %scan3A_211, %scan3A_212 : i32
        %scan3A_214 = arith.constant 1 : i32
        %scan3A_215 = scf.for %scan3A_262 = %scan3A_211 to %scan3A_213 step %scan3A_214 iter_args(%scan3A_263 = %scan3A_210) -> (i32)  : i32 {
          %mul3A_264 = arith.constant 16 : i32
          %mul3A_265 = arith.muli %scan3A_262, %mul3A_264 : i32
          %add3A_266 = arith.constant 0 : i32
          %add3A_267 = arith.addi %add3A_266, %mul3A_265 : i32
          %mul3A_268 = arith.constant 16 : i32
          %mul3A_269 = arith.muli %scan3A_262, %mul3A_268 : i32
          %get3A = arith.index_cast %add3A_267 : i32 to index
          %get3A_270 = tpu.vector_load %arg19[%get3A] {strides = array<i32>} : memref<256xi32, #tpu.memory_space<vmem>>, vector<16xi32>,
          %get3A_271 = vector.shape_cast %get3A_270 : vector<16xi32> to vector<16xi32>
          %add3A_272 = vector.broadcast %sub3A_183 : i32 to vector<16xi32>
          %add3A_273 = arith.addi %get3A_271, %add3A_272 : vector<16xi32>
          %get3A_274 = arith.index_cast %add3A_267 : i32 to index
          %get3A_275 = tpu.vector_load %arg20[%get3A_274] {strides = array<i32>} : memref<256xi32, #tpu.memory_space<vmem>>, vector<16xi32>,
          %get3A_276 = vector.shape_cast %get3A_275 : vector<16xi32> to vector<16xi32>
          %add3A_277 = vector.broadcast %sub3A_209 : i32 to vector<16xi32>
          %add3A_278 = arith.addi %get3A_276, %add3A_277 : vector<16xi32>
          %ge3A = arith.constant 0 : i32
          %ge3A_279 = vector.broadcast %ge3A : i32 to vector<16xi32>
          %ge3A_280 = arith.cmpi sge, %add3A_273, %ge3A_279 : vector<16xi32>
          %lt3A_281 = arith.constant 192 : i32
          %lt3A_282 = vector.broadcast %lt3A_281 : i32 to vector<16xi32>
          %lt3A_283 = arith.cmpi slt, %add3A_273, %lt3A_282 : vector<16xi32>
          %and3A_284 = arith.andi %ge3A_280, %lt3A_283 : vector<16xi1>
          %ge3A_285 = arith.constant 0 : i32
          %ge3A_286 = vector.broadcast %ge3A_285 : i32 to vector<16xi32>
          %ge3A_287 = arith.cmpi sge, %add3A_278, %ge3A_286 : vector<16xi32>
          %and3A_288 = arith.andi %and3A_284, %ge3A_287 : vector<16xi1>
          %lt3A_289 = arith.constant 192 : i32
          %lt3A_290 = vector.broadcast %lt3A_289 : i32 to vector<16xi32>
          %lt3A_291 = arith.cmpi slt, %add3A_278, %lt3A_290 : vector<16xi32>
          %and3A_292 = arith.andi %and3A_288, %lt3A_291 : vector<16xi1>
          %get3A_293 = arith.index_cast %add3A_267 : i32 to index
          %get3A_294 = tpu.vector_load %arg21[%get3A_293] {strides = array<i32>} : memref<256xi32, #tpu.memory_space<vmem>>, vector<16xi32>,
          %get3A_295 = vector.shape_cast %get3A_294 : vector<16xi32> to vector<16xi32>
          %mul3A_296 = arith.constant 192 : i32
          %mul3A_297 = vector.broadcast %mul3A_296 : i32 to vector<16xi32>
          %mul3A_298 = arith.muli %add3A_273, %mul3A_297 : vector<16xi32>
          %add3A_299 = arith.addi %get3A_295, %mul3A_298 : vector<16xi32>
          %add3A_300 = arith.addi %add3A_299, %add3A_278 : vector<16xi32>
          %jit3A_301 = arith.constant 73728 : i32
          %broadcast_in_dim3A = vector.broadcast %jit3A_301 : i32 to vector<16xi32>
          %select_n3A_302 = arith.select %and3A_292, %add3A_300, %broadcast_in_dim3A : vector<16xi1>, vector<16xi32>
          %swap3A = arith.index_cast %mul3A_269 : i32 to index
          %swap3A_303 = tpu.vector_load %arg22[%swap3A] {strides = array<i32>} : memref<128xi32, #tpu.memory_space<vmem>>, vector<16xi32>,
          %swap3A_304 = vector.shape_cast %swap3A_303 : vector<16xi32> to vector<16xi32>
          %swap3A_305 = vector.shape_cast %select_n3A_302 : vector<16xi32> to vector<16xi32>
          tpu.vector_store %arg22[%swap3A], %swap3A_305 {strides = array<i32>} : memref<128xi32, #tpu.memory_space<vmem>>, vector<16xi32>,
          %scan3A_306 = arith.constant 0 : i32
          scf.yield %scan3A_306 : i32
        }
        %scan3A_216 = arith.constant 8 : i32
        %dma_wait3A_217 = arith.constant 0 : i32
        %dma_wait3A_218 = arith.constant 0 : i32
        %dma_wait3A_219 = tpu.memref_slice %arg13[%dma_wait3A_217, %dma_wait3A_218] : memref<102400x128xf32, #tpu.memory_space<hbm>> -> memref<256x128xf32, #tpu.memory_space<hbm>>
        %dma_wait3A_220 = arith.constant 0 : i32
        %dma_wait3A_221 = arith.constant 0 : i32
        %dma_wait3A_222 = tpu.memref_slice %arg13[%dma_wait3A_220, %dma_wait3A_221] : memref<102400x128xf32, #tpu.memory_space<hbm>> -> memref<256x128xf32, #tpu.memory_space<hbm>>
        tpu.wait_dma2 semaphore(%arg27 : memref<!tpu.dma_semaphore, #tpu.memory_space<semaphore_mem>>) src(%arg24 : memref<256x128xf32, #tpu.memory_space<vmem>>) dst(%dma_wait3A_222 : memref<256x128xf32, #tpu.memory_space<hbm>>)
        %dma_start3A_223 = arith.constant 0 : i32
        %dma_start3A_224 = arith.constant 0 : i32
        %dma_start3A_225 = tpu.memref_slice %arg24[%dma_start3A_223, %dma_start3A_224] : memref<256x128xf32, #tpu.memory_space<vmem>> -> memref<128x128xf32, #tpu.memory_space<vmem>>
        %dma_start3A_226 = arith.constant 0 : i32
        %dma_start3A_227 = arith.constant 0 : i32
        %dma_start3A_228 = tpu.memref_slice %arg2[%dma_start3A_226, %dma_start3A_227] : memref<73729x128xf32, #tpu.memory_space<hbm>> -> memref<73729x128xf32, #tpu.memory_space<hbm>>
        tpu.enqueue_indirect_dma source(%dma_start3A_228 : memref<73729x128xf32, #tpu.memory_space<hbm>>) target(%dma_start3A_225 : memref<128x128xf32, #tpu.memory_space<vmem>>) offsets(%arg22 : memref<128xi32, #tpu.memory_space<vmem>>) semaphore(%arg26 : memref<!tpu.dma_semaphore, #tpu.memory_space<semaphore_mem>>)
        %scan3A_229 = arith.constant 0 : i32
        %scan3A_230 = arith.constant 0 : i32
        %scan3A_231 = arith.constant 8 : i32
        %scan3A_232 = arith.addi %scan3A_230, %scan3A_231 : i32
        %scan3A_233 = arith.constant 1 : i32
        %scan3A_234 = scf.for %scan3A_262 = %scan3A_230 to %scan3A_232 step %scan3A_233 iter_args(%scan3A_263 = %scan3A_229) -> (i32)  : i32 {
          %mul3A_264 = arith.constant 16 : i32
          %mul3A_265 = arith.muli %scan3A_262, %mul3A_264 : i32
          %add3A_266 = arith.constant 128 : i32
          %add3A_267 = arith.addi %add3A_266, %mul3A_265 : i32
          %mul3A_268 = arith.constant 16 : i32
          %mul3A_269 = arith.muli %scan3A_262, %mul3A_268 : i32
          %get3A = arith.index_cast %add3A_267 : i32 to index
          %get3A_270 = tpu.vector_load %arg19[%get3A] {strides = array<i32>} : memref<256xi32, #tpu.memory_space<vmem>>, vector<16xi32>,
          %get3A_271 = vector.shape_cast %get3A_270 : vector<16xi32> to vector<16xi32>
          %add3A_272 = vector.broadcast %sub3A_183 : i32 to vector<16xi32>
          %add3A_273 = arith.addi %get3A_271, %add3A_272 : vector<16xi32>
          %get3A_274 = arith.index_cast %add3A_267 : i32 to index
          %get3A_275 = tpu.vector_load %arg20[%get3A_274] {strides = array<i32>} : memref<256xi32, #tpu.memory_space<vmem>>, vector<16xi32>,
          %get3A_276 = vector.shape_cast %get3A_275 : vector<16xi32> to vector<16xi32>
          %add3A_277 = vector.broadcast %sub3A_209 : i32 to vector<16xi32>
          %add3A_278 = arith.addi %get3A_276, %add3A_277 : vector<16xi32>
          %ge3A = arith.constant 0 : i32
          %ge3A_279 = vector.broadcast %ge3A : i32 to vector<16xi32>
          %ge3A_280 = arith.cmpi sge, %add3A_273, %ge3A_279 : vector<16xi32>
          %lt3A_281 = arith.constant 192 : i32
          %lt3A_282 = vector.broadcast %lt3A_281 : i32 to vector<16xi32>
          %lt3A_283 = arith.cmpi slt, %add3A_273, %lt3A_282 : vector<16xi32>
          %and3A_284 = arith.andi %ge3A_280, %lt3A_283 : vector<16xi1>
          %ge3A_285 = arith.constant 0 : i32
          %ge3A_286 = vector.broadcast %ge3A_285 : i32 to vector<16xi32>
          %ge3A_287 = arith.cmpi sge, %add3A_278, %ge3A_286 : vector<16xi32>
          %and3A_288 = arith.andi %and3A_284, %ge3A_287 : vector<16xi1>
          %lt3A_289 = arith.constant 192 : i32
          %lt3A_290 = vector.broadcast %lt3A_289 : i32 to vector<16xi32>
          %lt3A_291 = arith.cmpi slt, %add3A_278, %lt3A_290 : vector<16xi32>
          %and3A_292 = arith.andi %and3A_288, %lt3A_291 : vector<16xi1>
          %get3A_293 = arith.index_cast %add3A_267 : i32 to index
          %get3A_294 = tpu.vector_load %arg21[%get3A_293] {strides = array<i32>} : memref<256xi32, #tpu.memory_space<vmem>>, vector<16xi32>,
          %get3A_295 = vector.shape_cast %get3A_294 : vector<16xi32> to vector<16xi32>
          %mul3A_296 = arith.constant 192 : i32
          %mul3A_297 = vector.broadcast %mul3A_296 : i32 to vector<16xi32>
          %mul3A_298 = arith.muli %add3A_273, %mul3A_297 : vector<16xi32>
          %add3A_299 = arith.addi %get3A_295, %mul3A_298 : vector<16xi32>
          %add3A_300 = arith.addi %add3A_299, %add3A_278 : vector<16xi32>
          %jit3A_301 = arith.constant 73728 : i32
          %broadcast_in_dim3A = vector.broadcast %jit3A_301 : i32 to vector<16xi32>
          %select_n3A_302 = arith.select %and3A_292, %add3A_300, %broadcast_in_dim3A : vector<16xi1>, vector<16xi32>
          %swap3A = arith.index_cast %mul3A_269 : i32 to index
          %swap3A_303 = tpu.vector_load %arg23[%swap3A] {strides = array<i32>} : memref<128xi32, #tpu.memory_space<vmem>>, vector<16xi32>,
          %swap3A_304 = vector.shape_cast %swap3A_303 : vector<16xi32> to vector<16xi32>
          %swap3A_305 = vector.shape_cast %select_n3A_302 : vector<16xi32> to vector<16xi32>
          tpu.vector_store %arg23[%swap3A], %swap3A_305 {strides = array<i32>} : memref<128xi32, #tpu.memory_space<vmem>>, vector<16xi32>,
          %scan3A_306 = arith.constant 0 : i32
          scf.yield %scan3A_306 : i32
        }
        %scan3A_235 = arith.constant 8 : i32
        %dma_start3A_236 = arith.constant 128 : i32
        %dma_start3A_237 = arith.constant 0 : i32
        %dma_start3A_238 = tpu.memref_slice %arg24[%dma_start3A_236, %dma_start3A_237] : memref<256x128xf32, #tpu.memory_space<vmem>> -> memref<128x128xf32, #tpu.memory_space<vmem>>
        %dma_start3A_239 = arith.constant 0 : i32
        %dma_start3A_240 = arith.constant 0 : i32
        %dma_start3A_241 = tpu.memref_slice %arg2[%dma_start3A_239, %dma_start3A_240] : memref<73729x128xf32, #tpu.memory_space<hbm>> -> memref<73729x128xf32, #tpu.memory_space<hbm>>
        tpu.enqueue_indirect_dma source(%dma_start3A_241 : memref<73729x128xf32, #tpu.memory_space<hbm>>) target(%dma_start3A_238 : memref<128x128xf32, #tpu.memory_space<vmem>>) offsets(%arg23 : memref<128xi32, #tpu.memory_space<vmem>>) semaphore(%arg26 : memref<!tpu.dma_semaphore, #tpu.memory_space<semaphore_mem>>)
        %dma_wait3A_242 = arith.constant 0 : i32
        %dma_wait3A_243 = arith.constant 0 : i32
        %dma_wait3A_244 = tpu.memref_slice %arg24[%dma_wait3A_242, %dma_wait3A_243] : memref<256x128xf32, #tpu.memory_space<vmem>> -> memref<128x128xf32, #tpu.memory_space<vmem>>
        %dma_wait3A_245 = arith.constant 0 : i32
        %dma_wait3A_246 = arith.constant 0 : i32
        %dma_wait3A_247 = tpu.memref_slice %arg2[%dma_wait3A_245, %dma_wait3A_246] : memref<73729x128xf32, #tpu.memory_space<hbm>> -> memref<73729x128xf32, #tpu.memory_space<hbm>>
        tpu.wait_indirect_dma semaphore(%arg26 : memref<!tpu.dma_semaphore, #tpu.memory_space<semaphore_mem>>) src(%dma_wait3A_247 : memref<73729x128xf32, #tpu.memory_space<hbm>>) dst(%dma_wait3A_244 : memref<128x128xf32, #tpu.memory_space<vmem>>)
        %dma_wait3A_248 = arith.constant 128 : i32
        %dma_wait3A_249 = arith.constant 0 : i32
        %dma_wait3A_250 = tpu.memref_slice %arg24[%dma_wait3A_248, %dma_wait3A_249] : memref<256x128xf32, #tpu.memory_space<vmem>> -> memref<128x128xf32, #tpu.memory_space<vmem>>
        %dma_wait3A_251 = arith.constant 0 : i32
        %dma_wait3A_252 = arith.constant 0 : i32
        %dma_wait3A_253 = tpu.memref_slice %arg2[%dma_wait3A_251, %dma_wait3A_252] : memref<73729x128xf32, #tpu.memory_space<hbm>> -> memref<73729x128xf32, #tpu.memory_space<hbm>>
        tpu.wait_indirect_dma semaphore(%arg26 : memref<!tpu.dma_semaphore, #tpu.memory_space<semaphore_mem>>) src(%dma_wait3A_253 : memref<73729x128xf32, #tpu.memory_space<hbm>>) dst(%dma_wait3A_250 : memref<128x128xf32, #tpu.memory_space<vmem>>)
        %mul3A_254 = arith.constant 4096 : i32
        %mul3A_255 = arith.muli %scan3A_164, %mul3A_254 : i32
        %add3A_256 = arith.addi %mul3A_255, %mul3A_32 : i32
        %dma_start3A_257 = arith.constant 0 : i32
        %dma_start3A_258 = tpu.memref_slice %arg13[%add3A_256, %dma_start3A_257] : memref<102400x128xf32, #tpu.memory_space<hbm>> -> memref<256x128xf32, #tpu.memory_space<hbm>>
        %dma_start3A_259 = arith.constant 0 : i32
        %dma_start3A_260 = tpu.memref_slice %arg13[%add3A_256, %dma_start3A_259] : memref<102400x128xf32, #tpu.memory_space<hbm>> -> memref<256x128xf32, #tpu.memory_space<hbm>>
        tpu.enqueue_dma source(%arg24 : memref<256x128xf32, #tpu.memory_space<vmem>>) target(%dma_start3A_260 : memref<256x128xf32, #tpu.memory_space<hbm>>) target_semaphore(%arg27 : memref<!tpu.dma_semaphore, #tpu.memory_space<semaphore_mem>>)
        %scan3A_261 = arith.constant 0 : i32
        scf.yield %scan3A_261 : i32
      }
      %scan3A_157 = arith.constant 24 : i32
      %dma_wait3A_158 = arith.constant 0 : i32
      %dma_wait3A_159 = arith.constant 0 : i32
      %dma_wait3A_160 = tpu.memref_slice %arg13[%dma_wait3A_158, %dma_wait3A_159] : memref<102400x128xf32, #tpu.memory_space<hbm>> -> memref<256x128xf32, #tpu.memory_space<hbm>>
      %dma_wait3A_161 = arith.constant 0 : i32
      %dma_wait3A_162 = arith.constant 0 : i32
      %dma_wait3A_163 = tpu.memref_slice %arg13[%dma_wait3A_161, %dma_wait3A_162] : memref<102400x128xf32, #tpu.memory_space<hbm>> -> memref<256x128xf32, #tpu.memory_space<hbm>>
      tpu.wait_dma2 semaphore(%arg27 : memref<!tpu.dma_semaphore, #tpu.memory_space<semaphore_mem>>) src(%arg24 : memref<256x128xf32, #tpu.memory_space<vmem>>) dst(%dma_wait3A_163 : memref<256x128xf32, #tpu.memory_space<hbm>>)
    } else {
    }
    %eq3A_36 = arith.constant 1 : i32
    %eq3A_37 = arith.cmpi eq, %select_n3A, %eq3A_36 : i32
    %convert_element_type3A_38 = arith.extui %eq3A_37 : i1 to i32
    %cond3A_39 = arith.constant 0 : i32
    %cond3A_40 = arith.cmpi ne, %convert_element_type3A_38, %cond3A_39 : i32
    scf.if %cond3A_40 {
      "tpu.region"() ({
        %run_scoped3A = tpu.sem_alloc : memref<!tpu.dma_semaphore, #tpu.memory_space<semaphore_mem>>
        %dma_start3A_164 = tpu.memref_slice %arg8[%mul3A_32] : memref<4096xi32, #tpu.memory_space<hbm>> -> memref<256xi32, #tpu.memory_space<hbm>>
        %dma_start3A_165 = tpu.memref_slice %arg8[%mul3A_32] : memref<4096xi32, #tpu.memory_space<hbm>> -> memref<256xi32, #tpu.memory_space<hbm>>
        tpu.enqueue_dma source(%dma_start3A_165 : memref<256xi32, #tpu.memory_space<hbm>>) target(%arg17 : memref<256xi32, #tpu.memory_space<vmem>>) target_semaphore(%run_scoped3A : memref<!tpu.dma_semaphore, #tpu.memory_space<semaphore_mem>>)
        %dma_wait3A_166 = tpu.memref_slice %arg8[%mul3A_32] : memref<4096xi32, #tpu.memory_space<hbm>> -> memref<256xi32, #tpu.memory_space<hbm>>
        %dma_wait3A_167 = tpu.memref_slice %arg8[%mul3A_32] : memref<4096xi32, #tpu.memory_space<hbm>> -> memref<256xi32, #tpu.memory_space<hbm>>
        tpu.wait_dma2 semaphore(%run_scoped3A : memref<!tpu.dma_semaphore, #tpu.memory_space<semaphore_mem>>) src(%dma_wait3A_167 : memref<256xi32, #tpu.memory_space<hbm>>) dst(%arg17 : memref<256xi32, #tpu.memory_space<vmem>>)
        tpu.yield
      }) : () -> ()
      "tpu.region"() ({
        %run_scoped3A = tpu.sem_alloc : memref<!tpu.dma_semaphore, #tpu.memory_space<semaphore_mem>>
        %dma_start3A_164 = tpu.memref_slice %arg10[%mul3A_32] : memref<4096xi32, #tpu.memory_space<hbm>> -> memref<256xi32, #tpu.memory_space<hbm>>
        %dma_start3A_165 = tpu.memref_slice %arg10[%mul3A_32] : memref<4096xi32, #tpu.memory_space<hbm>> -> memref<256xi32, #tpu.memory_space<hbm>>
        tpu.enqueue_dma source(%dma_start3A_165 : memref<256xi32, #tpu.memory_space<hbm>>) target(%arg18 : memref<256xi32, #tpu.memory_space<vmem>>) target_semaphore(%run_scoped3A : memref<!tpu.dma_semaphore, #tpu.memory_space<semaphore_mem>>)
        %dma_wait3A_166 = tpu.memref_slice %arg10[%mul3A_32] : memref<4096xi32, #tpu.memory_space<hbm>> -> memref<256xi32, #tpu.memory_space<hbm>>
        %dma_wait3A_167 = tpu.memref_slice %arg10[%mul3A_32] : memref<4096xi32, #tpu.memory_space<hbm>> -> memref<256xi32, #tpu.memory_space<hbm>>
        tpu.wait_dma2 semaphore(%run_scoped3A : memref<!tpu.dma_semaphore, #tpu.memory_space<semaphore_mem>>) src(%dma_wait3A_167 : memref<256xi32, #tpu.memory_space<hbm>>) dst(%arg18 : memref<256xi32, #tpu.memory_space<vmem>>)
        tpu.yield
      }) : () -> ()
      %scan3A = arith.constant 0 : i32
      %scan3A_41 = arith.constant 0 : i32
      %scan3A_42 = arith.constant 8 : i32
      %scan3A_43 = arith.addi %scan3A_41, %scan3A_42 : i32
      %scan3A_44 = arith.constant 1 : i32
      %scan3A_45 = scf.for %scan3A_164 = %scan3A_41 to %scan3A_43 step %scan3A_44 iter_args(%scan3A_165 = %scan3A) -> (i32)  : i32 {
        %mul3A_166 = arith.constant 16 : i32
        %mul3A_167 = arith.muli %scan3A_164, %mul3A_166 : i32
        %add3A_168 = arith.constant 0 : i32
        %add3A_169 = arith.addi %add3A_168, %mul3A_167 : i32
        %mul3A_170 = arith.constant 16 : i32
        %mul3A_171 = arith.muli %scan3A_164, %mul3A_170 : i32
        %get3A = arith.index_cast %add3A_169 : i32 to index
        %get3A_172 = tpu.vector_load %arg17[%get3A] {strides = array<i32>} : memref<256xi32, #tpu.memory_space<vmem>>, vector<16xi32>,
        %get3A_173 = vector.shape_cast %get3A_172 : vector<16xi32> to vector<16xi32>
        %mul3A_174 = arith.constant 2304 : i32
        %mul3A_175 = vector.broadcast %mul3A_174 : i32 to vector<16xi32>
        %mul3A_176 = arith.muli %get3A_173, %mul3A_175 : vector<16xi32>
        %get3A_177 = arith.index_cast %add3A_169 : i32 to index
        %get3A_178 = tpu.vector_load %arg18[%get3A_177] {strides = array<i32>} : memref<256xi32, #tpu.memory_space<vmem>>, vector<16xi32>,
        %get3A_179 = vector.shape_cast %get3A_178 : vector<16xi32> to vector<16xi32>
        %add3A_180 = arith.addi %mul3A_176, %get3A_179 : vector<16xi32>
        %swap3A = arith.index_cast %mul3A_171 : i32 to index
        %swap3A_181 = tpu.vector_load %arg22[%swap3A] {strides = array<i32>} : memref<128xi32, #tpu.memory_space<vmem>>, vector<16xi32>,
        %swap3A_182 = vector.shape_cast %swap3A_181 : vector<16xi32> to vector<16xi32>
        %swap3A_183 = vector.shape_cast %add3A_180 : vector<16xi32> to vector<16xi32>
        tpu.vector_store %arg22[%swap3A], %swap3A_183 {strides = array<i32>} : memref<128xi32, #tpu.memory_space<vmem>>, vector<16xi32>,
        %scan3A_184 = arith.constant 0 : i32
        scf.yield %scan3A_184 : i32
      }
      %scan3A_46 = arith.constant 8 : i32
      %dma_start3A = arith.constant 0 : i32
      %dma_start3A_47 = tpu.memref_slice %arg19[%dma_start3A] : memref<256xi32, #tpu.memory_space<vmem>> -> memref<128xi32, #tpu.memory_space<vmem>>
      %dma_start3A_48 = arith.constant 0 : i32
      %dma_start3A_49 = tpu.memref_slice %arg6[%dma_start3A_48] : memref<4608xi32, #tpu.memory_space<hbm>> -> memref<4608xi32, #tpu.memory_space<hbm>>
      tpu.enqueue_indirect_dma source(%dma_start3A_49 : memref<4608xi32, #tpu.memory_space<hbm>>) target(%dma_start3A_47 : memref<128xi32, #tpu.memory_space<vmem>>) offsets(%arg22 : memref<128xi32, #tpu.memory_space<vmem>>) semaphore(%arg26 : memref<!tpu.dma_semaphore, #tpu.memory_space<semaphore_mem>>)
      %dma_start3A_50 = arith.constant 0 : i32
      %dma_start3A_51 = tpu.memref_slice %arg20[%dma_start3A_50] : memref<256xi32, #tpu.memory_space<vmem>> -> memref<128xi32, #tpu.memory_space<vmem>>
      %dma_start3A_52 = arith.constant 0 : i32
      %dma_start3A_53 = tpu.memref_slice %arg7[%dma_start3A_52] : memref<4608xi32, #tpu.memory_space<hbm>> -> memref<4608xi32, #tpu.memory_space<hbm>>
      tpu.enqueue_indirect_dma source(%dma_start3A_53 : memref<4608xi32, #tpu.memory_space<hbm>>) target(%dma_start3A_51 : memref<128xi32, #tpu.memory_space<vmem>>) offsets(%arg22 : memref<128xi32, #tpu.memory_space<vmem>>) semaphore(%arg26 : memref<!tpu.dma_semaphore, #tpu.memory_space<semaphore_mem>>)
      %dma_start3A_54 = arith.constant 0 : i32
      %dma_start3A_55 = arith.constant 0 : i32
      %dma_start3A_56 = tpu.memref_slice %arg12[%dma_start3A_54, %dma_start3A_55] : memref<4608x256xf32, #tpu.memory_space<hbm>> -> memref<4608x256xf32, #tpu.memory_space<hbm>>
      tpu.enqueue_indirect_dma source(%dma_start3A_56 : memref<4608x256xf32, #tpu.memory_space<hbm>>) target(%arg25 : memref<128x256xf32, #tpu.memory_space<vmem>>) offsets(%arg22 : memref<128xi32, #tpu.memory_space<vmem>>) semaphore(%arg26 : memref<!tpu.dma_semaphore, #tpu.memory_space<semaphore_mem>>)
      %dma_wait3A = arith.constant 0 : i32
      %dma_wait3A_57 = tpu.memref_slice %arg19[%dma_wait3A] : memref<256xi32, #tpu.memory_space<vmem>> -> memref<128xi32, #tpu.memory_space<vmem>>
      %dma_wait3A_58 = arith.constant 0 : i32
      %dma_wait3A_59 = tpu.memref_slice %arg6[%dma_wait3A_58] : memref<4608xi32, #tpu.memory_space<hbm>> -> memref<4608xi32, #tpu.memory_space<hbm>>
      tpu.wait_indirect_dma semaphore(%arg26 : memref<!tpu.dma_semaphore, #tpu.memory_space<semaphore_mem>>) src(%dma_wait3A_59 : memref<4608xi32, #tpu.memory_space<hbm>>) dst(%dma_wait3A_57 : memref<128xi32, #tpu.memory_space<vmem>>)
      %dma_wait3A_60 = arith.constant 0 : i32
      %dma_wait3A_61 = tpu.memref_slice %arg20[%dma_wait3A_60] : memref<256xi32, #tpu.memory_space<vmem>> -> memref<128xi32, #tpu.memory_space<vmem>>
      %dma_wait3A_62 = arith.constant 0 : i32
      %dma_wait3A_63 = tpu.memref_slice %arg7[%dma_wait3A_62] : memref<4608xi32, #tpu.memory_space<hbm>> -> memref<4608xi32, #tpu.memory_space<hbm>>
      tpu.wait_indirect_dma semaphore(%arg26 : memref<!tpu.dma_semaphore, #tpu.memory_space<semaphore_mem>>) src(%dma_wait3A_63 : memref<4608xi32, #tpu.memory_space<hbm>>) dst(%dma_wait3A_61 : memref<128xi32, #tpu.memory_space<vmem>>)
      %dma_wait3A_64 = arith.constant 0 : i32
      %dma_wait3A_65 = arith.constant 0 : i32
      %dma_wait3A_66 = tpu.memref_slice %arg12[%dma_wait3A_64, %dma_wait3A_65] : memref<4608x256xf32, #tpu.memory_space<hbm>> -> memref<4608x256xf32, #tpu.memory_space<hbm>>
      tpu.wait_indirect_dma semaphore(%arg26 : memref<!tpu.dma_semaphore, #tpu.memory_space<semaphore_mem>>) src(%dma_wait3A_66 : memref<4608x256xf32, #tpu.memory_space<hbm>>) dst(%arg25 : memref<128x256xf32, #tpu.memory_space<vmem>>)
      %add3A_67 = arith.constant 0 : i32
      %add3A_68 = arith.addi %mul3A_32, %add3A_67 : i32
      "tpu.region"() ({
        %run_scoped3A = tpu.sem_alloc : memref<!tpu.dma_semaphore, #tpu.memory_space<semaphore_mem>>
        %dma_start3A_164 = arith.constant 0 : i32
        %dma_start3A_165 = tpu.memref_slice %arg16[%add3A_68, %dma_start3A_164] : memref<4096x256xf32, #tpu.memory_space<hbm>> -> memref<128x256xf32, #tpu.memory_space<hbm>>
        %dma_start3A_166 = arith.constant 0 : i32
        %dma_start3A_167 = tpu.memref_slice %arg16[%add3A_68, %dma_start3A_166] : memref<4096x256xf32, #tpu.memory_space<hbm>> -> memref<128x256xf32, #tpu.memory_space<hbm>>
        tpu.enqueue_dma source(%arg25 : memref<128x256xf32, #tpu.memory_space<vmem>>) target(%dma_start3A_167 : memref<128x256xf32, #tpu.memory_space<hbm>>) target_semaphore(%run_scoped3A : memref<!tpu.dma_semaphore, #tpu.memory_space<semaphore_mem>>)
        %dma_wait3A_168 = arith.constant 0 : i32
        %dma_wait3A_169 = tpu.memref_slice %arg16[%add3A_68, %dma_wait3A_168] : memref<4096x256xf32, #tpu.memory_space<hbm>> -> memref<128x256xf32, #tpu.memory_space<hbm>>
        %dma_wait3A_170 = arith.constant 0 : i32
        %dma_wait3A_171 = tpu.memref_slice %arg16[%add3A_68, %dma_wait3A_170] : memref<4096x256xf32, #tpu.memory_space<hbm>> -> memref<128x256xf32, #tpu.memory_space<hbm>>
        tpu.wait_dma2 semaphore(%run_scoped3A : memref<!tpu.dma_semaphore, #tpu.memory_space<semaphore_mem>>) src(%arg25 : memref<128x256xf32, #tpu.memory_space<vmem>>) dst(%dma_wait3A_171 : memref<128x256xf32, #tpu.memory_space<hbm>>)
        tpu.yield
      }) : () -> ()
      %scan3A_69 = arith.constant 0 : i32
      %scan3A_70 = arith.constant 0 : i32
      %scan3A_71 = arith.constant 8 : i32
      %scan3A_72 = arith.addi %scan3A_70, %scan3A_71 : i32
      %scan3A_73 = arith.constant 1 : i32
      %scan3A_74 = scf.for %scan3A_164 = %scan3A_70 to %scan3A_72 step %scan3A_73 iter_args(%scan3A_165 = %scan3A_69) -> (i32)  : i32 {
        %mul3A_166 = arith.constant 16 : i32
        %mul3A_167 = arith.muli %scan3A_164, %mul3A_166 : i32
        %add3A_168 = arith.constant 128 : i32
        %add3A_169 = arith.addi %add3A_168, %mul3A_167 : i32
        %mul3A_170 = arith.constant 16 : i32
        %mul3A_171 = arith.muli %scan3A_164, %mul3A_170 : i32
        %get3A = arith.index_cast %add3A_169 : i32 to index
        %get3A_172 = tpu.vector_load %arg17[%get3A] {strides = array<i32>} : memref<256xi32, #tpu.memory_space<vmem>>, vector<16xi32>,
        %get3A_173 = vector.shape_cast %get3A_172 : vector<16xi32> to vector<16xi32>
        %mul3A_174 = arith.constant 2304 : i32
        %mul3A_175 = vector.broadcast %mul3A_174 : i32 to vector<16xi32>
        %mul3A_176 = arith.muli %get3A_173, %mul3A_175 : vector<16xi32>
        %get3A_177 = arith.index_cast %add3A_169 : i32 to index
        %get3A_178 = tpu.vector_load %arg18[%get3A_177] {strides = array<i32>} : memref<256xi32, #tpu.memory_space<vmem>>, vector<16xi32>,
        %get3A_179 = vector.shape_cast %get3A_178 : vector<16xi32> to vector<16xi32>
        %add3A_180 = arith.addi %mul3A_176, %get3A_179 : vector<16xi32>
        %swap3A = arith.index_cast %mul3A_171 : i32 to index
        %swap3A_181 = tpu.vector_load %arg23[%swap3A] {strides = array<i32>} : memref<128xi32, #tpu.memory_space<vmem>>, vector<16xi32>,
        %swap3A_182 = vector.shape_cast %swap3A_181 : vector<16xi32> to vector<16xi32>
        %swap3A_183 = vector.shape_cast %add3A_180 : vector<16xi32> to vector<16xi32>
        tpu.vector_store %arg23[%swap3A], %swap3A_183 {strides = array<i32>} : memref<128xi32, #tpu.memory_space<vmem>>, vector<16xi32>,
        %scan3A_184 = arith.constant 0 : i32
        scf.yield %scan3A_184 : i32
      }
      %scan3A_75 = arith.constant 8 : i32
      %dma_start3A_76 = arith.constant 128 : i32
      %dma_start3A_77 = tpu.memref_slice %arg19[%dma_start3A_76] : memref<256xi32, #tpu.memory_space<vmem>> -> memref<128xi32, #tpu.memory_space<vmem>>
      %dma_start3A_78 = arith.constant 0 : i32
      %dma_start3A_79 = tpu.memref_slice %arg6[%dma_start3A_78] : memref<4608xi32, #tpu.memory_space<hbm>> -> memref<4608xi32, #tpu.memory_space<hbm>>
      tpu.enqueue_indirect_dma source(%dma_start3A_79 : memref<4608xi32, #tpu.memory_space<hbm>>) target(%dma_start3A_77 : memref<128xi32, #tpu.memory_space<vmem>>) offsets(%arg23 : memref<128xi32, #tpu.memory_space<vmem>>) semaphore(%arg26 : memref<!tpu.dma_semaphore, #tpu.memory_space<semaphore_mem>>)
      %dma_start3A_80 = arith.constant 128 : i32
      %dma_start3A_81 = tpu.memref_slice %arg20[%dma_start3A_80] : memref<256xi32, #tpu.memory_space<vmem>> -> memref<128xi32, #tpu.memory_space<vmem>>
      %dma_start3A_82 = arith.constant 0 : i32
      %dma_start3A_83 = tpu.memref_slice %arg7[%dma_start3A_82] : memref<4608xi32, #tpu.memory_space<hbm>> -> memref<4608xi32, #tpu.memory_space<hbm>>
      tpu.enqueue_indirect_dma source(%dma_start3A_83 : memref<4608xi32, #tpu.memory_space<hbm>>) target(%dma_start3A_81 : memref<128xi32, #tpu.memory_space<vmem>>) offsets(%arg23 : memref<128xi32, #tpu.memory_space<vmem>>) semaphore(%arg26 : memref<!tpu.dma_semaphore, #tpu.memory_space<semaphore_mem>>)
      %dma_start3A_84 = arith.constant 0 : i32
      %dma_start3A_85 = arith.constant 0 : i32
      %dma_start3A_86 = tpu.memref_slice %arg12[%dma_start3A_84, %dma_start3A_85] : memref<4608x256xf32, #tpu.memory_space<hbm>> -> memref<4608x256xf32, #tpu.memory_space<hbm>>
      tpu.enqueue_indirect_dma source(%dma_start3A_86 : memref<4608x256xf32, #tpu.memory_space<hbm>>) target(%arg25 : memref<128x256xf32, #tpu.memory_space<vmem>>) offsets(%arg23 : memref<128xi32, #tpu.memory_space<vmem>>) semaphore(%arg26 : memref<!tpu.dma_semaphore, #tpu.memory_space<semaphore_mem>>)
      %dma_wait3A_87 = arith.constant 128 : i32
      %dma_wait3A_88 = tpu.memref_slice %arg19[%dma_wait3A_87] : memref<256xi32, #tpu.memory_space<vmem>> -> memref<128xi32, #tpu.memory_space<vmem>>
      %dma_wait3A_89 = arith.constant 0 : i32
      %dma_wait3A_90 = tpu.memref_slice %arg6[%dma_wait3A_89] : memref<4608xi32, #tpu.memory_space<hbm>> -> memref<4608xi32, #tpu.memory_space<hbm>>
      tpu.wait_indirect_dma semaphore(%arg26 : memref<!tpu.dma_semaphore, #tpu.memory_space<semaphore_mem>>) src(%dma_wait3A_90 : memref<4608xi32, #tpu.memory_space<hbm>>) dst(%dma_wait3A_88 : memref<128xi32, #tpu.memory_space<vmem>>)
      %dma_wait3A_91 = arith.constant 128 : i32
      %dma_wait3A_92 = tpu.memref_slice %arg20[%dma_wait3A_91] : memref<256xi32, #tpu.memory_space<vmem>> -> memref<128xi32, #tpu.memory_space<vmem>>
      %dma_wait3A_93 = arith.constant 0 : i32
      %dma_wait3A_94 = tpu.memref_slice %arg7[%dma_wait3A_93] : memref<4608xi32, #tpu.memory_space<hbm>> -> memref<4608xi32, #tpu.memory_space<hbm>>
      tpu.wait_indirect_dma semaphore(%arg26 : memref<!tpu.dma_semaphore, #tpu.memory_space<semaphore_mem>>) src(%dma_wait3A_94 : memref<4608xi32, #tpu.memory_space<hbm>>) dst(%dma_wait3A_92 : memref<128xi32, #tpu.memory_space<vmem>>)
      %dma_wait3A_95 = arith.constant 0 : i32
      %dma_wait3A_96 = arith.constant 0 : i32
      %dma_wait3A_97 = tpu.memref_slice %arg12[%dma_wait3A_95, %dma_wait3A_96] : memref<4608x256xf32, #tpu.memory_space<hbm>> -> memref<4608x256xf32, #tpu.memory_space<hbm>>
      tpu.wait_indirect_dma semaphore(%arg26 : memref<!tpu.dma_semaphore, #tpu.memory_space<semaphore_mem>>) src(%dma_wait3A_97 : memref<4608x256xf32, #tpu.memory_space<hbm>>) dst(%arg25 : memref<128x256xf32, #tpu.memory_space<vmem>>)
      %add3A_98 = arith.constant 128 : i32
      %add3A_99 = arith.addi %mul3A_32, %add3A_98 : i32
      "tpu.region"() ({
        %run_scoped3A = tpu.sem_alloc : memref<!tpu.dma_semaphore, #tpu.memory_space<semaphore_mem>>
        %dma_start3A_164 = arith.constant 0 : i32
        %dma_start3A_165 = tpu.memref_slice %arg16[%add3A_99, %dma_start3A_164] : memref<4096x256xf32, #tpu.memory_space<hbm>> -> memref<128x256xf32, #tpu.memory_space<hbm>>
        %dma_start3A_166 = arith.constant 0 : i32
        %dma_start3A_167 = tpu.memref_slice %arg16[%add3A_99, %dma_start3A_166] : memref<4096x256xf32, #tpu.memory_space<hbm>> -> memref<128x256xf32, #tpu.memory_space<hbm>>
        tpu.enqueue_dma source(%arg25 : memref<128x256xf32, #tpu.memory_space<vmem>>) target(%dma_start3A_167 : memref<128x256xf32, #tpu.memory_space<hbm>>) target_semaphore(%run_scoped3A : memref<!tpu.dma_semaphore, #tpu.memory_space<semaphore_mem>>)
        %dma_wait3A_168 = arith.constant 0 : i32
        %dma_wait3A_169 = tpu.memref_slice %arg16[%add3A_99, %dma_wait3A_168] : memref<4096x256xf32, #tpu.memory_space<hbm>> -> memref<128x256xf32, #tpu.memory_space<hbm>>
        %dma_wait3A_170 = arith.constant 0 : i32
        %dma_wait3A_171 = tpu.memref_slice %arg16[%add3A_99, %dma_wait3A_170] : memref<4096x256xf32, #tpu.memory_space<hbm>> -> memref<128x256xf32, #tpu.memory_space<hbm>>
        tpu.wait_dma2 semaphore(%run_scoped3A : memref<!tpu.dma_semaphore, #tpu.memory_space<semaphore_mem>>) src(%arg25 : memref<128x256xf32, #tpu.memory_space<vmem>>) dst(%dma_wait3A_171 : memref<128x256xf32, #tpu.memory_space<hbm>>)
        tpu.yield
      }) : () -> ()
      %scan3A_100 = arith.constant 0 : i32
      %scan3A_101 = arith.constant 0 : i32
      %scan3A_102 = arith.constant 16 : i32
      %scan3A_103 = arith.addi %scan3A_101, %scan3A_102 : i32
      %scan3A_104 = arith.constant 1 : i32
      %scan3A_105 = scf.for %scan3A_164 = %scan3A_101 to %scan3A_103 step %scan3A_104 iter_args(%scan3A_165 = %scan3A_100) -> (i32)  : i32 {
        %mul3A_166 = arith.constant 16 : i32
        %mul3A_167 = arith.muli %scan3A_164, %mul3A_166 : i32
        %get3A = arith.index_cast %mul3A_167 : i32 to index
        %get3A_168 = tpu.vector_load %arg17[%get3A] {strides = array<i32>} : memref<256xi32, #tpu.memory_space<vmem>>, vector<16xi32>,
        %get3A_169 = vector.shape_cast %get3A_168 : vector<16xi32> to vector<16xi32>
        %mul3A_170 = arith.constant 36864 : i32
        %mul3A_171 = vector.broadcast %mul3A_170 : i32 to vector<16xi32>
        %mul3A_172 = arith.muli %get3A_169, %mul3A_171 : vector<16xi32>
        %swap3A = arith.index_cast %mul3A_167 : i32 to index
        %swap3A_173 = tpu.vector_load %arg21[%swap3A] {strides = array<i32>} : memref<256xi32, #tpu.memory_space<vmem>>, vector<16xi32>,
        %swap3A_174 = vector.shape_cast %swap3A_173 : vector<16xi32> to vector<16xi32>
        %swap3A_175 = vector.shape_cast %mul3A_172 : vector<16xi32> to vector<16xi32>
        tpu.vector_store %arg21[%swap3A], %swap3A_175 {strides = array<i32>} : memref<256xi32, #tpu.memory_space<vmem>>, vector<16xi32>,
        %scan3A_176 = arith.constant 0 : i32
        scf.yield %scan3A_176 : i32
      }
      %scan3A_106 = arith.constant 16 : i32
      %scan3A_107 = arith.constant 0 : i32
      %scan3A_108 = arith.constant 0 : i32
      %scan3A_109 = arith.constant 8 : i32
      %scan3A_110 = arith.addi %scan3A_108, %scan3A_109 : i32
      %scan3A_111 = arith.constant 1 : i32
      %scan3A_112 = scf.for %scan3A_164 = %scan3A_108 to %scan3A_110 step %scan3A_111 iter_args(%scan3A_165 = %scan3A_107) -> (i32)  : i32 {
        %mul3A_166 = arith.constant 16 : i32
        %mul3A_167 = arith.muli %scan3A_164, %mul3A_166 : i32
        %add3A_168 = arith.constant 0 : i32
        %add3A_169 = arith.addi %add3A_168, %mul3A_167 : i32
        %mul3A_170 = arith.constant 16 : i32
        %mul3A_171 = arith.muli %scan3A_164, %mul3A_170 : i32
        %get3A = arith.index_cast %add3A_169 : i32 to index
        %get3A_172 = tpu.vector_load %arg19[%get3A] {strides = array<i32>} : memref<256xi32, #tpu.memory_space<vmem>>, vector<16xi32>,
        %get3A_173 = vector.shape_cast %get3A_172 : vector<16xi32> to vector<16xi32>
        %add3A_174 = arith.constant -2 : i32
        %add3A_175 = vector.broadcast %add3A_174 : i32 to vector<16xi32>
        %add3A_176 = arith.addi %get3A_173, %add3A_175 : vector<16xi32>
        %get3A_177 = arith.index_cast %add3A_169 : i32 to index
        %get3A_178 = tpu.vector_load %arg20[%get3A_177] {strides = array<i32>} : memref<256xi32, #tpu.memory_space<vmem>>, vector<16xi32>,
        %get3A_179 = vector.shape_cast %get3A_178 : vector<16xi32> to vector<16xi32>
        %add3A_180 = arith.constant -2 : i32
        %add3A_181 = vector.broadcast %add3A_180 : i32 to vector<16xi32>
        %add3A_182 = arith.addi %get3A_179, %add3A_181 : vector<16xi32>
        %ge3A = arith.constant 0 : i32
        %ge3A_183 = vector.broadcast %ge3A : i32 to vector<16xi32>
        %ge3A_184 = arith.cmpi sge, %add3A_176, %ge3A_183 : vector<16xi32>
        %lt3A_185 = arith.constant 192 : i32
        %lt3A_186 = vector.broadcast %lt3A_185 : i32 to vector<16xi32>
        %lt3A_187 = arith.cmpi slt, %add3A_176, %lt3A_186 : vector<16xi32>
        %and3A_188 = arith.andi %ge3A_184, %lt3A_187 : vector<16xi1>
        %ge3A_189 = arith.constant 0 : i32
        %ge3A_190 = vector.broadcast %ge3A_189 : i32 to vector<16xi32>
        %ge3A_191 = arith.cmpi sge, %add3A_182, %ge3A_190 : vector<16xi32>
        %and3A_192 = arith.andi %and3A_188, %ge3A_191 : vector<16xi1>
        %lt3A_193 = arith.constant 192 : i32
        %lt3A_194 = vector.broadcast %lt3A_193 : i32 to vector<16xi32>
        %lt3A_195 = arith.cmpi slt, %add3A_182, %lt3A_194 : vector<16xi32>
        %and3A_196 = arith.andi %and3A_192, %lt3A_195 : vector<16xi1>
        %get3A_197 = arith.index_cast %add3A_169 : i32 to index
        %get3A_198 = tpu.vector_load %arg21[%get3A_197] {strides = array<i32>} : memref<256xi32, #tpu.memory_space<vmem>>, vector<16xi32>,
        %get3A_199 = vector.shape_cast %get3A_198 : vector<16xi32> to vector<16xi32>
        %mul3A_200 = arith.constant 192 : i32
        %mul3A_201 = vector.broadcast %mul3A_200 : i32 to vector<16xi32>
        %mul3A_202 = arith.muli %add3A_176, %mul3A_201 : vector<16xi32>
        %add3A_203 = arith.addi %get3A_199, %mul3A_202 : vector<16xi32>
        %add3A_204 = arith.addi %add3A_203, %add3A_182 : vector<16xi32>
        %jit3A_205 = arith.constant 73728 : i32
        %broadcast_in_dim3A = vector.broadcast %jit3A_205 : i32 to vector<16xi32>
        %select_n3A_206 = arith.select %and3A_196, %add3A_204, %broadcast_in_dim3A : vector<16xi1>, vector<16xi32>
        %swap3A = arith.index_cast %mul3A_171 : i32 to index
        %swap3A_207 = tpu.vector_load %arg22[%swap3A] {strides = array<i32>} : memref<128xi32, #tpu.memory_space<vmem>>, vector<16xi32>,
        %swap3A_208 = vector.shape_cast %swap3A_207 : vector<16xi32> to vector<16xi32>
        %swap3A_209 = vector.shape_cast %select_n3A_206 : vector<16xi32> to vector<16xi32>
        tpu.vector_store %arg22[%swap3A], %swap3A_209 {strides = array<i32>} : memref<128xi32, #tpu.memory_space<vmem>>, vector<16xi32>,
        %scan3A_210 = arith.constant 0 : i32
        scf.yield %scan3A_210 : i32
      }
      %scan3A_113 = arith.constant 8 : i32
      %dma_start3A_114 = arith.constant 0 : i32
      %dma_start3A_115 = arith.constant 0 : i32
      %dma_start3A_116 = tpu.memref_slice %arg24[%dma_start3A_114, %dma_start3A_115] : memref<256x128xf32, #tpu.memory_space<vmem>> -> memref<128x128xf32, #tpu.memory_space<vmem>>
      %dma_start3A_117 = arith.constant 0 : i32
      %dma_start3A_118 = arith.constant 0 : i32
      %dma_start3A_119 = tpu.memref_slice %arg3[%dma_start3A_117, %dma_start3A_118] : memref<73729x128xf32, #tpu.memory_space<hbm>> -> memref<73729x128xf32, #tpu.memory_space<hbm>>
      tpu.enqueue_indirect_dma source(%dma_start3A_119 : memref<73729x128xf32, #tpu.memory_space<hbm>>) target(%dma_start3A_116 : memref<128x128xf32, #tpu.memory_space<vmem>>) offsets(%arg22 : memref<128xi32, #tpu.memory_space<vmem>>) semaphore(%arg26 : memref<!tpu.dma_semaphore, #tpu.memory_space<semaphore_mem>>)
      %scan3A_120 = arith.constant 0 : i32
      %scan3A_121 = arith.constant 0 : i32
      %scan3A_122 = arith.constant 8 : i32
      %scan3A_123 = arith.addi %scan3A_121, %scan3A_122 : i32
      %scan3A_124 = arith.constant 1 : i32
      %scan3A_125 = scf.for %scan3A_164 = %scan3A_121 to %scan3A_123 step %scan3A_124 iter_args(%scan3A_165 = %scan3A_120) -> (i32)  : i32 {
        %mul3A_166 = arith.constant 16 : i32
        %mul3A_167 = arith.muli %scan3A_164, %mul3A_166 : i32
        %add3A_168 = arith.constant 128 : i32
        %add3A_169 = arith.addi %add3A_168, %mul3A_167 : i32
        %mul3A_170 = arith.constant 16 : i32
        %mul3A_171 = arith.muli %scan3A_164, %mul3A_170 : i32
        %get3A = arith.index_cast %add3A_169 : i32 to index
        %get3A_172 = tpu.vector_load %arg19[%get3A] {strides = array<i32>} : memref<256xi32, #tpu.memory_space<vmem>>, vector<16xi32>,
        %get3A_173 = vector.shape_cast %get3A_172 : vector<16xi32> to vector<16xi32>
        %add3A_174 = arith.constant -2 : i32
        %add3A_175 = vector.broadcast %add3A_174 : i32 to vector<16xi32>
        %add3A_176 = arith.addi %get3A_173, %add3A_175 : vector<16xi32>
        %get3A_177 = arith.index_cast %add3A_169 : i32 to index
        %get3A_178 = tpu.vector_load %arg20[%get3A_177] {strides = array<i32>} : memref<256xi32, #tpu.memory_space<vmem>>, vector<16xi32>,
        %get3A_179 = vector.shape_cast %get3A_178 : vector<16xi32> to vector<16xi32>
        %add3A_180 = arith.constant -2 : i32
        %add3A_181 = vector.broadcast %add3A_180 : i32 to vector<16xi32>
        %add3A_182 = arith.addi %get3A_179, %add3A_181 : vector<16xi32>
        %ge3A = arith.constant 0 : i32
        %ge3A_183 = vector.broadcast %ge3A : i32 to vector<16xi32>
        %ge3A_184 = arith.cmpi sge, %add3A_176, %ge3A_183 : vector<16xi32>
        %lt3A_185 = arith.constant 192 : i32
        %lt3A_186 = vector.broadcast %lt3A_185 : i32 to vector<16xi32>
        %lt3A_187 = arith.cmpi slt, %add3A_176, %lt3A_186 : vector<16xi32>
        %and3A_188 = arith.andi %ge3A_184, %lt3A_187 : vector<16xi1>
        %ge3A_189 = arith.constant 0 : i32
        %ge3A_190 = vector.broadcast %ge3A_189 : i32 to vector<16xi32>
        %ge3A_191 = arith.cmpi sge, %add3A_182, %ge3A_190 : vector<16xi32>
        %and3A_192 = arith.andi %and3A_188, %ge3A_191 : vector<16xi1>
        %lt3A_193 = arith.constant 192 : i32
        %lt3A_194 = vector.broadcast %lt3A_193 : i32 to vector<16xi32>
        %lt3A_195 = arith.cmpi slt, %add3A_182, %lt3A_194 : vector<16xi32>
        %and3A_196 = arith.andi %and3A_192, %lt3A_195 : vector<16xi1>
        %get3A_197 = arith.index_cast %add3A_169 : i32 to index
        %get3A_198 = tpu.vector_load %arg21[%get3A_197] {strides = array<i32>} : memref<256xi32, #tpu.memory_space<vmem>>, vector<16xi32>,
        %get3A_199 = vector.shape_cast %get3A_198 : vector<16xi32> to vector<16xi32>
        %mul3A_200 = arith.constant 192 : i32
        %mul3A_201 = vector.broadcast %mul3A_200 : i32 to vector<16xi32>
        %mul3A_202 = arith.muli %add3A_176, %mul3A_201 : vector<16xi32>
        %add3A_203 = arith.addi %get3A_199, %mul3A_202 : vector<16xi32>
        %add3A_204 = arith.addi %add3A_203, %add3A_182 : vector<16xi32>
        %jit3A_205 = arith.constant 73728 : i32
        %broadcast_in_dim3A = vector.broadcast %jit3A_205 : i32 to vector<16xi32>
        %select_n3A_206 = arith.select %and3A_196, %add3A_204, %broadcast_in_dim3A : vector<16xi1>, vector<16xi32>
        %swap3A = arith.index_cast %mul3A_171 : i32 to index
        %swap3A_207 = tpu.vector_load %arg23[%swap3A] {strides = array<i32>} : memref<128xi32, #tpu.memory_space<vmem>>, vector<16xi32>,
        %swap3A_208 = vector.shape_cast %swap3A_207 : vector<16xi32> to vector<16xi32>
        %swap3A_209 = vector.shape_cast %select_n3A_206 : vector<16xi32> to vector<16xi32>
        tpu.vector_store %arg23[%swap3A], %swap3A_209 {strides = array<i32>} : memref<128xi32, #tpu.memory_space<vmem>>, vector<16xi32>,
        %scan3A_210 = arith.constant 0 : i32
        scf.yield %scan3A_210 : i32
      }
      %scan3A_126 = arith.constant 8 : i32
      %dma_start3A_127 = arith.constant 128 : i32
      %dma_start3A_128 = arith.constant 0 : i32
      %dma_start3A_129 = tpu.memref_slice %arg24[%dma_start3A_127, %dma_start3A_128] : memref<256x128xf32, #tpu.memory_space<vmem>> -> memref<128x128xf32, #tpu.memory_space<vmem>>
      %dma_start3A_130 = arith.constant 0 : i32
      %dma_start3A_131 = arith.constant 0 : i32
      %dma_start3A_132 = tpu.memref_slice %arg3[%dma_start3A_130, %dma_start3A_131] : memref<73729x128xf32, #tpu.memory_space<hbm>> -> memref<73729x128xf32, #tpu.memory_space<hbm>>
      tpu.enqueue_indirect_dma source(%dma_start3A_132 : memref<73729x128xf32, #tpu.memory_space<hbm>>) target(%dma_start3A_129 : memref<128x128xf32, #tpu.memory_space<vmem>>) offsets(%arg23 : memref<128xi32, #tpu.memory_space<vmem>>) semaphore(%arg26 : memref<!tpu.dma_semaphore, #tpu.memory_space<semaphore_mem>>)
      %dma_wait3A_133 = arith.constant 0 : i32
      %dma_wait3A_134 = arith.constant 0 : i32
      %dma_wait3A_135 = tpu.memref_slice %arg24[%dma_wait3A_133, %dma_wait3A_134] : memref<256x128xf32, #tpu.memory_space<vmem>> -> memref<128x128xf32, #tpu.memory_space<vmem>>
      %dma_wait3A_136 = arith.constant 0 : i32
      %dma_wait3A_137 = arith.constant 0 : i32
      %dma_wait3A_138 = tpu.memref_slice %arg3[%dma_wait3A_136, %dma_wait3A_137] : memref<73729x128xf32, #tpu.memory_space<hbm>> -> memref<73729x128xf32, #tpu.memory_space<hbm>>
      tpu.wait_indirect_dma semaphore(%arg26 : memref<!tpu.dma_semaphore, #tpu.memory_space<semaphore_mem>>) src(%dma_wait3A_138 : memref<73729x128xf32, #tpu.memory_space<hbm>>) dst(%dma_wait3A_135 : memref<128x128xf32, #tpu.memory_space<vmem>>)
      %dma_wait3A_139 = arith.constant 128 : i32
      %dma_wait3A_140 = arith.constant 0 : i32
      %dma_wait3A_141 = tpu.memref_slice %arg24[%dma_wait3A_139, %dma_wait3A_140] : memref<256x128xf32, #tpu.memory_space<vmem>> -> memref<128x128xf32, #tpu.memory_space<vmem>>
      %dma_wait3A_142 = arith.constant 0 : i32
      %dma_wait3A_143 = arith.constant 0 : i32
      %dma_wait3A_144 = tpu.memref_slice %arg3[%dma_wait3A_142, %dma_wait3A_143] : memref<73729x128xf32, #tpu.memory_space<hbm>> -> memref<73729x128xf32, #tpu.memory_space<hbm>>
      tpu.wait_indirect_dma semaphore(%arg26 : memref<!tpu.dma_semaphore, #tpu.memory_space<semaphore_mem>>) src(%dma_wait3A_144 : memref<73729x128xf32, #tpu.memory_space<hbm>>) dst(%dma_wait3A_141 : memref<128x128xf32, #tpu.memory_space<vmem>>)
      %add3A_145 = arith.constant 0 : i32
      %add3A_146 = arith.addi %add3A_145, %mul3A_32 : i32
      %dma_start3A_147 = arith.constant 0 : i32
      %dma_start3A_148 = tpu.memref_slice %arg14[%add3A_146, %dma_start3A_147] : memref<102400x128xf32, #tpu.memory_space<hbm>> -> memref<256x128xf32, #tpu.memory_space<hbm>>
      %dma_start3A_149 = arith.constant 0 : i32
      %dma_start3A_150 = tpu.memref_slice %arg14[%add3A_146, %dma_start3A_149] : memref<102400x128xf32, #tpu.memory_space<hbm>> -> memref<256x128xf32, #tpu.memory_space<hbm>>
      tpu.enqueue_dma source(%arg24 : memref<256x128xf32, #tpu.memory_space<vmem>>) target(%dma_start3A_150 : memref<256x128xf32, #tpu.memory_space<hbm>>) target_semaphore(%arg27 : memref<!tpu.dma_semaphore, #tpu.memory_space<semaphore_mem>>)
      %scan3A_151 = arith.constant 0 : i32
      %scan3A_152 = arith.constant 1 : i32
      %scan3A_153 = arith.constant 24 : i32
      %scan3A_154 = arith.addi %scan3A_152, %scan3A_153 : i32
      %scan3A_155 = arith.constant 1 : i32
      %scan3A_156 = scf.for %scan3A_164 = %scan3A_152 to %scan3A_154 step %scan3A_155 iter_args(%scan3A_165 = %scan3A_151) -> (i32)  : i32 {
        %jit3A_166 = arith.constant 5 : i32
        %eq3A_167 = arith.constant 0 : i32
        %eq3A_168 = arith.cmpi eq, %jit3A_166, %eq3A_167 : i32
        %jit3A_169 = arith.constant 1 : i32
        %select_n3A_170 = arith.select %eq3A_168, %jit3A_169, %jit3A_166 : i32
        %rem3A_171 = arith.remsi %scan3A_164, %select_n3A_170 : i32
        %ne3A_172 = arith.constant 0 : i32
        %ne3A_173 = arith.cmpi ne, %rem3A_171, %ne3A_172 : i32
        %lt3A_174 = arith.constant 0 : i32
        %lt3A_175 = arith.cmpi slt, %rem3A_171, %lt3A_174 : i32
        %lt3A_176 = arith.constant 0 : i32
        %lt3A_177 = arith.cmpi slt, %select_n3A_170, %lt3A_176 : i32
        %ne3A_178 = arith.xori %lt3A_175, %lt3A_177 : i1
        %and3A_179 = arith.andi %ne3A_178, %ne3A_173 : i1
        %add3A_180 = arith.addi %rem3A_171, %select_n3A_170 : i32
        %select_n3A_181 = arith.select %and3A_179, %add3A_180, %rem3A_171 : i32
        %sub3A_182 = arith.constant 2 : i32
        %sub3A_183 = arith.subi %select_n3A_181, %sub3A_182 : i32
        %jit3A_184 = arith.constant 5 : i32
        %div3A_185 = arith.divsi %scan3A_164, %jit3A_184 : i32
        %sign3A_186 = arith.constant 0 : i32
        %sign3A_187 = arith.cmpi sgt, %scan3A_164, %sign3A_186 : i32
        %sign3A_188 = arith.extui %sign3A_187 : i1 to i32
        %sign3A_189 = arith.constant 0 : i32
        %sign3A_190 = arith.cmpi slt, %scan3A_164, %sign3A_189 : i32
        %sign3A_191 = arith.extui %sign3A_190 : i1 to i32
        %sign3A_192 = arith.subi %sign3A_188, %sign3A_191 : i32
        %sign3A_193 = arith.constant 0 : i32
        %sign3A_194 = arith.cmpi sgt, %jit3A_184, %sign3A_193 : i32
        %sign3A_195 = arith.extui %sign3A_194 : i1 to i32
        %sign3A_196 = arith.constant 0 : i32
        %sign3A_197 = arith.cmpi slt, %jit3A_184, %sign3A_196 : i32
        %sign3A_198 = arith.extui %sign3A_197 : i1 to i32
        %sign3A_199 = arith.subi %sign3A_195, %sign3A_198 : i32
        %ne3A_200 = arith.cmpi ne, %sign3A_192, %sign3A_199 : i32
        %rem3A_201 = arith.remsi %scan3A_164, %jit3A_184 : i32
        %ne3A_202 = arith.constant 0 : i32
        %ne3A_203 = arith.cmpi ne, %rem3A_201, %ne3A_202 : i32
        %and3A_204 = arith.andi %ne3A_200, %ne3A_203 : i1
        %sub3A_205 = arith.constant 1 : i32
        %sub3A_206 = arith.subi %div3A_185, %sub3A_205 : i32
        %select_n3A_207 = arith.select %and3A_204, %sub3A_206, %div3A_185 : i32
        %sub3A_208 = arith.constant 2 : i32
        %sub3A_209 = arith.subi %select_n3A_207, %sub3A_208 : i32
        %scan3A_210 = arith.constant 0 : i32
        %scan3A_211 = arith.constant 0 : i32
        %scan3A_212 = arith.constant 8 : i32
        %scan3A_213 = arith.addi %scan3A_211, %scan3A_212 : i32
        %scan3A_214 = arith.constant 1 : i32
        %scan3A_215 = scf.for %scan3A_262 = %scan3A_211 to %scan3A_213 step %scan3A_214 iter_args(%scan3A_263 = %scan3A_210) -> (i32)  : i32 {
          %mul3A_264 = arith.constant 16 : i32
          %mul3A_265 = arith.muli %scan3A_262, %mul3A_264 : i32
          %add3A_266 = arith.constant 0 : i32
          %add3A_267 = arith.addi %add3A_266, %mul3A_265 : i32
          %mul3A_268 = arith.constant 16 : i32
          %mul3A_269 = arith.muli %scan3A_262, %mul3A_268 : i32
          %get3A = arith.index_cast %add3A_267 : i32 to index
          %get3A_270 = tpu.vector_load %arg19[%get3A] {strides = array<i32>} : memref<256xi32, #tpu.memory_space<vmem>>, vector<16xi32>,
          %get3A_271 = vector.shape_cast %get3A_270 : vector<16xi32> to vector<16xi32>
          %add3A_272 = vector.broadcast %sub3A_183 : i32 to vector<16xi32>
          %add3A_273 = arith.addi %get3A_271, %add3A_272 : vector<16xi32>
          %get3A_274 = arith.index_cast %add3A_267 : i32 to index
          %get3A_275 = tpu.vector_load %arg20[%get3A_274] {strides = array<i32>} : memref<256xi32, #tpu.memory_space<vmem>>, vector<16xi32>,
          %get3A_276 = vector.shape_cast %get3A_275 : vector<16xi32> to vector<16xi32>
          %add3A_277 = vector.broadcast %sub3A_209 : i32 to vector<16xi32>
          %add3A_278 = arith.addi %get3A_276, %add3A_277 : vector<16xi32>
          %ge3A = arith.constant 0 : i32
          %ge3A_279 = vector.broadcast %ge3A : i32 to vector<16xi32>
          %ge3A_280 = arith.cmpi sge, %add3A_273, %ge3A_279 : vector<16xi32>
          %lt3A_281 = arith.constant 192 : i32
          %lt3A_282 = vector.broadcast %lt3A_281 : i32 to vector<16xi32>
          %lt3A_283 = arith.cmpi slt, %add3A_273, %lt3A_282 : vector<16xi32>
          %and3A_284 = arith.andi %ge3A_280, %lt3A_283 : vector<16xi1>
          %ge3A_285 = arith.constant 0 : i32
          %ge3A_286 = vector.broadcast %ge3A_285 : i32 to vector<16xi32>
          %ge3A_287 = arith.cmpi sge, %add3A_278, %ge3A_286 : vector<16xi32>
          %and3A_288 = arith.andi %and3A_284, %ge3A_287 : vector<16xi1>
          %lt3A_289 = arith.constant 192 : i32
          %lt3A_290 = vector.broadcast %lt3A_289 : i32 to vector<16xi32>
          %lt3A_291 = arith.cmpi slt, %add3A_278, %lt3A_290 : vector<16xi32>
          %and3A_292 = arith.andi %and3A_288, %lt3A_291 : vector<16xi1>
          %get3A_293 = arith.index_cast %add3A_267 : i32 to index
          %get3A_294 = tpu.vector_load %arg21[%get3A_293] {strides = array<i32>} : memref<256xi32, #tpu.memory_space<vmem>>, vector<16xi32>,
          %get3A_295 = vector.shape_cast %get3A_294 : vector<16xi32> to vector<16xi32>
          %mul3A_296 = arith.constant 192 : i32
          %mul3A_297 = vector.broadcast %mul3A_296 : i32 to vector<16xi32>
          %mul3A_298 = arith.muli %add3A_273, %mul3A_297 : vector<16xi32>
          %add3A_299 = arith.addi %get3A_295, %mul3A_298 : vector<16xi32>
          %add3A_300 = arith.addi %add3A_299, %add3A_278 : vector<16xi32>
          %jit3A_301 = arith.constant 73728 : i32
          %broadcast_in_dim3A = vector.broadcast %jit3A_301 : i32 to vector<16xi32>
          %select_n3A_302 = arith.select %and3A_292, %add3A_300, %broadcast_in_dim3A : vector<16xi1>, vector<16xi32>
          %swap3A = arith.index_cast %mul3A_269 : i32 to index
          %swap3A_303 = tpu.vector_load %arg22[%swap3A] {strides = array<i32>} : memref<128xi32, #tpu.memory_space<vmem>>, vector<16xi32>,
          %swap3A_304 = vector.shape_cast %swap3A_303 : vector<16xi32> to vector<16xi32>
          %swap3A_305 = vector.shape_cast %select_n3A_302 : vector<16xi32> to vector<16xi32>
          tpu.vector_store %arg22[%swap3A], %swap3A_305 {strides = array<i32>} : memref<128xi32, #tpu.memory_space<vmem>>, vector<16xi32>,
          %scan3A_306 = arith.constant 0 : i32
          scf.yield %scan3A_306 : i32
        }
        %scan3A_216 = arith.constant 8 : i32
        %dma_wait3A_217 = arith.constant 0 : i32
        %dma_wait3A_218 = arith.constant 0 : i32
        %dma_wait3A_219 = tpu.memref_slice %arg14[%dma_wait3A_217, %dma_wait3A_218] : memref<102400x128xf32, #tpu.memory_space<hbm>> -> memref<256x128xf32, #tpu.memory_space<hbm>>
        %dma_wait3A_220 = arith.constant 0 : i32
        %dma_wait3A_221 = arith.constant 0 : i32
        %dma_wait3A_222 = tpu.memref_slice %arg14[%dma_wait3A_220, %dma_wait3A_221] : memref<102400x128xf32, #tpu.memory_space<hbm>> -> memref<256x128xf32, #tpu.memory_space<hbm>>
        tpu.wait_dma2 semaphore(%arg27 : memref<!tpu.dma_semaphore, #tpu.memory_space<semaphore_mem>>) src(%arg24 : memref<256x128xf32, #tpu.memory_space<vmem>>) dst(%dma_wait3A_222 : memref<256x128xf32, #tpu.memory_space<hbm>>)
        %dma_start3A_223 = arith.constant 0 : i32
        %dma_start3A_224 = arith.constant 0 : i32
        %dma_start3A_225 = tpu.memref_slice %arg24[%dma_start3A_223, %dma_start3A_224] : memref<256x128xf32, #tpu.memory_space<vmem>> -> memref<128x128xf32, #tpu.memory_space<vmem>>
        %dma_start3A_226 = arith.constant 0 : i32
        %dma_start3A_227 = arith.constant 0 : i32
        %dma_start3A_228 = tpu.memref_slice %arg3[%dma_start3A_226, %dma_start3A_227] : memref<73729x128xf32, #tpu.memory_space<hbm>> -> memref<73729x128xf32, #tpu.memory_space<hbm>>
        tpu.enqueue_indirect_dma source(%dma_start3A_228 : memref<73729x128xf32, #tpu.memory_space<hbm>>) target(%dma_start3A_225 : memref<128x128xf32, #tpu.memory_space<vmem>>) offsets(%arg22 : memref<128xi32, #tpu.memory_space<vmem>>) semaphore(%arg26 : memref<!tpu.dma_semaphore, #tpu.memory_space<semaphore_mem>>)
        %scan3A_229 = arith.constant 0 : i32
        %scan3A_230 = arith.constant 0 : i32
        %scan3A_231 = arith.constant 8 : i32
        %scan3A_232 = arith.addi %scan3A_230, %scan3A_231 : i32
        %scan3A_233 = arith.constant 1 : i32
        %scan3A_234 = scf.for %scan3A_262 = %scan3A_230 to %scan3A_232 step %scan3A_233 iter_args(%scan3A_263 = %scan3A_229) -> (i32)  : i32 {
          %mul3A_264 = arith.constant 16 : i32
          %mul3A_265 = arith.muli %scan3A_262, %mul3A_264 : i32
          %add3A_266 = arith.constant 128 : i32
          %add3A_267 = arith.addi %add3A_266, %mul3A_265 : i32
          %mul3A_268 = arith.constant 16 : i32
          %mul3A_269 = arith.muli %scan3A_262, %mul3A_268 : i32
          %get3A = arith.index_cast %add3A_267 : i32 to index
          %get3A_270 = tpu.vector_load %arg19[%get3A] {strides = array<i32>} : memref<256xi32, #tpu.memory_space<vmem>>, vector<16xi32>,
          %get3A_271 = vector.shape_cast %get3A_270 : vector<16xi32> to vector<16xi32>
          %add3A_272 = vector.broadcast %sub3A_183 : i32 to vector<16xi32>
          %add3A_273 = arith.addi %get3A_271, %add3A_272 : vector<16xi32>
          %get3A_274 = arith.index_cast %add3A_267 : i32 to index
          %get3A_275 = tpu.vector_load %arg20[%get3A_274] {strides = array<i32>} : memref<256xi32, #tpu.memory_space<vmem>>, vector<16xi32>,
          %get3A_276 = vector.shape_cast %get3A_275 : vector<16xi32> to vector<16xi32>
          %add3A_277 = vector.broadcast %sub3A_209 : i32 to vector<16xi32>
          %add3A_278 = arith.addi %get3A_276, %add3A_277 : vector<16xi32>
          %ge3A = arith.constant 0 : i32
          %ge3A_279 = vector.broadcast %ge3A : i32 to vector<16xi32>
          %ge3A_280 = arith.cmpi sge, %add3A_273, %ge3A_279 : vector<16xi32>
          %lt3A_281 = arith.constant 192 : i32
          %lt3A_282 = vector.broadcast %lt3A_281 : i32 to vector<16xi32>
          %lt3A_283 = arith.cmpi slt, %add3A_273, %lt3A_282 : vector<16xi32>
          %and3A_284 = arith.andi %ge3A_280, %lt3A_283 : vector<16xi1>
          %ge3A_285 = arith.constant 0 : i32
          %ge3A_286 = vector.broadcast %ge3A_285 : i32 to vector<16xi32>
          %ge3A_287 = arith.cmpi sge, %add3A_278, %ge3A_286 : vector<16xi32>
          %and3A_288 = arith.andi %and3A_284, %ge3A_287 : vector<16xi1>
          %lt3A_289 = arith.constant 192 : i32
          %lt3A_290 = vector.broadcast %lt3A_289 : i32 to vector<16xi32>
          %lt3A_291 = arith.cmpi slt, %add3A_278, %lt3A_290 : vector<16xi32>
          %and3A_292 = arith.andi %and3A_288, %lt3A_291 : vector<16xi1>
          %get3A_293 = arith.index_cast %add3A_267 : i32 to index
          %get3A_294 = tpu.vector_load %arg21[%get3A_293] {strides = array<i32>} : memref<256xi32, #tpu.memory_space<vmem>>, vector<16xi32>,
          %get3A_295 = vector.shape_cast %get3A_294 : vector<16xi32> to vector<16xi32>
          %mul3A_296 = arith.constant 192 : i32
          %mul3A_297 = vector.broadcast %mul3A_296 : i32 to vector<16xi32>
          %mul3A_298 = arith.muli %add3A_273, %mul3A_297 : vector<16xi32>
          %add3A_299 = arith.addi %get3A_295, %mul3A_298 : vector<16xi32>
          %add3A_300 = arith.addi %add3A_299, %add3A_278 : vector<16xi32>
          %jit3A_301 = arith.constant 73728 : i32
          %broadcast_in_dim3A = vector.broadcast %jit3A_301 : i32 to vector<16xi32>
          %select_n3A_302 = arith.select %and3A_292, %add3A_300, %broadcast_in_dim3A : vector<16xi1>, vector<16xi32>
          %swap3A = arith.index_cast %mul3A_269 : i32 to index
          %swap3A_303 = tpu.vector_load %arg23[%swap3A] {strides = array<i32>} : memref<128xi32, #tpu.memory_space<vmem>>, vector<16xi32>,
          %swap3A_304 = vector.shape_cast %swap3A_303 : vector<16xi32> to vector<16xi32>
          %swap3A_305 = vector.shape_cast %select_n3A_302 : vector<16xi32> to vector<16xi32>
          tpu.vector_store %arg23[%swap3A], %swap3A_305 {strides = array<i32>} : memref<128xi32, #tpu.memory_space<vmem>>, vector<16xi32>,
          %scan3A_306 = arith.constant 0 : i32
          scf.yield %scan3A_306 : i32
        }
        %scan3A_235 = arith.constant 8 : i32
        %dma_start3A_236 = arith.constant 128 : i32
        %dma_start3A_237 = arith.constant 0 : i32
        %dma_start3A_238 = tpu.memref_slice %arg24[%dma_start3A_236, %dma_start3A_237] : memref<256x128xf32, #tpu.memory_space<vmem>> -> memref<128x128xf32, #tpu.memory_space<vmem>>
        %dma_start3A_239 = arith.constant 0 : i32
        %dma_start3A_240 = arith.constant 0 : i32
        %dma_start3A_241 = tpu.memref_slice %arg3[%dma_start3A_239, %dma_start3A_240] : memref<73729x128xf32, #tpu.memory_space<hbm>> -> memref<73729x128xf32, #tpu.memory_space<hbm>>
        tpu.enqueue_indirect_dma source(%dma_start3A_241 : memref<73729x128xf32, #tpu.memory_space<hbm>>) target(%dma_start3A_238 : memref<128x128xf32, #tpu.memory_space<vmem>>) offsets(%arg23 : memref<128xi32, #tpu.memory_space<vmem>>) semaphore(%arg26 : memref<!tpu.dma_semaphore, #tpu.memory_space<semaphore_mem>>)
        %dma_wait3A_242 = arith.constant 0 : i32
        %dma_wait3A_243 = arith.constant 0 : i32
        %dma_wait3A_244 = tpu.memref_slice %arg24[%dma_wait3A_242, %dma_wait3A_243] : memref<256x128xf32, #tpu.memory_space<vmem>> -> memref<128x128xf32, #tpu.memory_space<vmem>>
        %dma_wait3A_245 = arith.constant 0 : i32
        %dma_wait3A_246 = arith.constant 0 : i32
        %dma_wait3A_247 = tpu.memref_slice %arg3[%dma_wait3A_245, %dma_wait3A_246] : memref<73729x128xf32, #tpu.memory_space<hbm>> -> memref<73729x128xf32, #tpu.memory_space<hbm>>
        tpu.wait_indirect_dma semaphore(%arg26 : memref<!tpu.dma_semaphore, #tpu.memory_space<semaphore_mem>>) src(%dma_wait3A_247 : memref<73729x128xf32, #tpu.memory_space<hbm>>) dst(%dma_wait3A_244 : memref<128x128xf32, #tpu.memory_space<vmem>>)
        %dma_wait3A_248 = arith.constant 128 : i32
        %dma_wait3A_249 = arith.constant 0 : i32
        %dma_wait3A_250 = tpu.memref_slice %arg24[%dma_wait3A_248, %dma_wait3A_249] : memref<256x128xf32, #tpu.memory_space<vmem>> -> memref<128x128xf32, #tpu.memory_space<vmem>>
        %dma_wait3A_251 = arith.constant 0 : i32
        %dma_wait3A_252 = arith.constant 0 : i32
        %dma_wait3A_253 = tpu.memref_slice %arg3[%dma_wait3A_251, %dma_wait3A_252] : memref<73729x128xf32, #tpu.memory_space<hbm>> -> memref<73729x128xf32, #tpu.memory_space<hbm>>
        tpu.wait_indirect_dma semaphore(%arg26 : memref<!tpu.dma_semaphore, #tpu.memory_space<semaphore_mem>>) src(%dma_wait3A_253 : memref<73729x128xf32, #tpu.memory_space<hbm>>) dst(%dma_wait3A_250 : memref<128x128xf32, #tpu.memory_space<vmem>>)
        %mul3A_254 = arith.constant 4096 : i32
        %mul3A_255 = arith.muli %scan3A_164, %mul3A_254 : i32
        %add3A_256 = arith.addi %mul3A_255, %mul3A_32 : i32
        %dma_start3A_257 = arith.constant 0 : i32
        %dma_start3A_258 = tpu.memref_slice %arg14[%add3A_256, %dma_start3A_257] : memref<102400x128xf32, #tpu.memory_space<hbm>> -> memref<256x128xf32, #tpu.memory_space<hbm>>
        %dma_start3A_259 = arith.constant 0 : i32
        %dma_start3A_260 = tpu.memref_slice %arg14[%add3A_256, %dma_start3A_259] : memref<102400x128xf32, #tpu.memory_space<hbm>> -> memref<256x128xf32, #tpu.memory_space<hbm>>
        tpu.enqueue_dma source(%arg24 : memref<256x128xf32, #tpu.memory_space<vmem>>) target(%dma_start3A_260 : memref<256x128xf32, #tpu.memory_space<hbm>>) target_semaphore(%arg27 : memref<!tpu.dma_semaphore, #tpu.memory_space<semaphore_mem>>)
        %scan3A_261 = arith.constant 0 : i32
        scf.yield %scan3A_261 : i32
      }
      %scan3A_157 = arith.constant 24 : i32
      %dma_wait3A_158 = arith.constant 0 : i32
      %dma_wait3A_159 = arith.constant 0 : i32
      %dma_wait3A_160 = tpu.memref_slice %arg14[%dma_wait3A_158, %dma_wait3A_159] : memref<102400x128xf32, #tpu.memory_space<hbm>> -> memref<256x128xf32, #tpu.memory_space<hbm>>
      %dma_wait3A_161 = arith.constant 0 : i32
      %dma_wait3A_162 = arith.constant 0 : i32
      %dma_wait3A_163 = tpu.memref_slice %arg14[%dma_wait3A_161, %dma_wait3A_162] : memref<102400x128xf32, #tpu.memory_space<hbm>> -> memref<256x128xf32, #tpu.memory_space<hbm>>
      tpu.wait_dma2 semaphore(%arg27 : memref<!tpu.dma_semaphore, #tpu.memory_space<semaphore_mem>>) src(%arg24 : memref<256x128xf32, #tpu.memory_space<vmem>>) dst(%dma_wait3A_163 : memref<256x128xf32, #tpu.memory_space<hbm>>)
    } else {
    }
    return
  }
}

module attributes {stable_mosaic.version = 14 : i64} {
  func.func @body(%arg0: i32, %arg1: memref<25x128x128xf32, #tpu.memory_space<vmem>>, %arg2: memref<128x256xf32, #tpu.memory_space<vmem>>, %arg3: memref<128x256xf32, #tpu.memory_space<vmem>>, %arg4: memref<128x128xf32, #tpu.memory_space<vmem>>, %arg5: memref<128x128xf32, #tpu.memory_space<vmem>>, %arg6: memref<1x128xf32, #tpu.memory_space<vmem>>, %arg7: memref<1x128xf32, #tpu.memory_space<vmem>>, %arg8: memref<128x25x128xf32, #tpu.memory_space<vmem>>) attributes {dimension_semantics = [#tpu.dimension_semantics<arbitrary>], iteration_bounds = array<i64: 32>, scalar_prefetch = 0 : i64, scratch_operands = 0 : i64, tpu.core_type = #tpu.core_type<tc>, window_params = [{transform_indices = @transform_0, window_bounds = array<i64: 25, 128, 128>}, {transform_indices = @transform_1, window_bounds = array<i64: 128, 256>}, {pipeline_mode = #tpu.pipeline_mode<synchronous>, transform_indices = @transform_2, window_bounds = array<i64: 128, 256>}, {pipeline_mode = #tpu.pipeline_mode<synchronous>, transform_indices = @transform_3, window_bounds = array<i64: 128, 128>}, {pipeline_mode = #tpu.pipeline_mode<synchronous>, transform_indices = @transform_4, window_bounds = array<i64: 128, 128>}, {pipeline_mode = #tpu.pipeline_mode<synchronous>, transform_indices = @transform_5, window_bounds = array<i64: 1, 128>}, {pipeline_mode = #tpu.pipeline_mode<synchronous>, transform_indices = @transform_6, window_bounds = array<i64: 1, 128>}, {transform_indices = @transform_7, window_bounds = array<i64: 128, 25, 128>}]} {
    %get3A = arith.constant 0 : index
    %get3A_0 = arith.constant 0 : index
    %get3A_1 = vector.load %arg2[%get3A, %get3A_0] : memref<128x256xf32, #tpu.memory_space<vmem>>, vector<128x256xf32>
    %get3A_2 = arith.constant 0 : index
    %get3A_3 = arith.constant 0 : index
    %get3A_4 = vector.load %arg3[%get3A_2, %get3A_3] : memref<128x256xf32, #tpu.memory_space<vmem>>, vector<128x256xf32>
    %dot_general3A = arith.constant dense<0.000000e+00> : vector<128x128xf32>
    %dot_general3A_5 = tpu.matmul %get3A_1, %get3A_4, %dot_general3A {dimension_numbers = #tpu.dot_dimension_numbers<[1], [1], [0], [0], [0, 0, 1, 0], [], []>, precision = #tpu.contract_precision<fp32>, transpose_lhs_hint = false} : vector<128x256xf32>, vector<128x256xf32>, vector<128x128xf32> -> vector<128x128xf32>
    %get3A_6 = arith.constant 0 : index
    %get3A_7 = arith.constant 0 : index
    %get3A_8 = vector.load %arg6[%get3A_6, %get3A_7] : memref<1x128xf32, #tpu.memory_space<vmem>>, vector<1x128xf32>
    %add3A = vector.broadcast %get3A_8 : vector<1x128xf32> to vector<128x128xf32>
    %add3A_9 = arith.addf %dot_general3A_5, %add3A : vector<128x128xf32>
    %get3A_10 = arith.constant 0 : index
    %get3A_11 = arith.constant 0 : index
    %get3A_12 = vector.load %arg5[%get3A_10, %get3A_11] : memref<128x128xf32, #tpu.memory_space<vmem>>, vector<128x128xf32>
    %dot_general3A_13 = arith.constant dense<0.000000e+00> : vector<128x128xf32>
    %dot_general3A_14 = tpu.matmul %add3A_9, %get3A_12, %dot_general3A_13 {dimension_numbers = #tpu.dot_dimension_numbers<[1], [1], [0], [0], [0, 0, 1, 0], [], []>, precision = #tpu.contract_precision<fp32>, transpose_lhs_hint = false} : vector<128x128xf32>, vector<128x128xf32>, vector<128x128xf32> -> vector<128x128xf32>
    %get3A_15 = arith.constant 0 : index
    %get3A_16 = arith.constant 0 : index
    %get3A_17 = vector.load %arg7[%get3A_15, %get3A_16] : memref<1x128xf32, #tpu.memory_space<vmem>>, vector<1x128xf32>
    %add3A_18 = vector.broadcast %get3A_17 : vector<1x128xf32> to vector<128x128xf32>
    %add3A_19 = arith.addf %dot_general3A_14, %add3A_18 : vector<128x128xf32>
    %get3A_20 = arith.constant 0 : index
    %get3A_21 = arith.constant 0 : index
    %get3A_22 = arith.constant 0 : index
    %get3A_23 = vector.load %arg1[%get3A_20, %get3A_21, %get3A_22] : memref<25x128x128xf32, #tpu.memory_space<vmem>>, vector<1x128x128xf32>
    %get3A_24 = vector.shape_cast %get3A_23 : vector<1x128x128xf32> to vector<128x128xf32>
    %get3A_25 = arith.constant 0 : index
    %get3A_26 = arith.constant 0 : index
    %get3A_27 = vector.load %arg4[%get3A_25, %get3A_26] : memref<128x128xf32, #tpu.memory_space<vmem>>, vector<128x128xf32>
    %dot_general3A_28 = arith.constant dense<0.000000e+00> : vector<128x128xf32>
    %dot_general3A_29 = tpu.matmul %get3A_24, %get3A_27, %dot_general3A_28 {dimension_numbers = #tpu.dot_dimension_numbers<[1], [1], [0], [0], [0, 0, 1, 0], [], []>, precision = #tpu.contract_precision<fp32>, transpose_lhs_hint = false} : vector<128x128xf32>, vector<128x128xf32>, vector<128x128xf32> -> vector<128x128xf32>
    %add3A_30 = arith.addf %dot_general3A_29, %add3A_19 : vector<128x128xf32>
    %swap3A = arith.constant 0 : index
    %swap3A_31 = arith.constant 0 : index
    %swap3A_32 = arith.constant 0 : index
    %swap3A_33 = vector.load %arg8[%swap3A, %swap3A_31, %swap3A_32] : memref<128x25x128xf32, #tpu.memory_space<vmem>>, vector<128x1x128xf32>
    %swap3A_34 = vector.shape_cast %swap3A_33 : vector<128x1x128xf32> to vector<128x128xf32>
    %swap3A_35 = vector.shape_cast %add3A_30 : vector<128x128xf32> to vector<128x1x128xf32>
    tpu.vector_store %arg8[%swap3A, %swap3A_31, %swap3A_32], %swap3A_35 {strides = array<i32>} : memref<128x25x128xf32, #tpu.memory_space<vmem>>, vector<128x1x128xf32>,
    %get3A_36 = arith.constant 1 : index
    %get3A_37 = arith.constant 0 : index
    %get3A_38 = arith.constant 0 : index
    %get3A_39 = vector.load %arg1[%get3A_36, %get3A_37, %get3A_38] : memref<25x128x128xf32, #tpu.memory_space<vmem>>, vector<1x128x128xf32>
    %get3A_40 = vector.shape_cast %get3A_39 : vector<1x128x128xf32> to vector<128x128xf32>
    %get3A_41 = arith.constant 0 : index
    %get3A_42 = arith.constant 0 : index
    %get3A_43 = vector.load %arg4[%get3A_41, %get3A_42] : memref<128x128xf32, #tpu.memory_space<vmem>>, vector<128x128xf32>
    %dot_general3A_44 = arith.constant dense<0.000000e+00> : vector<128x128xf32>
    %dot_general3A_45 = tpu.matmul %get3A_40, %get3A_43, %dot_general3A_44 {dimension_numbers = #tpu.dot_dimension_numbers<[1], [1], [0], [0], [0, 0, 1, 0], [], []>, precision = #tpu.contract_precision<fp32>, transpose_lhs_hint = false} : vector<128x128xf32>, vector<128x128xf32>, vector<128x128xf32> -> vector<128x128xf32>
    %add3A_46 = arith.addf %dot_general3A_45, %add3A_19 : vector<128x128xf32>
    %swap3A_47 = arith.constant 0 : index
    %swap3A_48 = arith.constant 1 : index
    %swap3A_49 = arith.constant 0 : index
    %swap3A_50 = vector.load %arg8[%swap3A_47, %swap3A_48, %swap3A_49] : memref<128x25x128xf32, #tpu.memory_space<vmem>>, vector<128x1x128xf32>
    %swap3A_51 = vector.shape_cast %swap3A_50 : vector<128x1x128xf32> to vector<128x128xf32>
    %swap3A_52 = vector.shape_cast %add3A_46 : vector<128x128xf32> to vector<128x1x128xf32>
    tpu.vector_store %arg8[%swap3A_47, %swap3A_48, %swap3A_49], %swap3A_52 {strides = array<i32>} : memref<128x25x128xf32, #tpu.memory_space<vmem>>, vector<128x1x128xf32>,
    %get3A_53 = arith.constant 2 : index
    %get3A_54 = arith.constant 0 : index
    %get3A_55 = arith.constant 0 : index
    %get3A_56 = vector.load %arg1[%get3A_53, %get3A_54, %get3A_55] : memref<25x128x128xf32, #tpu.memory_space<vmem>>, vector<1x128x128xf32>
    %get3A_57 = vector.shape_cast %get3A_56 : vector<1x128x128xf32> to vector<128x128xf32>
    %get3A_58 = arith.constant 0 : index
    %get3A_59 = arith.constant 0 : index
    %get3A_60 = vector.load %arg4[%get3A_58, %get3A_59] : memref<128x128xf32, #tpu.memory_space<vmem>>, vector<128x128xf32>
    %dot_general3A_61 = arith.constant dense<0.000000e+00> : vector<128x128xf32>
    %dot_general3A_62 = tpu.matmul %get3A_57, %get3A_60, %dot_general3A_61 {dimension_numbers = #tpu.dot_dimension_numbers<[1], [1], [0], [0], [0, 0, 1, 0], [], []>, precision = #tpu.contract_precision<fp32>, transpose_lhs_hint = false} : vector<128x128xf32>, vector<128x128xf32>, vector<128x128xf32> -> vector<128x128xf32>
    %add3A_63 = arith.addf %dot_general3A_62, %add3A_19 : vector<128x128xf32>
    %swap3A_64 = arith.constant 0 : index
    %swap3A_65 = arith.constant 2 : index
    %swap3A_66 = arith.constant 0 : index
    %swap3A_67 = vector.load %arg8[%swap3A_64, %swap3A_65, %swap3A_66] : memref<128x25x128xf32, #tpu.memory_space<vmem>>, vector<128x1x128xf32>
    %swap3A_68 = vector.shape_cast %swap3A_67 : vector<128x1x128xf32> to vector<128x128xf32>
    %swap3A_69 = vector.shape_cast %add3A_63 : vector<128x128xf32> to vector<128x1x128xf32>
    tpu.vector_store %arg8[%swap3A_64, %swap3A_65, %swap3A_66], %swap3A_69 {strides = array<i32>} : memref<128x25x128xf32, #tpu.memory_space<vmem>>, vector<128x1x128xf32>,
    %get3A_70 = arith.constant 3 : index
    %get3A_71 = arith.constant 0 : index
    %get3A_72 = arith.constant 0 : index
    %get3A_73 = vector.load %arg1[%get3A_70, %get3A_71, %get3A_72] : memref<25x128x128xf32, #tpu.memory_space<vmem>>, vector<1x128x128xf32>
    %get3A_74 = vector.shape_cast %get3A_73 : vector<1x128x128xf32> to vector<128x128xf32>
    %get3A_75 = arith.constant 0 : index
    %get3A_76 = arith.constant 0 : index
    %get3A_77 = vector.load %arg4[%get3A_75, %get3A_76] : memref<128x128xf32, #tpu.memory_space<vmem>>, vector<128x128xf32>
    %dot_general3A_78 = arith.constant dense<0.000000e+00> : vector<128x128xf32>
    %dot_general3A_79 = tpu.matmul %get3A_74, %get3A_77, %dot_general3A_78 {dimension_numbers = #tpu.dot_dimension_numbers<[1], [1], [0], [0], [0, 0, 1, 0], [], []>, precision = #tpu.contract_precision<fp32>, transpose_lhs_hint = false} : vector<128x128xf32>, vector<128x128xf32>, vector<128x128xf32> -> vector<128x128xf32>
    %add3A_80 = arith.addf %dot_general3A_79, %add3A_19 : vector<128x128xf32>
    %swap3A_81 = arith.constant 0 : index
    %swap3A_82 = arith.constant 3 : index
    %swap3A_83 = arith.constant 0 : index
    %swap3A_84 = vector.load %arg8[%swap3A_81, %swap3A_82, %swap3A_83] : memref<128x25x128xf32, #tpu.memory_space<vmem>>, vector<128x1x128xf32>
    %swap3A_85 = vector.shape_cast %swap3A_84 : vector<128x1x128xf32> to vector<128x128xf32>
    %swap3A_86 = vector.shape_cast %add3A_80 : vector<128x128xf32> to vector<128x1x128xf32>
    tpu.vector_store %arg8[%swap3A_81, %swap3A_82, %swap3A_83], %swap3A_86 {strides = array<i32>} : memref<128x25x128xf32, #tpu.memory_space<vmem>>, vector<128x1x128xf32>,
    %get3A_87 = arith.constant 4 : index
    %get3A_88 = arith.constant 0 : index
    %get3A_89 = arith.constant 0 : index
    %get3A_90 = vector.load %arg1[%get3A_87, %get3A_88, %get3A_89] : memref<25x128x128xf32, #tpu.memory_space<vmem>>, vector<1x128x128xf32>
    %get3A_91 = vector.shape_cast %get3A_90 : vector<1x128x128xf32> to vector<128x128xf32>
    %get3A_92 = arith.constant 0 : index
    %get3A_93 = arith.constant 0 : index
    %get3A_94 = vector.load %arg4[%get3A_92, %get3A_93] : memref<128x128xf32, #tpu.memory_space<vmem>>, vector<128x128xf32>
    %dot_general3A_95 = arith.constant dense<0.000000e+00> : vector<128x128xf32>
    %dot_general3A_96 = tpu.matmul %get3A_91, %get3A_94, %dot_general3A_95 {dimension_numbers = #tpu.dot_dimension_numbers<[1], [1], [0], [0], [0, 0, 1, 0], [], []>, precision = #tpu.contract_precision<fp32>, transpose_lhs_hint = false} : vector<128x128xf32>, vector<128x128xf32>, vector<128x128xf32> -> vector<128x128xf32>
    %add3A_97 = arith.addf %dot_general3A_96, %add3A_19 : vector<128x128xf32>
    %swap3A_98 = arith.constant 0 : index
    %swap3A_99 = arith.constant 4 : index
    %swap3A_100 = arith.constant 0 : index
    %swap3A_101 = vector.load %arg8[%swap3A_98, %swap3A_99, %swap3A_100] : memref<128x25x128xf32, #tpu.memory_space<vmem>>, vector<128x1x128xf32>
    %swap3A_102 = vector.shape_cast %swap3A_101 : vector<128x1x128xf32> to vector<128x128xf32>
    %swap3A_103 = vector.shape_cast %add3A_97 : vector<128x128xf32> to vector<128x1x128xf32>
    tpu.vector_store %arg8[%swap3A_98, %swap3A_99, %swap3A_100], %swap3A_103 {strides = array<i32>} : memref<128x25x128xf32, #tpu.memory_space<vmem>>, vector<128x1x128xf32>,
    %get3A_104 = arith.constant 5 : index
    %get3A_105 = arith.constant 0 : index
    %get3A_106 = arith.constant 0 : index
    %get3A_107 = vector.load %arg1[%get3A_104, %get3A_105, %get3A_106] : memref<25x128x128xf32, #tpu.memory_space<vmem>>, vector<1x128x128xf32>
    %get3A_108 = vector.shape_cast %get3A_107 : vector<1x128x128xf32> to vector<128x128xf32>
    %get3A_109 = arith.constant 0 : index
    %get3A_110 = arith.constant 0 : index
    %get3A_111 = vector.load %arg4[%get3A_109, %get3A_110] : memref<128x128xf32, #tpu.memory_space<vmem>>, vector<128x128xf32>
    %dot_general3A_112 = arith.constant dense<0.000000e+00> : vector<128x128xf32>
    %dot_general3A_113 = tpu.matmul %get3A_108, %get3A_111, %dot_general3A_112 {dimension_numbers = #tpu.dot_dimension_numbers<[1], [1], [0], [0], [0, 0, 1, 0], [], []>, precision = #tpu.contract_precision<fp32>, transpose_lhs_hint = false} : vector<128x128xf32>, vector<128x128xf32>, vector<128x128xf32> -> vector<128x128xf32>
    %add3A_114 = arith.addf %dot_general3A_113, %add3A_19 : vector<128x128xf32>
    %swap3A_115 = arith.constant 0 : index
    %swap3A_116 = arith.constant 5 : index
    %swap3A_117 = arith.constant 0 : index
    %swap3A_118 = vector.load %arg8[%swap3A_115, %swap3A_116, %swap3A_117] : memref<128x25x128xf32, #tpu.memory_space<vmem>>, vector<128x1x128xf32>
    %swap3A_119 = vector.shape_cast %swap3A_118 : vector<128x1x128xf32> to vector<128x128xf32>
    %swap3A_120 = vector.shape_cast %add3A_114 : vector<128x128xf32> to vector<128x1x128xf32>
    tpu.vector_store %arg8[%swap3A_115, %swap3A_116, %swap3A_117], %swap3A_120 {strides = array<i32>} : memref<128x25x128xf32, #tpu.memory_space<vmem>>, vector<128x1x128xf32>,
    %get3A_121 = arith.constant 6 : index
    %get3A_122 = arith.constant 0 : index
    %get3A_123 = arith.constant 0 : index
    %get3A_124 = vector.load %arg1[%get3A_121, %get3A_122, %get3A_123] : memref<25x128x128xf32, #tpu.memory_space<vmem>>, vector<1x128x128xf32>
    %get3A_125 = vector.shape_cast %get3A_124 : vector<1x128x128xf32> to vector<128x128xf32>
    %get3A_126 = arith.constant 0 : index
    %get3A_127 = arith.constant 0 : index
    %get3A_128 = vector.load %arg4[%get3A_126, %get3A_127] : memref<128x128xf32, #tpu.memory_space<vmem>>, vector<128x128xf32>
    %dot_general3A_129 = arith.constant dense<0.000000e+00> : vector<128x128xf32>
    %dot_general3A_130 = tpu.matmul %get3A_125, %get3A_128, %dot_general3A_129 {dimension_numbers = #tpu.dot_dimension_numbers<[1], [1], [0], [0], [0, 0, 1, 0], [], []>, precision = #tpu.contract_precision<fp32>, transpose_lhs_hint = false} : vector<128x128xf32>, vector<128x128xf32>, vector<128x128xf32> -> vector<128x128xf32>
    %add3A_131 = arith.addf %dot_general3A_130, %add3A_19 : vector<128x128xf32>
    %swap3A_132 = arith.constant 0 : index
    %swap3A_133 = arith.constant 6 : index
    %swap3A_134 = arith.constant 0 : index
    %swap3A_135 = vector.load %arg8[%swap3A_132, %swap3A_133, %swap3A_134] : memref<128x25x128xf32, #tpu.memory_space<vmem>>, vector<128x1x128xf32>
    %swap3A_136 = vector.shape_cast %swap3A_135 : vector<128x1x128xf32> to vector<128x128xf32>
    %swap3A_137 = vector.shape_cast %add3A_131 : vector<128x128xf32> to vector<128x1x128xf32>
    tpu.vector_store %arg8[%swap3A_132, %swap3A_133, %swap3A_134], %swap3A_137 {strides = array<i32>} : memref<128x25x128xf32, #tpu.memory_space<vmem>>, vector<128x1x128xf32>,
    %get3A_138 = arith.constant 7 : index
    %get3A_139 = arith.constant 0 : index
    %get3A_140 = arith.constant 0 : index
    %get3A_141 = vector.load %arg1[%get3A_138, %get3A_139, %get3A_140] : memref<25x128x128xf32, #tpu.memory_space<vmem>>, vector<1x128x128xf32>
    %get3A_142 = vector.shape_cast %get3A_141 : vector<1x128x128xf32> to vector<128x128xf32>
    %get3A_143 = arith.constant 0 : index
    %get3A_144 = arith.constant 0 : index
    %get3A_145 = vector.load %arg4[%get3A_143, %get3A_144] : memref<128x128xf32, #tpu.memory_space<vmem>>, vector<128x128xf32>
    %dot_general3A_146 = arith.constant dense<0.000000e+00> : vector<128x128xf32>
    %dot_general3A_147 = tpu.matmul %get3A_142, %get3A_145, %dot_general3A_146 {dimension_numbers = #tpu.dot_dimension_numbers<[1], [1], [0], [0], [0, 0, 1, 0], [], []>, precision = #tpu.contract_precision<fp32>, transpose_lhs_hint = false} : vector<128x128xf32>, vector<128x128xf32>, vector<128x128xf32> -> vector<128x128xf32>
    %add3A_148 = arith.addf %dot_general3A_147, %add3A_19 : vector<128x128xf32>
    %swap3A_149 = arith.constant 0 : index
    %swap3A_150 = arith.constant 7 : index
    %swap3A_151 = arith.constant 0 : index
    %swap3A_152 = vector.load %arg8[%swap3A_149, %swap3A_150, %swap3A_151] : memref<128x25x128xf32, #tpu.memory_space<vmem>>, vector<128x1x128xf32>
    %swap3A_153 = vector.shape_cast %swap3A_152 : vector<128x1x128xf32> to vector<128x128xf32>
    %swap3A_154 = vector.shape_cast %add3A_148 : vector<128x128xf32> to vector<128x1x128xf32>
    tpu.vector_store %arg8[%swap3A_149, %swap3A_150, %swap3A_151], %swap3A_154 {strides = array<i32>} : memref<128x25x128xf32, #tpu.memory_space<vmem>>, vector<128x1x128xf32>,
    %get3A_155 = arith.constant 8 : index
    %get3A_156 = arith.constant 0 : index
    %get3A_157 = arith.constant 0 : index
    %get3A_158 = vector.load %arg1[%get3A_155, %get3A_156, %get3A_157] : memref<25x128x128xf32, #tpu.memory_space<vmem>>, vector<1x128x128xf32>
    %get3A_159 = vector.shape_cast %get3A_158 : vector<1x128x128xf32> to vector<128x128xf32>
    %get3A_160 = arith.constant 0 : index
    %get3A_161 = arith.constant 0 : index
    %get3A_162 = vector.load %arg4[%get3A_160, %get3A_161] : memref<128x128xf32, #tpu.memory_space<vmem>>, vector<128x128xf32>
    %dot_general3A_163 = arith.constant dense<0.000000e+00> : vector<128x128xf32>
    %dot_general3A_164 = tpu.matmul %get3A_159, %get3A_162, %dot_general3A_163 {dimension_numbers = #tpu.dot_dimension_numbers<[1], [1], [0], [0], [0, 0, 1, 0], [], []>, precision = #tpu.contract_precision<fp32>, transpose_lhs_hint = false} : vector<128x128xf32>, vector<128x128xf32>, vector<128x128xf32> -> vector<128x128xf32>
    %add3A_165 = arith.addf %dot_general3A_164, %add3A_19 : vector<128x128xf32>
    %swap3A_166 = arith.constant 0 : index
    %swap3A_167 = arith.constant 8 : index
    %swap3A_168 = arith.constant 0 : index
    %swap3A_169 = vector.load %arg8[%swap3A_166, %swap3A_167, %swap3A_168] : memref<128x25x128xf32, #tpu.memory_space<vmem>>, vector<128x1x128xf32>
    %swap3A_170 = vector.shape_cast %swap3A_169 : vector<128x1x128xf32> to vector<128x128xf32>
    %swap3A_171 = vector.shape_cast %add3A_165 : vector<128x128xf32> to vector<128x1x128xf32>
    tpu.vector_store %arg8[%swap3A_166, %swap3A_167, %swap3A_168], %swap3A_171 {strides = array<i32>} : memref<128x25x128xf32, #tpu.memory_space<vmem>>, vector<128x1x128xf32>,
    %get3A_172 = arith.constant 9 : index
    %get3A_173 = arith.constant 0 : index
    %get3A_174 = arith.constant 0 : index
    %get3A_175 = vector.load %arg1[%get3A_172, %get3A_173, %get3A_174] : memref<25x128x128xf32, #tpu.memory_space<vmem>>, vector<1x128x128xf32>
    %get3A_176 = vector.shape_cast %get3A_175 : vector<1x128x128xf32> to vector<128x128xf32>
    %get3A_177 = arith.constant 0 : index
    %get3A_178 = arith.constant 0 : index
    %get3A_179 = vector.load %arg4[%get3A_177, %get3A_178] : memref<128x128xf32, #tpu.memory_space<vmem>>, vector<128x128xf32>
    %dot_general3A_180 = arith.constant dense<0.000000e+00> : vector<128x128xf32>
    %dot_general3A_181 = tpu.matmul %get3A_176, %get3A_179, %dot_general3A_180 {dimension_numbers = #tpu.dot_dimension_numbers<[1], [1], [0], [0], [0, 0, 1, 0], [], []>, precision = #tpu.contract_precision<fp32>, transpose_lhs_hint = false} : vector<128x128xf32>, vector<128x128xf32>, vector<128x128xf32> -> vector<128x128xf32>
    %add3A_182 = arith.addf %dot_general3A_181, %add3A_19 : vector<128x128xf32>
    %swap3A_183 = arith.constant 0 : index
    %swap3A_184 = arith.constant 9 : index
    %swap3A_185 = arith.constant 0 : index
    %swap3A_186 = vector.load %arg8[%swap3A_183, %swap3A_184, %swap3A_185] : memref<128x25x128xf32, #tpu.memory_space<vmem>>, vector<128x1x128xf32>
    %swap3A_187 = vector.shape_cast %swap3A_186 : vector<128x1x128xf32> to vector<128x128xf32>
    %swap3A_188 = vector.shape_cast %add3A_182 : vector<128x128xf32> to vector<128x1x128xf32>
    tpu.vector_store %arg8[%swap3A_183, %swap3A_184, %swap3A_185], %swap3A_188 {strides = array<i32>} : memref<128x25x128xf32, #tpu.memory_space<vmem>>, vector<128x1x128xf32>,
    %get3A_189 = arith.constant 10 : index
    %get3A_190 = arith.constant 0 : index
    %get3A_191 = arith.constant 0 : index
    %get3A_192 = vector.load %arg1[%get3A_189, %get3A_190, %get3A_191] : memref<25x128x128xf32, #tpu.memory_space<vmem>>, vector<1x128x128xf32>
    %get3A_193 = vector.shape_cast %get3A_192 : vector<1x128x128xf32> to vector<128x128xf32>
    %get3A_194 = arith.constant 0 : index
    %get3A_195 = arith.constant 0 : index
    %get3A_196 = vector.load %arg4[%get3A_194, %get3A_195] : memref<128x128xf32, #tpu.memory_space<vmem>>, vector<128x128xf32>
    %dot_general3A_197 = arith.constant dense<0.000000e+00> : vector<128x128xf32>
    %dot_general3A_198 = tpu.matmul %get3A_193, %get3A_196, %dot_general3A_197 {dimension_numbers = #tpu.dot_dimension_numbers<[1], [1], [0], [0], [0, 0, 1, 0], [], []>, precision = #tpu.contract_precision<fp32>, transpose_lhs_hint = false} : vector<128x128xf32>, vector<128x128xf32>, vector<128x128xf32> -> vector<128x128xf32>
    %add3A_199 = arith.addf %dot_general3A_198, %add3A_19 : vector<128x128xf32>
    %swap3A_200 = arith.constant 0 : index
    %swap3A_201 = arith.constant 10 : index
    %swap3A_202 = arith.constant 0 : index
    %swap3A_203 = vector.load %arg8[%swap3A_200, %swap3A_201, %swap3A_202] : memref<128x25x128xf32, #tpu.memory_space<vmem>>, vector<128x1x128xf32>
    %swap3A_204 = vector.shape_cast %swap3A_203 : vector<128x1x128xf32> to vector<128x128xf32>
    %swap3A_205 = vector.shape_cast %add3A_199 : vector<128x128xf32> to vector<128x1x128xf32>
    tpu.vector_store %arg8[%swap3A_200, %swap3A_201, %swap3A_202], %swap3A_205 {strides = array<i32>} : memref<128x25x128xf32, #tpu.memory_space<vmem>>, vector<128x1x128xf32>,
    %get3A_206 = arith.constant 11 : index
    %get3A_207 = arith.constant 0 : index
    %get3A_208 = arith.constant 0 : index
    %get3A_209 = vector.load %arg1[%get3A_206, %get3A_207, %get3A_208] : memref<25x128x128xf32, #tpu.memory_space<vmem>>, vector<1x128x128xf32>
    %get3A_210 = vector.shape_cast %get3A_209 : vector<1x128x128xf32> to vector<128x128xf32>
    %get3A_211 = arith.constant 0 : index
    %get3A_212 = arith.constant 0 : index
    %get3A_213 = vector.load %arg4[%get3A_211, %get3A_212] : memref<128x128xf32, #tpu.memory_space<vmem>>, vector<128x128xf32>
    %dot_general3A_214 = arith.constant dense<0.000000e+00> : vector<128x128xf32>
    %dot_general3A_215 = tpu.matmul %get3A_210, %get3A_213, %dot_general3A_214 {dimension_numbers = #tpu.dot_dimension_numbers<[1], [1], [0], [0], [0, 0, 1, 0], [], []>, precision = #tpu.contract_precision<fp32>, transpose_lhs_hint = false} : vector<128x128xf32>, vector<128x128xf32>, vector<128x128xf32> -> vector<128x128xf32>
    %add3A_216 = arith.addf %dot_general3A_215, %add3A_19 : vector<128x128xf32>
    %swap3A_217 = arith.constant 0 : index
    %swap3A_218 = arith.constant 11 : index
    %swap3A_219 = arith.constant 0 : index
    %swap3A_220 = vector.load %arg8[%swap3A_217, %swap3A_218, %swap3A_219] : memref<128x25x128xf32, #tpu.memory_space<vmem>>, vector<128x1x128xf32>
    %swap3A_221 = vector.shape_cast %swap3A_220 : vector<128x1x128xf32> to vector<128x128xf32>
    %swap3A_222 = vector.shape_cast %add3A_216 : vector<128x128xf32> to vector<128x1x128xf32>
    tpu.vector_store %arg8[%swap3A_217, %swap3A_218, %swap3A_219], %swap3A_222 {strides = array<i32>} : memref<128x25x128xf32, #tpu.memory_space<vmem>>, vector<128x1x128xf32>,
    %get3A_223 = arith.constant 12 : index
    %get3A_224 = arith.constant 0 : index
    %get3A_225 = arith.constant 0 : index
    %get3A_226 = vector.load %arg1[%get3A_223, %get3A_224, %get3A_225] : memref<25x128x128xf32, #tpu.memory_space<vmem>>, vector<1x128x128xf32>
    %get3A_227 = vector.shape_cast %get3A_226 : vector<1x128x128xf32> to vector<128x128xf32>
    %get3A_228 = arith.constant 0 : index
    %get3A_229 = arith.constant 0 : index
    %get3A_230 = vector.load %arg4[%get3A_228, %get3A_229] : memref<128x128xf32, #tpu.memory_space<vmem>>, vector<128x128xf32>
    %dot_general3A_231 = arith.constant dense<0.000000e+00> : vector<128x128xf32>
    %dot_general3A_232 = tpu.matmul %get3A_227, %get3A_230, %dot_general3A_231 {dimension_numbers = #tpu.dot_dimension_numbers<[1], [1], [0], [0], [0, 0, 1, 0], [], []>, precision = #tpu.contract_precision<fp32>, transpose_lhs_hint = false} : vector<128x128xf32>, vector<128x128xf32>, vector<128x128xf32> -> vector<128x128xf32>
    %add3A_233 = arith.addf %dot_general3A_232, %add3A_19 : vector<128x128xf32>
    %swap3A_234 = arith.constant 0 : index
    %swap3A_235 = arith.constant 12 : index
    %swap3A_236 = arith.constant 0 : index
    %swap3A_237 = vector.load %arg8[%swap3A_234, %swap3A_235, %swap3A_236] : memref<128x25x128xf32, #tpu.memory_space<vmem>>, vector<128x1x128xf32>
    %swap3A_238 = vector.shape_cast %swap3A_237 : vector<128x1x128xf32> to vector<128x128xf32>
    %swap3A_239 = vector.shape_cast %add3A_233 : vector<128x128xf32> to vector<128x1x128xf32>
    tpu.vector_store %arg8[%swap3A_234, %swap3A_235, %swap3A_236], %swap3A_239 {strides = array<i32>} : memref<128x25x128xf32, #tpu.memory_space<vmem>>, vector<128x1x128xf32>,
    %get3A_240 = arith.constant 13 : index
    %get3A_241 = arith.constant 0 : index
    %get3A_242 = arith.constant 0 : index
    %get3A_243 = vector.load %arg1[%get3A_240, %get3A_241, %get3A_242] : memref<25x128x128xf32, #tpu.memory_space<vmem>>, vector<1x128x128xf32>
    %get3A_244 = vector.shape_cast %get3A_243 : vector<1x128x128xf32> to vector<128x128xf32>
    %get3A_245 = arith.constant 0 : index
    %get3A_246 = arith.constant 0 : index
    %get3A_247 = vector.load %arg4[%get3A_245, %get3A_246] : memref<128x128xf32, #tpu.memory_space<vmem>>, vector<128x128xf32>
    %dot_general3A_248 = arith.constant dense<0.000000e+00> : vector<128x128xf32>
    %dot_general3A_249 = tpu.matmul %get3A_244, %get3A_247, %dot_general3A_248 {dimension_numbers = #tpu.dot_dimension_numbers<[1], [1], [0], [0], [0, 0, 1, 0], [], []>, precision = #tpu.contract_precision<fp32>, transpose_lhs_hint = false} : vector<128x128xf32>, vector<128x128xf32>, vector<128x128xf32> -> vector<128x128xf32>
    %add3A_250 = arith.addf %dot_general3A_249, %add3A_19 : vector<128x128xf32>
    %swap3A_251 = arith.constant 0 : index
    %swap3A_252 = arith.constant 13 : index
    %swap3A_253 = arith.constant 0 : index
    %swap3A_254 = vector.load %arg8[%swap3A_251, %swap3A_252, %swap3A_253] : memref<128x25x128xf32, #tpu.memory_space<vmem>>, vector<128x1x128xf32>
    %swap3A_255 = vector.shape_cast %swap3A_254 : vector<128x1x128xf32> to vector<128x128xf32>
    %swap3A_256 = vector.shape_cast %add3A_250 : vector<128x128xf32> to vector<128x1x128xf32>
    tpu.vector_store %arg8[%swap3A_251, %swap3A_252, %swap3A_253], %swap3A_256 {strides = array<i32>} : memref<128x25x128xf32, #tpu.memory_space<vmem>>, vector<128x1x128xf32>,
    %get3A_257 = arith.constant 14 : index
    %get3A_258 = arith.constant 0 : index
    %get3A_259 = arith.constant 0 : index
    %get3A_260 = vector.load %arg1[%get3A_257, %get3A_258, %get3A_259] : memref<25x128x128xf32, #tpu.memory_space<vmem>>, vector<1x128x128xf32>
    %get3A_261 = vector.shape_cast %get3A_260 : vector<1x128x128xf32> to vector<128x128xf32>
    %get3A_262 = arith.constant 0 : index
    %get3A_263 = arith.constant 0 : index
    %get3A_264 = vector.load %arg4[%get3A_262, %get3A_263] : memref<128x128xf32, #tpu.memory_space<vmem>>, vector<128x128xf32>
    %dot_general3A_265 = arith.constant dense<0.000000e+00> : vector<128x128xf32>
    %dot_general3A_266 = tpu.matmul %get3A_261, %get3A_264, %dot_general3A_265 {dimension_numbers = #tpu.dot_dimension_numbers<[1], [1], [0], [0], [0, 0, 1, 0], [], []>, precision = #tpu.contract_precision<fp32>, transpose_lhs_hint = false} : vector<128x128xf32>, vector<128x128xf32>, vector<128x128xf32> -> vector<128x128xf32>
    %add3A_267 = arith.addf %dot_general3A_266, %add3A_19 : vector<128x128xf32>
    %swap3A_268 = arith.constant 0 : index
    %swap3A_269 = arith.constant 14 : index
    %swap3A_270 = arith.constant 0 : index
    %swap3A_271 = vector.load %arg8[%swap3A_268, %swap3A_269, %swap3A_270] : memref<128x25x128xf32, #tpu.memory_space<vmem>>, vector<128x1x128xf32>
    %swap3A_272 = vector.shape_cast %swap3A_271 : vector<128x1x128xf32> to vector<128x128xf32>
    %swap3A_273 = vector.shape_cast %add3A_267 : vector<128x128xf32> to vector<128x1x128xf32>
    tpu.vector_store %arg8[%swap3A_268, %swap3A_269, %swap3A_270], %swap3A_273 {strides = array<i32>} : memref<128x25x128xf32, #tpu.memory_space<vmem>>, vector<128x1x128xf32>,
    %get3A_274 = arith.constant 15 : index
    %get3A_275 = arith.constant 0 : index
    %get3A_276 = arith.constant 0 : index
    %get3A_277 = vector.load %arg1[%get3A_274, %get3A_275, %get3A_276] : memref<25x128x128xf32, #tpu.memory_space<vmem>>, vector<1x128x128xf32>
    %get3A_278 = vector.shape_cast %get3A_277 : vector<1x128x128xf32> to vector<128x128xf32>
    %get3A_279 = arith.constant 0 : index
    %get3A_280 = arith.constant 0 : index
    %get3A_281 = vector.load %arg4[%get3A_279, %get3A_280] : memref<128x128xf32, #tpu.memory_space<vmem>>, vector<128x128xf32>
    %dot_general3A_282 = arith.constant dense<0.000000e+00> : vector<128x128xf32>
    %dot_general3A_283 = tpu.matmul %get3A_278, %get3A_281, %dot_general3A_282 {dimension_numbers = #tpu.dot_dimension_numbers<[1], [1], [0], [0], [0, 0, 1, 0], [], []>, precision = #tpu.contract_precision<fp32>, transpose_lhs_hint = false} : vector<128x128xf32>, vector<128x128xf32>, vector<128x128xf32> -> vector<128x128xf32>
    %add3A_284 = arith.addf %dot_general3A_283, %add3A_19 : vector<128x128xf32>
    %swap3A_285 = arith.constant 0 : index
    %swap3A_286 = arith.constant 15 : index
    %swap3A_287 = arith.constant 0 : index
    %swap3A_288 = vector.load %arg8[%swap3A_285, %swap3A_286, %swap3A_287] : memref<128x25x128xf32, #tpu.memory_space<vmem>>, vector<128x1x128xf32>
    %swap3A_289 = vector.shape_cast %swap3A_288 : vector<128x1x128xf32> to vector<128x128xf32>
    %swap3A_290 = vector.shape_cast %add3A_284 : vector<128x128xf32> to vector<128x1x128xf32>
    tpu.vector_store %arg8[%swap3A_285, %swap3A_286, %swap3A_287], %swap3A_290 {strides = array<i32>} : memref<128x25x128xf32, #tpu.memory_space<vmem>>, vector<128x1x128xf32>,
    %get3A_291 = arith.constant 16 : index
    %get3A_292 = arith.constant 0 : index
    %get3A_293 = arith.constant 0 : index
    %get3A_294 = vector.load %arg1[%get3A_291, %get3A_292, %get3A_293] : memref<25x128x128xf32, #tpu.memory_space<vmem>>, vector<1x128x128xf32>
    %get3A_295 = vector.shape_cast %get3A_294 : vector<1x128x128xf32> to vector<128x128xf32>
    %get3A_296 = arith.constant 0 : index
    %get3A_297 = arith.constant 0 : index
    %get3A_298 = vector.load %arg4[%get3A_296, %get3A_297] : memref<128x128xf32, #tpu.memory_space<vmem>>, vector<128x128xf32>
    %dot_general3A_299 = arith.constant dense<0.000000e+00> : vector<128x128xf32>
    %dot_general3A_300 = tpu.matmul %get3A_295, %get3A_298, %dot_general3A_299 {dimension_numbers = #tpu.dot_dimension_numbers<[1], [1], [0], [0], [0, 0, 1, 0], [], []>, precision = #tpu.contract_precision<fp32>, transpose_lhs_hint = false} : vector<128x128xf32>, vector<128x128xf32>, vector<128x128xf32> -> vector<128x128xf32>
    %add3A_301 = arith.addf %dot_general3A_300, %add3A_19 : vector<128x128xf32>
    %swap3A_302 = arith.constant 0 : index
    %swap3A_303 = arith.constant 16 : index
    %swap3A_304 = arith.constant 0 : index
    %swap3A_305 = vector.load %arg8[%swap3A_302, %swap3A_303, %swap3A_304] : memref<128x25x128xf32, #tpu.memory_space<vmem>>, vector<128x1x128xf32>
    %swap3A_306 = vector.shape_cast %swap3A_305 : vector<128x1x128xf32> to vector<128x128xf32>
    %swap3A_307 = vector.shape_cast %add3A_301 : vector<128x128xf32> to vector<128x1x128xf32>
    tpu.vector_store %arg8[%swap3A_302, %swap3A_303, %swap3A_304], %swap3A_307 {strides = array<i32>} : memref<128x25x128xf32, #tpu.memory_space<vmem>>, vector<128x1x128xf32>,
    %get3A_308 = arith.constant 17 : index
    %get3A_309 = arith.constant 0 : index
    %get3A_310 = arith.constant 0 : index
    %get3A_311 = vector.load %arg1[%get3A_308, %get3A_309, %get3A_310] : memref<25x128x128xf32, #tpu.memory_space<vmem>>, vector<1x128x128xf32>
    %get3A_312 = vector.shape_cast %get3A_311 : vector<1x128x128xf32> to vector<128x128xf32>
    %get3A_313 = arith.constant 0 : index
    %get3A_314 = arith.constant 0 : index
    %get3A_315 = vector.load %arg4[%get3A_313, %get3A_314] : memref<128x128xf32, #tpu.memory_space<vmem>>, vector<128x128xf32>
    %dot_general3A_316 = arith.constant dense<0.000000e+00> : vector<128x128xf32>
    %dot_general3A_317 = tpu.matmul %get3A_312, %get3A_315, %dot_general3A_316 {dimension_numbers = #tpu.dot_dimension_numbers<[1], [1], [0], [0], [0, 0, 1, 0], [], []>, precision = #tpu.contract_precision<fp32>, transpose_lhs_hint = false} : vector<128x128xf32>, vector<128x128xf32>, vector<128x128xf32> -> vector<128x128xf32>
    %add3A_318 = arith.addf %dot_general3A_317, %add3A_19 : vector<128x128xf32>
    %swap3A_319 = arith.constant 0 : index
    %swap3A_320 = arith.constant 17 : index
    %swap3A_321 = arith.constant 0 : index
    %swap3A_322 = vector.load %arg8[%swap3A_319, %swap3A_320, %swap3A_321] : memref<128x25x128xf32, #tpu.memory_space<vmem>>, vector<128x1x128xf32>
    %swap3A_323 = vector.shape_cast %swap3A_322 : vector<128x1x128xf32> to vector<128x128xf32>
    %swap3A_324 = vector.shape_cast %add3A_318 : vector<128x128xf32> to vector<128x1x128xf32>
    tpu.vector_store %arg8[%swap3A_319, %swap3A_320, %swap3A_321], %swap3A_324 {strides = array<i32>} : memref<128x25x128xf32, #tpu.memory_space<vmem>>, vector<128x1x128xf32>,
    %get3A_325 = arith.constant 18 : index
    %get3A_326 = arith.constant 0 : index
    %get3A_327 = arith.constant 0 : index
    %get3A_328 = vector.load %arg1[%get3A_325, %get3A_326, %get3A_327] : memref<25x128x128xf32, #tpu.memory_space<vmem>>, vector<1x128x128xf32>
    %get3A_329 = vector.shape_cast %get3A_328 : vector<1x128x128xf32> to vector<128x128xf32>
    %get3A_330 = arith.constant 0 : index
    %get3A_331 = arith.constant 0 : index
    %get3A_332 = vector.load %arg4[%get3A_330, %get3A_331] : memref<128x128xf32, #tpu.memory_space<vmem>>, vector<128x128xf32>
    %dot_general3A_333 = arith.constant dense<0.000000e+00> : vector<128x128xf32>
    %dot_general3A_334 = tpu.matmul %get3A_329, %get3A_332, %dot_general3A_333 {dimension_numbers = #tpu.dot_dimension_numbers<[1], [1], [0], [0], [0, 0, 1, 0], [], []>, precision = #tpu.contract_precision<fp32>, transpose_lhs_hint = false} : vector<128x128xf32>, vector<128x128xf32>, vector<128x128xf32> -> vector<128x128xf32>
    %add3A_335 = arith.addf %dot_general3A_334, %add3A_19 : vector<128x128xf32>
    %swap3A_336 = arith.constant 0 : index
    %swap3A_337 = arith.constant 18 : index
    %swap3A_338 = arith.constant 0 : index
    %swap3A_339 = vector.load %arg8[%swap3A_336, %swap3A_337, %swap3A_338] : memref<128x25x128xf32, #tpu.memory_space<vmem>>, vector<128x1x128xf32>
    %swap3A_340 = vector.shape_cast %swap3A_339 : vector<128x1x128xf32> to vector<128x128xf32>
    %swap3A_341 = vector.shape_cast %add3A_335 : vector<128x128xf32> to vector<128x1x128xf32>
    tpu.vector_store %arg8[%swap3A_336, %swap3A_337, %swap3A_338], %swap3A_341 {strides = array<i32>} : memref<128x25x128xf32, #tpu.memory_space<vmem>>, vector<128x1x128xf32>,
    %get3A_342 = arith.constant 19 : index
    %get3A_343 = arith.constant 0 : index
    %get3A_344 = arith.constant 0 : index
    %get3A_345 = vector.load %arg1[%get3A_342, %get3A_343, %get3A_344] : memref<25x128x128xf32, #tpu.memory_space<vmem>>, vector<1x128x128xf32>
    %get3A_346 = vector.shape_cast %get3A_345 : vector<1x128x128xf32> to vector<128x128xf32>
    %get3A_347 = arith.constant 0 : index
    %get3A_348 = arith.constant 0 : index
    %get3A_349 = vector.load %arg4[%get3A_347, %get3A_348] : memref<128x128xf32, #tpu.memory_space<vmem>>, vector<128x128xf32>
    %dot_general3A_350 = arith.constant dense<0.000000e+00> : vector<128x128xf32>
    %dot_general3A_351 = tpu.matmul %get3A_346, %get3A_349, %dot_general3A_350 {dimension_numbers = #tpu.dot_dimension_numbers<[1], [1], [0], [0], [0, 0, 1, 0], [], []>, precision = #tpu.contract_precision<fp32>, transpose_lhs_hint = false} : vector<128x128xf32>, vector<128x128xf32>, vector<128x128xf32> -> vector<128x128xf32>
    %add3A_352 = arith.addf %dot_general3A_351, %add3A_19 : vector<128x128xf32>
    %swap3A_353 = arith.constant 0 : index
    %swap3A_354 = arith.constant 19 : index
    %swap3A_355 = arith.constant 0 : index
    %swap3A_356 = vector.load %arg8[%swap3A_353, %swap3A_354, %swap3A_355] : memref<128x25x128xf32, #tpu.memory_space<vmem>>, vector<128x1x128xf32>
    %swap3A_357 = vector.shape_cast %swap3A_356 : vector<128x1x128xf32> to vector<128x128xf32>
    %swap3A_358 = vector.shape_cast %add3A_352 : vector<128x128xf32> to vector<128x1x128xf32>
    tpu.vector_store %arg8[%swap3A_353, %swap3A_354, %swap3A_355], %swap3A_358 {strides = array<i32>} : memref<128x25x128xf32, #tpu.memory_space<vmem>>, vector<128x1x128xf32>,
    %get3A_359 = arith.constant 20 : index
    %get3A_360 = arith.constant 0 : index
    %get3A_361 = arith.constant 0 : index
    %get3A_362 = vector.load %arg1[%get3A_359, %get3A_360, %get3A_361] : memref<25x128x128xf32, #tpu.memory_space<vmem>>, vector<1x128x128xf32>
    %get3A_363 = vector.shape_cast %get3A_362 : vector<1x128x128xf32> to vector<128x128xf32>
    %get3A_364 = arith.constant 0 : index
    %get3A_365 = arith.constant 0 : index
    %get3A_366 = vector.load %arg4[%get3A_364, %get3A_365] : memref<128x128xf32, #tpu.memory_space<vmem>>, vector<128x128xf32>
    %dot_general3A_367 = arith.constant dense<0.000000e+00> : vector<128x128xf32>
    %dot_general3A_368 = tpu.matmul %get3A_363, %get3A_366, %dot_general3A_367 {dimension_numbers = #tpu.dot_dimension_numbers<[1], [1], [0], [0], [0, 0, 1, 0], [], []>, precision = #tpu.contract_precision<fp32>, transpose_lhs_hint = false} : vector<128x128xf32>, vector<128x128xf32>, vector<128x128xf32> -> vector<128x128xf32>
    %add3A_369 = arith.addf %dot_general3A_368, %add3A_19 : vector<128x128xf32>
    %swap3A_370 = arith.constant 0 : index
    %swap3A_371 = arith.constant 20 : index
    %swap3A_372 = arith.constant 0 : index
    %swap3A_373 = vector.load %arg8[%swap3A_370, %swap3A_371, %swap3A_372] : memref<128x25x128xf32, #tpu.memory_space<vmem>>, vector<128x1x128xf32>
    %swap3A_374 = vector.shape_cast %swap3A_373 : vector<128x1x128xf32> to vector<128x128xf32>
    %swap3A_375 = vector.shape_cast %add3A_369 : vector<128x128xf32> to vector<128x1x128xf32>
    tpu.vector_store %arg8[%swap3A_370, %swap3A_371, %swap3A_372], %swap3A_375 {strides = array<i32>} : memref<128x25x128xf32, #tpu.memory_space<vmem>>, vector<128x1x128xf32>,
    %get3A_376 = arith.constant 21 : index
    %get3A_377 = arith.constant 0 : index
    %get3A_378 = arith.constant 0 : index
    %get3A_379 = vector.load %arg1[%get3A_376, %get3A_377, %get3A_378] : memref<25x128x128xf32, #tpu.memory_space<vmem>>, vector<1x128x128xf32>
    %get3A_380 = vector.shape_cast %get3A_379 : vector<1x128x128xf32> to vector<128x128xf32>
    %get3A_381 = arith.constant 0 : index
    %get3A_382 = arith.constant 0 : index
    %get3A_383 = vector.load %arg4[%get3A_381, %get3A_382] : memref<128x128xf32, #tpu.memory_space<vmem>>, vector<128x128xf32>
    %dot_general3A_384 = arith.constant dense<0.000000e+00> : vector<128x128xf32>
    %dot_general3A_385 = tpu.matmul %get3A_380, %get3A_383, %dot_general3A_384 {dimension_numbers = #tpu.dot_dimension_numbers<[1], [1], [0], [0], [0, 0, 1, 0], [], []>, precision = #tpu.contract_precision<fp32>, transpose_lhs_hint = false} : vector<128x128xf32>, vector<128x128xf32>, vector<128x128xf32> -> vector<128x128xf32>
    %add3A_386 = arith.addf %dot_general3A_385, %add3A_19 : vector<128x128xf32>
    %swap3A_387 = arith.constant 0 : index
    %swap3A_388 = arith.constant 21 : index
    %swap3A_389 = arith.constant 0 : index
    %swap3A_390 = vector.load %arg8[%swap3A_387, %swap3A_388, %swap3A_389] : memref<128x25x128xf32, #tpu.memory_space<vmem>>, vector<128x1x128xf32>
    %swap3A_391 = vector.shape_cast %swap3A_390 : vector<128x1x128xf32> to vector<128x128xf32>
    %swap3A_392 = vector.shape_cast %add3A_386 : vector<128x128xf32> to vector<128x1x128xf32>
    tpu.vector_store %arg8[%swap3A_387, %swap3A_388, %swap3A_389], %swap3A_392 {strides = array<i32>} : memref<128x25x128xf32, #tpu.memory_space<vmem>>, vector<128x1x128xf32>,
    %get3A_393 = arith.constant 22 : index
    %get3A_394 = arith.constant 0 : index
    %get3A_395 = arith.constant 0 : index
    %get3A_396 = vector.load %arg1[%get3A_393, %get3A_394, %get3A_395] : memref<25x128x128xf32, #tpu.memory_space<vmem>>, vector<1x128x128xf32>
    %get3A_397 = vector.shape_cast %get3A_396 : vector<1x128x128xf32> to vector<128x128xf32>
    %get3A_398 = arith.constant 0 : index
    %get3A_399 = arith.constant 0 : index
    %get3A_400 = vector.load %arg4[%get3A_398, %get3A_399] : memref<128x128xf32, #tpu.memory_space<vmem>>, vector<128x128xf32>
    %dot_general3A_401 = arith.constant dense<0.000000e+00> : vector<128x128xf32>
    %dot_general3A_402 = tpu.matmul %get3A_397, %get3A_400, %dot_general3A_401 {dimension_numbers = #tpu.dot_dimension_numbers<[1], [1], [0], [0], [0, 0, 1, 0], [], []>, precision = #tpu.contract_precision<fp32>, transpose_lhs_hint = false} : vector<128x128xf32>, vector<128x128xf32>, vector<128x128xf32> -> vector<128x128xf32>
    %add3A_403 = arith.addf %dot_general3A_402, %add3A_19 : vector<128x128xf32>
    %swap3A_404 = arith.constant 0 : index
    %swap3A_405 = arith.constant 22 : index
    %swap3A_406 = arith.constant 0 : index
    %swap3A_407 = vector.load %arg8[%swap3A_404, %swap3A_405, %swap3A_406] : memref<128x25x128xf32, #tpu.memory_space<vmem>>, vector<128x1x128xf32>
    %swap3A_408 = vector.shape_cast %swap3A_407 : vector<128x1x128xf32> to vector<128x128xf32>
    %swap3A_409 = vector.shape_cast %add3A_403 : vector<128x128xf32> to vector<128x1x128xf32>
    tpu.vector_store %arg8[%swap3A_404, %swap3A_405, %swap3A_406], %swap3A_409 {strides = array<i32>} : memref<128x25x128xf32, #tpu.memory_space<vmem>>, vector<128x1x128xf32>,
    %get3A_410 = arith.constant 23 : index
    %get3A_411 = arith.constant 0 : index
    %get3A_412 = arith.constant 0 : index
    %get3A_413 = vector.load %arg1[%get3A_410, %get3A_411, %get3A_412] : memref<25x128x128xf32, #tpu.memory_space<vmem>>, vector<1x128x128xf32>
    %get3A_414 = vector.shape_cast %get3A_413 : vector<1x128x128xf32> to vector<128x128xf32>
    %get3A_415 = arith.constant 0 : index
    %get3A_416 = arith.constant 0 : index
    %get3A_417 = vector.load %arg4[%get3A_415, %get3A_416] : memref<128x128xf32, #tpu.memory_space<vmem>>, vector<128x128xf32>
    %dot_general3A_418 = arith.constant dense<0.000000e+00> : vector<128x128xf32>
    %dot_general3A_419 = tpu.matmul %get3A_414, %get3A_417, %dot_general3A_418 {dimension_numbers = #tpu.dot_dimension_numbers<[1], [1], [0], [0], [0, 0, 1, 0], [], []>, precision = #tpu.contract_precision<fp32>, transpose_lhs_hint = false} : vector<128x128xf32>, vector<128x128xf32>, vector<128x128xf32> -> vector<128x128xf32>
    %add3A_420 = arith.addf %dot_general3A_419, %add3A_19 : vector<128x128xf32>
    %swap3A_421 = arith.constant 0 : index
    %swap3A_422 = arith.constant 23 : index
    %swap3A_423 = arith.constant 0 : index
    %swap3A_424 = vector.load %arg8[%swap3A_421, %swap3A_422, %swap3A_423] : memref<128x25x128xf32, #tpu.memory_space<vmem>>, vector<128x1x128xf32>
    %swap3A_425 = vector.shape_cast %swap3A_424 : vector<128x1x128xf32> to vector<128x128xf32>
    %swap3A_426 = vector.shape_cast %add3A_420 : vector<128x128xf32> to vector<128x1x128xf32>
    tpu.vector_store %arg8[%swap3A_421, %swap3A_422, %swap3A_423], %swap3A_426 {strides = array<i32>} : memref<128x25x128xf32, #tpu.memory_space<vmem>>, vector<128x1x128xf32>,
    %get3A_427 = arith.constant 24 : index
    %get3A_428 = arith.constant 0 : index
    %get3A_429 = arith.constant 0 : index
    %get3A_430 = vector.load %arg1[%get3A_427, %get3A_428, %get3A_429] : memref<25x128x128xf32, #tpu.memory_space<vmem>>, vector<1x128x128xf32>
    %get3A_431 = vector.shape_cast %get3A_430 : vector<1x128x128xf32> to vector<128x128xf32>
    %get3A_432 = arith.constant 0 : index
    %get3A_433 = arith.constant 0 : index
    %get3A_434 = vector.load %arg4[%get3A_432, %get3A_433] : memref<128x128xf32, #tpu.memory_space<vmem>>, vector<128x128xf32>
    %dot_general3A_435 = arith.constant dense<0.000000e+00> : vector<128x128xf32>
    %dot_general3A_436 = tpu.matmul %get3A_431, %get3A_434, %dot_general3A_435 {dimension_numbers = #tpu.dot_dimension_numbers<[1], [1], [0], [0], [0, 0, 1, 0], [], []>, precision = #tpu.contract_precision<fp32>, transpose_lhs_hint = false} : vector<128x128xf32>, vector<128x128xf32>, vector<128x128xf32> -> vector<128x128xf32>
    %add3A_437 = arith.addf %dot_general3A_436, %add3A_19 : vector<128x128xf32>
    %swap3A_438 = arith.constant 0 : index
    %swap3A_439 = arith.constant 24 : index
    %swap3A_440 = arith.constant 0 : index
    %swap3A_441 = vector.load %arg8[%swap3A_438, %swap3A_439, %swap3A_440] : memref<128x25x128xf32, #tpu.memory_space<vmem>>, vector<128x1x128xf32>
    %swap3A_442 = vector.shape_cast %swap3A_441 : vector<128x1x128xf32> to vector<128x128xf32>
    %swap3A_443 = vector.shape_cast %add3A_437 : vector<128x128xf32> to vector<128x1x128xf32>
    tpu.vector_store %arg8[%swap3A_438, %swap3A_439, %swap3A_440], %swap3A_443 {strides = array<i32>} : memref<128x25x128xf32, #tpu.memory_space<vmem>>, vector<128x1x128xf32>,
    return
  }
  func.func @transform_0(%arg0: i32) -> (i32, i32, i32) {
    %c0_i32 = arith.constant 0 : i32
    %c0_i32_0 = arith.constant 0 : i32
    %c0_i32_1 = arith.constant 0 : i32
    return %c0_i32, %arg0, %c0_i32_0 : i32, i32, i32
  }
  func.func @transform_1(%arg0: i32) -> (i32, i32) {
    %c0_i32 = arith.constant 0 : i32
    %c0_i32_0 = arith.constant 0 : i32
    return %arg0, %c0_i32 : i32, i32
  }
  func.func @transform_2(%arg0: i32) -> (i32, i32) {
    %c0_i32 = arith.constant 0 : i32
    %c0_i32_0 = arith.constant 0 : i32
    %c0_i32_1 = arith.constant 0 : i32
    return %c0_i32, %c0_i32_0 : i32, i32
  }
  func.func @transform_3(%arg0: i32) -> (i32, i32) {
    %c0_i32 = arith.constant 0 : i32
    %c0_i32_0 = arith.constant 0 : i32
    %c0_i32_1 = arith.constant 0 : i32
    return %c0_i32, %c0_i32_0 : i32, i32
  }
  func.func @transform_4(%arg0: i32) -> (i32, i32) {
    %c0_i32 = arith.constant 0 : i32
    %c0_i32_0 = arith.constant 0 : i32
    %c0_i32_1 = arith.constant 0 : i32
    return %c0_i32, %c0_i32_0 : i32, i32
  }
  func.func @transform_5(%arg0: i32) -> (i32, i32) {
    %c0_i32 = arith.constant 0 : i32
    %c0_i32_0 = arith.constant 0 : i32
    %c0_i32_1 = arith.constant 0 : i32
    return %c0_i32, %c0_i32_0 : i32, i32
  }
  func.func @transform_6(%arg0: i32) -> (i32, i32) {
    %c0_i32 = arith.constant 0 : i32
    %c0_i32_0 = arith.constant 0 : i32
    %c0_i32_1 = arith.constant 0 : i32
    return %c0_i32, %c0_i32_0 : i32, i32
  }
  func.func @transform_7(%arg0: i32) -> (i32, i32, i32) {
    %c0_i32 = arith.constant 0 : i32
    %c0_i32_0 = arith.constant 0 : i32
    %c0_i32_1 = arith.constant 0 : i32
    return %arg0, %c0_i32, %c0_i32_0 : i32, i32, i32
  }
}

</mosaic_0001>

<sc_bundles>
// kernel: kernel.5.cloned.1.call-start
scs
__scs_entry_jumppad:
0x0: {  	(pc) =	sbr.rel $0x88, $3  }
0x1: {  	(tag) =	ssettag $0x0;
	lr =	simm.s32 $0x1  }
0x2: {  	[smem:$0x3F94] =	sst lr;
	_ =	strace $0xD0000000  }
0x3: {  	_ = 	snop  }
0x4: {  	_ = 	snop  }
0x5: {  	_ = 	snop  }
0x6: {  	_ = 	snop  }
0x7: {  	_ = 	snop  }
__scs_overlays_trampoline_lowered:
0x8: {  	[smem:$0x3FA3] =	sst s0  }
0x9: {  	[smem:$0x3FA4] =	sst s1  }
0xa: {  	[smem:$0x3FA5] =	sst s2  }
0xb: {  	[smem:$0x3FA6] =	sst s3  }
0xc: {  	[smem:$0x3FA7] =	sst s4  }
0xd: {  	[smem:$0x3FA8] =	sst s5  }
0xe: {  	[smem:$0x3FA9] =	sst s6  }
0xf: {  	[smem:$0x3FAA] =	sst s7  }
0x10: {  	[smem:$0x3FAB] =	sst s8  }
0x11: {  	[smem:$0x3FAC] =	sst s9;
	s0 =	simm.s32 @!p0 $0x0  }
0x12: {  	s1 =	sld [smem:$0x3F92];
	s0 =	simm.s32 @p0 $0x1  }
0x13: {  	[smem:$0x3FAD] =	sst s0;
	s0 =	simm.s32 @!p1 $0x0  }
0x14: {  	s2 =	sld [smem:$0x3F91];
	s0 =	simm.s32 @p1 $0x1  }
0x15: {  	[smem:$0x3FAE] =	sst s0;
	s0 =	simm.s32 @!p2 $0x0  }
0x16: {  	s3 =	sld [smem:$0x3FDB];
	s0 =	simm.s32 @p2 $0x1  }
0x17: {  	s4 =	simm.s32 $0x1BF5;
	[smem:$0x3FB0] =	sst s0  }
0x18: {  	s0 =	sld [smem:$0x3F93];
	_ =	swait.ge [sflag:s4], $0x0  }
0x19: {  	s7 =	sld [smem:$0x3F94]  }
0x1a: {  	s8 =	sadd.s32 $0xFFFFE003, lr  }
0x1b: {  	s9 =	sadd.s32 $0xFFFFFEF7, lr;
	s5 =	simm.s32 $0xFFFFFFFF;
	p2 =	slt.u32 s8, $0xFFFFF086  }
0x1c: {  	p1 =	slt.u32 s9, $0xF7A;
	s5 =	simm.s32 @!p2 $0x0  }
0x1d: {  	s5 =	simm.s32 @p1 $0x1;
	p0 =	seq.s32 s7, s2  }
0x1e: {  	s7 =	smul.u32 @!p0 $0xF7A, s2;
	p2 =	seq.s32 @!p0 s5, $0x0  }
0x1f: {  	s9 =	smul.u32 $0xF7A, s1;
	s8 =	simm.s32 @!p0 $0x1BF5;
	p2 =	por !p2, p0  }
0x20: {  	[sflag:s8] =	ssyncset.s32 @!p0 $0xFFFFF086;
	s6 =	sadd.s32 @!p0 s3, s7;
	s7 =	simm.s32 @!p0 $0x108  }
0x21: {  	s3 =	sadd.s32 s3, s9;
	s6 =	sadd.s32 @!p0 $0x88, s6;
	s7 =	simm.s32 @p2 $0x1082  }
0x22: {  	[simem:s7], [sflag:s8] =	dma.local @!p0 [hbm:s6], $0xF7A  }
0x23: {  	s9 =	sor.u32 $0xD0000000, s2;
	s6 =	simm.s32 $0x108;
	_ =	swait.ge @!p0 [sflag:s8], $0x0  }
0x24: {  	s3 =	sadd.s32 $0x88, s3;
	s6 =	simm.s32 @!p1 $0x1082;
	[sflag:s4] =	ssyncset.s32 $0xFFFFF086  }
0x25: {  	[simem:s6], [sflag:s4] =	dma.local [hbm:s3], $0xF7A  }
0x26: {  	[smem:$0x3F94] =	sst s1;
	(tag) =	ssettag s2;
	_ =	strace s9  }
0x27: {  	s1 =	sld [smem:$0x3FA4]  }
0x28: {  	s2 =	sld [smem:$0x3FA5]  }
0x29: {  	s4 =	sld [smem:$0x3FA7]  }
0x2a: {  	p0 =	seq.s32 s5, $0x0;
	s5 =	sld [smem:$0x3FA8]  }
0x2b: {  	s6 =	sld [smem:$0x3FA9]  }
0x2c: {  	s7 =	sld [smem:$0x3FAA]  }
0x2d: {  	s3 =	simm.s32 $0x108;
	s8 =	sld [smem:$0x3FAB]  }
0x2e: {  	s3 =	simm.s32 @!p0 $0x1082;
	s9 =	sld [smem:$0x3FAC]  }
0x2f: {  	lr =	sadd.s32 s0, s3;
	s0 =	sld [smem:$0x3FA3]  }
0x30: {  	s3 =	sld [smem:$0x3FA6]  }
0x31: {  	[smem:$0x3FAF] =	sst s10  }
0x32: {  	s10 =	sld [smem:$0x3FAD];
	_ =	sdelay $0x3  }
0x33: {  	p0 =	seq.s32 s10, $0x1;
	s10 =	sld [smem:$0x3FAF];
	_ =	sdelay $0x3  }
0x34: {  	[smem:$0x3FAF] =	sst s10  }
0x35: {  	s10 =	sld [smem:$0x3FAE];
	_ =	sdelay $0x3  }
0x36: {  	p1 =	seq.s32 s10, $0x1;
	s10 =	sld [smem:$0x3FAF];
	_ =	sdelay $0x3  }
0x37: {  	[smem:$0x3FAF] =	sst s10  }
0x38: {  	s10 =	sld [smem:$0x3FB0]  }
0x39: {  	_ = 	snop;
	(pc) =	sbr.ind lr, $3  }
0x3a: {  	_ = 	snop  }
0x3b: {  	_ = 	snop  }
0x3c: {  	p2 =	seq.s32 s10, $0x1;
	s10 =	sld [smem:$0x3FAF]  }
0x3d: {  	_ =	shalt  }
0x3e: {  	_ =	shalt  }
0x3f: {  	_ =	shalt  }
0x40: {  	_ =	shalt  }
0x41: {  	_ =	shalt  }
0x42: {  	_ =	shalt  }
0x43: {  	_ =	shalt  }
0x44: {  	_ =	shalt  }
0x45: {  	_ =	shalt  }
0x46: {  	_ =	shalt  }
0x47: {  	_ =	shalt  }
0x48: {  	_ =	shalt  }
0x49: {  	_ =	shalt  }
0x4a: {  	_ =	shalt  }
0x4b: {  	_ =	shalt  }
0x4c: {  	_ =	shalt  }
0x4d: {  	_ =	shalt  }
0x4e: {  	_ =	shalt  }
0x4f: {  	_ =	shalt  }
0x50: {  	_ =	shalt  }
0x51: {  	_ =	shalt  }
0x52: {  	_ =	shalt  }
0x53: {  	_ =	shalt  }
0x54: {  	_ =	shalt  }
0x55: {  	_ =	shalt  }
0x56: {  	_ =	shalt  }
0x57: {  	_ =	shalt  }
0x58: {  	_ =	shalt  }
0x59: {  	_ =	shalt  }
0x5a: {  	_ =	shalt  }
0x5b: {  	_ =	shalt  }
0x5c: {  	_ =	shalt  }
0x5d: {  	_ =	shalt  }
0x5e: {  	_ =	shalt  }
0x5f: {  	_ =	shalt  }
0x60: {  	_ =	shalt  }
0x61: {  	_ =	shalt  }
0x62: {  	_ =	shalt  }
0x63: {  	_ =	shalt  }
0x64: {  	_ =	shalt  }
0x65: {  	_ =	shalt  }
0x66: {  	_ =	shalt  }
0x67: {  	_ =	shalt  }
0x68: {  	_ =	shalt  }
0x69: {  	_ =	shalt  }
0x6a: {  	_ =	shalt  }
0x6b: {  	_ =	shalt  }
0x6c: {  	_ =	shalt  }
0x6d: {  	_ =	shalt  }
0x6e: {  	_ =	shalt  }
0x6f: {  	_ =	shalt  }
0x70: {  	_ =	shalt  }
0x71: {  	_ =	shalt  }
0x72: {  	_ =	shalt  }
0x73: {  	_ =	shalt  }
0x74: {  	_ =	shalt  }
0x75: {  	_ =	shalt  }
0x76: {  	_ =	shalt  }
0x77: {  	_ =	shalt  }
0x78: {  	_ =	shalt  }
0x79: {  	_ =	shalt  }
0x7a: {  	_ =	shalt  }
0x7b: {  	_ =	shalt  }
0x7c: {  	_ =	shalt  }
0x7d: {  	_ =	shalt  }
0x7e: {  	_ =	shalt  }
0x7f: {  	_ =	shalt  }
0x80: {  	_ =	shalt  }
0x81: {  	_ =	shalt  }
0x82: {  	_ =	shalt  }
0x83: {  	_ =	shalt  }
0x84: {  	_ =	shalt  }
0x85: {  	_ =	shalt  }
0x86: {  	_ =	shalt  }
0x87: {  	_ =	shalt  }
.Lfunc_end0:
.L_simem_size_0:
called_computation.2_lowered:
.L_overlay_start_0:
0x88: {  	s2 =	sld [smem:$0x3FD9]  }
0x89: {  	s3 =	sld [smem:$0x3FFE];
	_ =	sdelay $0x1  }
0x8a: {  	s1 =	srdreg.scid  }
0x8b: {  	s0 =	sand.u32 $0x1, s1  }
0x8c: {  	s14 =	sshll.u32 s0, $0xA;
	s2 =	sadd.s32 s3, s2  }
0x8d: {  	s2 =	sadd.s32 s2, s14  }
0x8e: {  	[smem:$0x3FBB] =	sst s2  }
0x8f: {  	_ = 	snop  }
0x90: {  	s2 =	sld [smem:$0x3FC7]  }
0x91: {  	s15 =	sld [smem:$0x3FC6]  }
0x92: {  	s4 =	sld [smem:$0x3FD0]  }
0x93: {  	s5 =	sld [smem:$0x3FC3]  }
0x94: {  	s6 =	sld [smem:$0x3FC2]  }
0x95: {  	s8 =	simm.s32 $0xB;
	s9 =	simm.s32 $0x10;
	s7 =	sld [smem:$0x3FC1]  }
0x96: {  	[smem:s9], [sflag:s8] =	dma.local [hbm:s4], $0x1  }
0x97: {  	_ =	swait.eq [sflag:s8], $0x1  }
0x98: {  	[sflag:s8] =	ssyncset.done $0x0  }
0x99: {  	s16 =	sld [smem:$0x10];
	[sflag:s8] =	ssyncadd.s32 $0xFFFFFFFF  }
0x9a: {  	s17 =	sld [smem:$0x11];
	(tm) =	ssettm $0x1  }
0x9b: {  	s18 =	sld [smem:$0x3FFB];
	_ =	sdelay $0x3  }
0x9c: {  	_ =	strace s18  }
0x9d: {  	s9 =	sld [smem:$0x3FFC];
	_ =	sdelay $0x3  }
0x9e: {  	_ =	strace s9  }
0x9f: {  	s9 =	sld [smem:$0x3FFD];
	_ =	sdelay $0x3  }
0xa0: {  	_ =	strace s9  }
0xa1: {  	_ =	strace $0x8FFFFFFF  }
0xa2: {  	s19 =	sld [smem:$0x3FDB];
	_ =	sdelay $0x1  }
0xa3: {  	s10 =	simm.s32 $_scs_section_size  }
0xa4: {  	s11 =	simm.s32 $_size__tile_overlayer_lowered;
	s12 =	simm.s32 $_tile_overlayer_lowered  }
0xa5: {  	s22 =	simm.s32 $0x1BFF;
	s21 =	sshll.u32 s12, $0x1;
	s9 =	sadd.s32 s10, s19  }
0xa6: {  	s13 =	simm.s32 $0x0;
	s20 =	sshll.u32 s11, $0x1;
	s11 =	sadd.s32 s21, s9  }
0xa7: {  	[timem:s13], [sflag:s22] =	dma.local [hbm:s11], s20  }
0xa8: {  	_ =	swait.ge [sflag:s22], s20  }
0xa9: {  	s10 =	ssub.s32 $0x0, s20;
	[sflag:s22] =	ssyncset.done $0x0  }
0xaa: {  	[sflag:s22] =	ssyncadd.s32 s10;
	_ =	sdelay $0x1  }
0xab: {  	s23 =	simm.s32 $0x1B8B  }
0xac: {  	_ =	swait.ge [sflag:s23], $0x1  }
0xad: {  	[sflag:s23] =	ssyncset.done $0x0  }
0xae: {  	s25 =	simm.s32 $0x1B8E;
	s24 =	sld [smem:$0x3FFE];
	[sflag:s23] =	ssyncadd.s32 $0xFFFFFFFF  }
0xaf: {  	s26 =	simm.s32 $execute0_lowered;
	[smem:$0x3FD2] =	sst s25  }
0xb0: {  	s11 =	sshll.u32 s26, $0x1;
	_ =	strace $0x8000004C;
	[dreg:$0x1] =	wrdreg $0xFFFFFFFF  }
0xb1: {  	s28 =	simm.s32 $_size_execute0_lowered;
	s9 =	sadd.s32 s9, s11;
	[dreg:$0x0] =	wrdreg $0x0  }
0xb2: {  	s11 =	sshll.u32 s28, $0x1;
	[dreg:$0x2] =	wrdreg s9  }
0xb3: {  	[dreg:$0x3] =	wrdreg s11  }
0xb4: {  	[dreg:$0x4] =	wrdreg $0xC0  }
0xb5: {  	_ =	task [dreg:s13], $0x5FFFF  }
0xb6: {  	[dreg:$0x1] =	wrdreg $0xFFFFFFFF  }
0xb7: {  	[dreg:$0x0] =	wrdreg $0x60  }
0xb8: {  	[dreg:$0x2] =	wrdreg s24  }
0xb9: {  	[dreg:$0x3] =	wrdreg s5  }
0xba: {  	[dreg:$0x4] =	wrdreg s6  }
0xbb: {  	[dreg:$0x5] =	wrdreg s7  }
0xbc: {  	[dreg:$0x6] =	wrdreg s2  }
0xbd: {  	[dreg:$0x7] =	wrdreg s15  }
0xbe: {  	[dreg:$0x8] =	wrdreg s16  }
0xbf: {  	[dreg:$0x9] =	wrdreg s17  }
0xc0: {  	[dreg:$0xa] =	wrdreg $0x9  }
0xc1: {  	_ =	task.clear_ibuf [dreg:s13], $0xBFFFF;
	_ =	strace $0x9000004C  }
0xc2: {  	s29 =	simm.s32 $0x9;
	_ =	strace $0x8000004E  }
0xc3: {  	_ =	swait.ge [sflag:s29], $0x1  }
0xc4: {  	[sflag:s29] =	ssyncadd.s32 $0xFFFFFFFF  }
0xc5: {  	_ =	strace $0x9000004E  }
0xc6: {  	_ =	sfence  }
0xc7: {  	s30 =	sld [smem:$0x0];
	_ =	sdelay $0x2  }
0xc8: {  	s31 =	sshll.u32 s1, $0xD;
	s1 =	sshrl.u32 s1, $0x2  }
0xc9: {  	s3 =	sand.u32 $0x4000, s31;
	s1 =	sadd.s32 s1, s30  }
0xca: {  	s0 =	sor.u32 s3, s0;
	s1 =	sshll.u32 s1, $0x11  }
0xcb: {  	s0 =	sor.u32 s1, s0  }
0xcc: {  	s0 =	sadd.s32 $0x8F2B, s0  }
0xcd: {  	[sflag:s0] =	ssyncadd.remote.s32 $0x1  }
0xce: {  	_ =	sfence.sel $0xFFFF  }
0xcf: {  	[dreg:$0x0] =	wrdreg $0xFFFFFFFF;
	(pc) =	sbr.abs _section_cstart, $3  }
0xd0: {  	[dreg:$0x1] =	wrdreg $0xFFFFFFFF  }
0xd1: {  	_ =	task.clear_ibuf [dreg:s13], $0x2FFFF;
	_ =	strace $0x9FFFFFFF  }
0xd2: {  	(tm) =	ssettm $0x7FFFFFFF  }
0xd3: {  	_ =	shalt  }
tec
execute0_lowered:
.L_overlay_start_1:
0x0: {  	(tag) =	ssettag $0x1  }
0x1: {  	s0 =	rddreg [dreg:$0x0]  }
0x2: {  	s4 =	rddreg [dreg:$0x1]  }
0x3: {  	s7 =	rddreg [dreg:$0x2]  }
0x4: {  	s8 =	rddreg [dreg:$0x3]  }
0x5: {  	s9 =	rddreg [dreg:$0x6]  }
0x6: {  	s10 =	rddreg [dreg:$0x7];
	s3 =	simm.s32 $0x0;
	s16 =	stileid.u32  }
0x7: {  	s28 =	srdreg.scid;
	s31 =	simm.s32 $0x4600;
	[smem:$0x7FF] =	sst s3  }
0x8: {  	s5 =	sadd.s32 $0x1E00, s0;
	s6 =	sadd.s32 $0x122000, s0;
	s11 =	sadd.s32 $0xE00, s0  }
0x9: {  	s12 =	sshll.u32 s16, $0x1;
	s13 =	sadd.s32 $0x1200, s0;
	s30 =	sadd.s32 $0x1600, s0  }
0xa: {  	s14 =	sadd.s32 $0x1A00, s0;
	_ =	strace $0x8000004D;
	[dreg:$0x9] =	wrdreg s11  }
0xb: {  	s25 =	sand.u32 $0x7, s16;
	p0 =	sgt.u32 s16, $0x7;
	[dreg:$0xa] =	wrdreg s13  }
0xc: {  	s13 =	sand.u32 $0x1, s28;
	s29 =	sand.u32 $0xE, s12;
	[dreg:$0xb] =	wrdreg s30  }
0xd: {  	[dreg:$0xc] =	wrdreg s14;
	s28 =	sshll.u32 s25, $0xD;
	s25 =	simm.s32 $0x80  }
0xe: {  	s11 =	sor.u32 s13, s29;
	s1 =	ssub.s32 $0x2, s13;
	s29 =	sshll.u32 s13, $0xC  }
0xf: {  	s13 =	simm.s32 $0x3;
	s2 =	sshll.u32 s11, $0xD;
	s17 =	sshll.u32 s11, $0x5  }
0x10: {  	s15 =	sshrl.u32 s1, $0x1;
	s18 =	sshll.u32 s11, $0xC;
	s4 =	sadd.s32 s4, s17  }
0x11: {  	s0 =	sadd.s32 s2, s0;
	s19 =	sadd.s32 s8, s17;
	[dreg:$0x15] =	wrdreg s4  }
0x12: {  	s12 =	ssub.s32 s1, s15;
	s22 =	sadd.s32 s10, s18;
	[dreg:$0xd] =	wrdreg s19  }
0x13: {  	s23 =	sadd.s32 s7, s17;
	s26 =	sadd.s32 s9, s18;
	[dreg:$0x10] =	wrdreg s22  }
0x14: {  	s8 =	simm.s32 $0x580;
	s1 =	simm.s32 $0x0;
	[dreg:$0x11] =	wrdreg s23  }
0x15: {  	s20 =	sadd.s32 $0x242200, s0;
	s21 =	sadd.s32 $0x243200, s0;
	[dreg:$0x14] =	wrdreg s26  }
0x16: {  	s24 =	sadd.s32 $0x262200, s0;
	s0 =	sadd.s32 $0x263200, s0;
	[dreg:$0xe] =	wrdreg s20  }
0x17: {  	s4 =	sadd.s32 s28, s10;
	s30 =	smax.u32 s12, $0x1;
	[dreg:$0xf] =	wrdreg s21  }
.Ltmp0:
0x18: {  	s26 =	simm.s32 $0x500;
	[dreg:$0x12] =	wrdreg s24;
	(pc) =	sbr.rel .LBB2_1-.Ltmp0, $4  }
0x19: {  	[dreg:$0x13] =	wrdreg s0;
	s0 =	sadd.s32 s28, s9;
	s4 =	sadd.s32 s29, s4  }
0x1a: {  	v2 =	vlaneseq.u32;
	[dreg:$0x16] =	wrdreg s30;
	s0 =	sadd.s32 s29, s0;
	s4 =	sadd.s32 $0x10000, s4  }
0x1b: {  	vm0 =	vmmov $0xffff;
	v1 =	vshrl.u32 v2, $0x3;
	s10 =	simm.s32 $0x1;
	[dreg:$0x17] =	wrdreg s4;
	s0 =	sadd.s32 $0x10000, s0  }
0x1c: {  	v0 =	vand.u32 $0x7, v2;
	v2 =	vor.u32 $0x8, v2;
	v1 =	vmul.u32 $0x8, v1;
	s9 =	simm.s32 $0x600;
	[dreg:$0x18] =	wrdreg s0;
	s0 =	simm.s32 $0x2  }
.LBB2_7:
0x1d: {  	v4 =	vld [tilespmem:$0x280]  }
0x1e: {  	v5 =	vld [tilespmem:$0x3D0]  }
0x1f: {  	v7 =	vld [tilespmem:$0x2D0]  }
0x20: {  	v8 =	vld [tilespmem:$0x3B0]  }
0x21: {  	v9 =	vld [tilespmem:$0x2C0]  }
0x22: {  	v10 =	vld [tilespmem:$0x3C0]  }
0x23: {  	v11 =	vld [tilespmem:$0x2A0]  }
0x24: {  	v12 =	vld [tilespmem:$0x2B0]  }
0x25: {  	v13 =	vld [tilespmem:$0x3A0]  }
0x26: {  	v14 =	vld [tilespmem:$0x380]  }
0x27: {  	v3 =	vadd.s32 s28, v3;
	v53 =	vld [tilespmem:$0x290]  }
0x28: {  	vm1 =	vlt.u32 v3, $0xC0;
	v5 =	vadd.s32 s28, v5  }
0x29: {  	v6 =	vld [tilespmem:$0x4D0];
	v7 =	vadd.s32 s29, v7;
	v8 =	vadd.s32 s28, v8;
	v10 =	vadd.s32 s28, v10  }
0x2a: {  	v15 =	vld [tilespmem:$0x4A0];
	v9 =	vadd.s32 s29, v9;
	v4 =	vadd.s32 s29, v4;
	v11 =	vadd.s32 s29, v11  }
0x2b: {  	v47 =	vld [tilespmem:$0x2E0];
	v12 =	vadd.s32 s29, v12;
	v13 =	vadd.s32 s28, v13;
	v14 =	vadd.s32 s28, v14  }
0x2c: {  	v48 =	vld [tilespmem:$0x2F0];
	v59 =	vadd.s32 s29, v53;
	vm2 =	vlt.u32 v5, $0xC0;
	vm3 =	vlt.u32 v7, $0xC0  }
0x2d: {  	v46 =	vld [tilespmem:$0x480];
	v7 =	vmul.u32 $0xC0, v7;
	vm4 =	vlt.u32 v8, $0xC0;
	v45 =	vmul.u32 $0xC0, v9  }
0x2e: {  	v16 =	vld [tilespmem:$0x4C0];
	vm5 =	vlt.u32 v11, $0xC0;
	v11 =	vmul.u32 $0xC0, v11;
	vm6 =	vlt.u32 v4, $0xC0  }
0x2f: {  	v17 =	vld [tilespmem:$0x4B0];
	v4 =	vmul.u32 $0xC0, v4;
	v18 =	vmul.u32 $0xC0, v12;
	vm7 =	vlt.u32 v9, $0xC0  }
0x30: {  	v50 =	vld [tilespmem:$0x3E0];
	vm8 =	vlt.u32 v13, $0xC0;
	vm9 =	vlt.u32 v12, $0xC0;
	vm13 =	vlt.u32 v14, $0xC0  }
0x31: {  	v56 =	vld [tilespmem:$0x490];
	v12 =	vadd.s32 s29, v48;
	v9 =	vadd.s32 s29, v47;
	v60 =	vmul.u32 $0xC0, v59  }
0x32: {  	vm2 =	vmand vm3, vm2;
	vm3 =	vlt.u32 v10, $0xC0;
	vm4 =	vmand vm9, vm4  }
0x33: {  	v51 =	vld [tilespmem:$0x3F0];
	vm5 =	vmand vm5, vm8;
	vm6 =	vmand vm6, vm13;
	v57 =	vmul.u32 $0xC0, v9  }
0x34: {  	v54 =	vld [tilespmem:$0x4E0];
	v58 =	vmul.u32 $0xC0, v12;
	v6 =	vadd.s32 v7, v6;
	v11 =	vadd.s32 v11, v15  }
0x35: {  	v4 =	vadd.s32 v4, v46;
	v49 =	vadd.s32 v45, v16;
	v52 =	vadd.s32 v18, v17  }
0x36: {  	vm3 =	vmand vm7, vm3;
	v7 =	vadd.s32 s28, v50;
	v62 =	vadd.s32 v60, v56  }
0x37: {  	v55 =	vld [tilespmem:$0x4F0];
	v5 =	vadd.s32 v5, v6;
	v11 =	vadd.s32 v13, v11;
	v4 =	vadd.s32 v14, v4  }
0x38: {  	v6 =	vadd.s32 v10, v49;
	v8 =	vadd.s32 v8, v52;
	v13 =	vadd.s32 s28, v51  }
0x39: {  	vm14 =	vlt.u32 v7, $0xC0;
	v10 =	vadd.s32 v57, v54;
	v5 =	vnsel vm2, $0x12000, v5  }
0x3a: {  	v11 =	vnsel vm5, $0x12000, v11;
	v8 =	vnsel vm4, $0x12000, v8;
	v4 =	vnsel vm6, $0x12000, v4;
	[tilespmem:$0x5D0] =	vst v5  }
0x3b: {  	v6 =	vnsel vm3, $0x12000, v6;
	vm2 =	vlt.u32 v9, $0xC0;
	vm3 =	vlt.u32 v12, $0xC0;
	[tilespmem:$0x5B0] =	vst v8  }
0x3c: {  	vm15 =	vlt.u32 v13, $0xC0;
	v7 =	vadd.s32 v7, v10;
	[tilespmem:$0x5A0] =	vst v11;
	v5 =	vadd.s32 v58, v55  }
0x3d: {  	[tilespmem:$0x580] =	vst v4;
	vm3 =	vmand vm3, vm15;
	vm2 =	vmand vm2, vm14;
	v61 =	vadd.s32 v13, v5  }
0x3e: {  	[tilespmem:$0x5C0] =	vst v6;
	v63 =	vnsel vm2, $0x12000, v7;
	v4 =	vnsel vm3, $0x12000, v61;
	vm3 =	vlt.u32 v59, $0xC0  }
0x3f: {  	v3 =	vadd.s32 v3, v62;
	[tilespmem:$0x5E0] =	vst v63;
	vm1 =	vmand vm3, vm1  }
0x40: {  	[tilespmem:$0x5F0] =	vst v4;
	v3 =	vnsel vm1, $0x12000, v3  }
0x41: {  	[tilespmem:$0x590] =	vst v3  }
0x42: {  	[tilespmem:s31], [sflag:$0x1] =	stream.indirect.gather [hbm4b:s6+s25], $0x80, s8, s25, $0xb8;
	[tilespmem:$0x10600] =	vst v63  }
0x43: {  	_ =	swait.ge [sflag:s10], $0x4000  }
0x44: {  	[sflag:s10] =	ssyncset.done $0x0  }
0x45: {  	[sflag:s10] =	ssyncadd.s32 $0xFFFFC000  }
0x46: {  	_ =	swait.ge [sflag:s10], $0x4000  }
0x47: {  	[sflag:s10] =	ssyncset.done $0x0  }
0x48: {  	s1 =	rddreg [dreg:$0x19];
	[sflag:s10] =	ssyncadd.s32 $0xFFFFC000  }
0x49: {  	[hbm4b:s24+s3] =	stream.linear.scatter [tilespmem:s9], [sflag:$0x2], $0x8000, $0x38;
	[tilespmem:$0x10600] =	vst v63  }
.LBB2_8:
0x4a: {  	_ =	swait.ge [sflag:s0], $0x8000  }
0x4b: {  	s1 =	sadd.s32 $0x1, s1;
	s7 =	rddreg [dreg:$0x16]  }
0x4c: {  	p1 =	sne.s32 s1, s7  }
.Ltmp1:
0x4d: {  	_ = 	snop;
	(pc) =	sbr.rel @!p1 .LBB2_9-.Ltmp1, $3  }
0x4e: {  	_ =	sdelay $0x1  }
0x4f: {  	[sflag:s0] =	ssyncset.done $0x0  }
0x50: {  	[sflag:s0] =	ssyncadd.s32 $0xFFFF8000  }
.LBB2_1:
0x51: {  	[dreg:$0x19] =	wrdreg s1  }
.Ltmp2:
0x52: {  	s11 =	rddreg [dreg:$0x15];
	(pc) =	sbr.rel @p0 .LBB2_5-.Ltmp2, $4  }
0x53: {  	[tilespmem:s3], [sflag:$0x3] =	stream.linear.gather [hbm4b:s11+s3], $0x100, $0x38;
	[tilespmem:$0x10600] =	vst v63  }
0x54: {  	_ =	swait.ge [sflag:s13], $0x100  }
0x55: {  	[sflag:s13] =	ssyncset.done $0x0  }
0x56: {  	[sflag:s13] =	ssyncadd.s32 $0xFFFFFF00  }
0x57: {  	s12 =	rddreg [dreg:$0x11];
	s14 =	simm.s32 $0x100  }
0x58: {  	[tilespmem:s14], [sflag:$0x3] =	stream.linear.gather [hbm4b:s12+s3], $0x100, $0x38;
	[tilespmem:$0x10600] =	vst v63  }
0x59: {  	_ =	swait.ge [sflag:s13], $0x100  }
0x5a: {  	[sflag:s13] =	ssyncset.done $0x0  }
0x5b: {  	[sflag:s13] =	ssyncadd.s32 $0xFFFFFF00  }
0x5c: {  	v3 =	vld [tilespmem:$0x0]  }
0x5d: {  	v4 =	vld [tilespmem:$0x100]  }
0x5e: {  	v5 =	vld [tilespmem:$0x10]  }
0x5f: {  	v6 =	vld [tilespmem:$0x110]  }
0x60: {  	v7 =	vld [tilespmem:$0x20]  }
0x61: {  	v8 =	vld [tilespmem:$0x120]  }
0x62: {  	v9 =	vld [tilespmem:$0x30]  }
0x63: {  	v10 =	vld [tilespmem:$0x130]  }
0x64: {  	v11 =	vld [tilespmem:$0x40]  }
0x65: {  	v12 =	vld [tilespmem:$0x140]  }
0x66: {  	v13 =	vld [tilespmem:$0x50]  }
0x67: {  	v14 =	vld [tilespmem:$0x150];
	v3 =	vmul.u32 $0x900, v3  }
0x68: {  	v15 =	vld [tilespmem:$0x60];
	v5 =	vmul.u32 $0x900, v5  }
0x69: {  	v24 =	vld [tilespmem:$0x70];
	v3 =	vadd.s32 v4, v3;
	v4 =	vmul.u32 $0x900, v7  }
0x6a: {  	v25 =	vld [tilespmem:$0x160];
	[tilespmem:$0x500] =	vst v3;
	v3 =	vadd.s32 v6, v5;
	v5 =	vmul.u32 $0x900, v9  }
0x6b: {  	v26 =	vld [tilespmem:$0x170];
	[tilespmem:$0x510] =	vst v3;
	v3 =	vadd.s32 v8, v4;
	v4 =	vmul.u32 $0x900, v11  }
0x6c: {  	[tilespmem:$0x520] =	vst v3;
	v3 =	vadd.s32 v10, v5;
	v5 =	vmul.u32 $0x900, v13  }
0x6d: {  	[tilespmem:$0x530] =	vst v3;
	v3 =	vadd.s32 v12, v4;
	v4 =	vmul.u32 $0x900, v15  }
0x6e: {  	[tilespmem:$0x540] =	vst v3;
	v3 =	vadd.s32 v14, v5;
	v5 =	vmul.u32 $0x900, v24  }
0x6f: {  	[tilespmem:$0x550] =	vst v3;
	v3 =	vadd.s32 v25, v4  }
0x70: {  	[tilespmem:$0x560] =	vst v3;
	v3 =	vadd.s32 v26, v5  }
0x71: {  	s23 =	simm.s32 $0x200;
	s12 =	rddreg [dreg:$0x9];
	[tilespmem:$0x570] =	vst v3  }
0x72: {  	[tilespmem:s23], [sflag:$0x1] =	stream.indirect.gather [hbm4b:s12+s25], $0x1, s26, s25, $0xb8;
	[tilespmem:$0x10600] =	vst v63  }
0x73: {  	s22 =	simm.s32 $0x300;
	s14 =	rddreg [dreg:$0xa]  }
0x74: {  	[tilespmem:s22], [sflag:$0x1] =	stream.indirect.gather [hbm4b:s14+s25], $0x1, s26, s25, $0xb8;
	[tilespmem:$0x10600] =	vst v63  }
0x75: {  	v3 =	vld [tilespmem:$0x500];
	_ =	sdelay $0x4  }
0x76: {  	v4 =	vshll.u32 v3, $0x1  }
0x77: {  	v3 =	vand.u32 $0x7, v3;
	v4 =	vand.u32 $0xFFFFFFF0, v4  }
0x78: {  	v3 =	vor.u32 v3, v4  }
0x79: {  	v4 =	vperm.xlane v3, v0;
	_ =	sdelay $0x1  }
0x7a: {  	v3 =	vperm.xlane v3, v2;
	v4 =	vadd.s32 v1, v4;
	_ =	sdelay $0x1  }
0x7b: {  	v3 =	vadd.s32 v1, v3;
	_ =	sdelay $0x1  }
0x7c: {  	s2 =	rddreg [dreg:$0x4];
	s23 =	simm.s32 $0x8600  }
0x7d: {  	[tilespmem:s23], [sflag:$0x1] =	stream.indirect_vreg.gather [hbm4b:s2+s3], $0x80, v4, vm0, $0xb8;
	[tilespmem:$0x10600] =	vst v63  }
0x7e: {  	s28 =	simm.s32 $0x8E00  }
0x7f: {  	[tilespmem:s28], [sflag:$0x1] =	stream.indirect_vreg.gather [hbm4b:s2+s3], $0x80, v3, vm0, $0xb8;
	[tilespmem:$0x10600] =	vst v63  }
0x80: {  	v3 =	vld [tilespmem:$0x510];
	_ =	sdelay $0x4  }
0x81: {  	v4 =	vshll.u32 v3, $0x1  }
0x82: {  	v3 =	vand.u32 $0x7, v3;
	v4 =	vand.u32 $0xFFFFFFF0, v4  }
0x83: {  	v3 =	vor.u32 v3, v4  }
0x84: {  	v4 =	vperm.xlane v3, v0;
	_ =	sdelay $0x1  }
0x85: {  	v3 =	vperm.xlane v3, v2;
	v4 =	vadd.s32 v1, v4;
	_ =	sdelay $0x1  }
0x86: {  	v3 =	vadd.s32 v1, v3;
	_ =	sdelay $0x1  }
0x87: {  	s29 =	simm.s32 $0x9600  }
0x88: {  	[tilespmem:s29], [sflag:$0x1] =	stream.indirect_vreg.gather [hbm4b:s2+s3], $0x80, v4, vm0, $0xb8;
	[tilespmem:$0x10600] =	vst v63  }
0x89: {  	s11 =	simm.s32 $0x9E00  }
0x8a: {  	[tilespmem:s11], [sflag:$0x1] =	stream.indirect_vreg.gather [hbm4b:s2+s3], $0x80, v3, vm0, $0xb8;
	[tilespmem:$0x10600] =	vst v63  }
0x8b: {  	v3 =	vld [tilespmem:$0x520];
	_ =	sdelay $0x4  }
0x8c: {  	v4 =	vshll.u32 v3, $0x1  }
0x8d: {  	v3 =	vand.u32 $0x7, v3;
	v4 =	vand.u32 $0xFFFFFFF0, v4  }
0x8e: {  	v3 =	vor.u32 v3, v4  }
0x8f: {  	v4 =	vperm.xlane v3, v0;
	_ =	sdelay $0x1  }
0x90: {  	v3 =	vperm.xlane v3, v2;
	v4 =	vadd.s32 v1, v4;
	_ =	sdelay $0x1  }
0x91: {  	v3 =	vadd.s32 v1, v3;
	_ =	sdelay $0x1  }
0x92: {  	s15 =	simm.s32 $0xA600  }
0x93: {  	[tilespmem:s15], [sflag:$0x1] =	stream.indirect_vreg.gather [hbm4b:s2+s3], $0x80, v4, vm0, $0xb8;
	[tilespmem:$0x10600] =	vst v63  }
0x94: {  	s16 =	simm.s32 $0xAE00  }
0x95: {  	[tilespmem:s16], [sflag:$0x1] =	stream.indirect_vreg.gather [hbm4b:s2+s3], $0x80, v3, vm0, $0xb8;
	[tilespmem:$0x10600] =	vst v63  }
0x96: {  	v3 =	vld [tilespmem:$0x530];
	_ =	sdelay $0x4  }
0x97: {  	v4 =	vshll.u32 v3, $0x1  }
0x98: {  	v3 =	vand.u32 $0x7, v3;
	v4 =	vand.u32 $0xFFFFFFF0, v4  }
0x99: {  	v3 =	vor.u32 v3, v4  }
0x9a: {  	v4 =	vperm.xlane v3, v0;
	_ =	sdelay $0x1  }
0x9b: {  	v3 =	vperm.xlane v3, v2;
	v4 =	vadd.s32 v1, v4;
	_ =	sdelay $0x1  }
0x9c: {  	v3 =	vadd.s32 v1, v3;
	_ =	sdelay $0x1  }
0x9d: {  	s17 =	simm.s32 $0xB600  }
0x9e: {  	[tilespmem:s17], [sflag:$0x1] =	stream.indirect_vreg.gather [hbm4b:s2+s3], $0x80, v4, vm0, $0xb8;
	[tilespmem:$0x10600] =	vst v63  }
0x9f: {  	s18 =	simm.s32 $0xBE00  }
0xa0: {  	[tilespmem:s18], [sflag:$0x1] =	stream.indirect_vreg.gather [hbm4b:s2+s3], $0x80, v3, vm0, $0xb8;
	[tilespmem:$0x10600] =	vst v63  }
0xa1: {  	v3 =	vld [tilespmem:$0x540];
	_ =	sdelay $0x4  }
0xa2: {  	v4 =	vshll.u32 v3, $0x1  }
0xa3: {  	v3 =	vand.u32 $0x7, v3;
	v4 =	vand.u32 $0xFFFFFFF0, v4  }
0xa4: {  	v3 =	vor.u32 v3, v4  }
0xa5: {  	v4 =	vperm.xlane v3, v0;
	_ =	sdelay $0x1  }
0xa6: {  	v3 =	vperm.xlane v3, v2;
	v4 =	vadd.s32 v1, v4;
	_ =	sdelay $0x1  }
0xa7: {  	v3 =	vadd.s32 v1, v3;
	_ =	sdelay $0x1  }
0xa8: {  	s19 =	simm.s32 $0xC600  }
0xa9: {  	[tilespmem:s19], [sflag:$0x1] =	stream.indirect_vreg.gather [hbm4b:s2+s3], $0x80, v4, vm0, $0xb8;
	[tilespmem:$0x10600] =	vst v63  }
0xaa: {  	s7 =	simm.s32 $0xCE00  }
0xab: {  	[tilespmem:s7], [sflag:$0x1] =	stream.indirect_vreg.gather [hbm4b:s2+s3], $0x80, v3, vm0, $0xb8;
	[tilespmem:$0x10600] =	vst v63  }
0xac: {  	v3 =	vld [tilespmem:$0x550];
	_ =	sdelay $0x4  }
0xad: {  	v4 =	vshll.u32 v3, $0x1  }
0xae: {  	v3 =	vand.u32 $0x7, v3;
	v4 =	vand.u32 $0xFFFFFFF0, v4  }
0xaf: {  	v3 =	vor.u32 v3, v4  }
0xb0: {  	v4 =	vperm.xlane v3, v0;
	_ =	sdelay $0x1  }
0xb1: {  	v3 =	vperm.xlane v3, v2;
	v4 =	vadd.s32 v1, v4;
	_ =	sdelay $0x1  }
0xb2: {  	v3 =	vadd.s32 v1, v3;
	_ =	sdelay $0x1  }
0xb3: {  	s20 =	simm.s32 $0xD600  }
0xb4: {  	[tilespmem:s20], [sflag:$0x1] =	stream.indirect_vreg.gather [hbm4b:s2+s3], $0x80, v4, vm0, $0xb8;
	[tilespmem:$0x10600] =	vst v63  }
0xb5: {  	s21 =	simm.s32 $0xDE00  }
0xb6: {  	[tilespmem:s21], [sflag:$0x1] =	stream.indirect_vreg.gather [hbm4b:s2+s3], $0x80, v3, vm0, $0xb8;
	[tilespmem:$0x10600] =	vst v63  }
0xb7: {  	v3 =	vld [tilespmem:$0x560];
	_ =	sdelay $0x4  }
0xb8: {  	v4 =	vshll.u32 v3, $0x1  }
0xb9: {  	v3 =	vand.u32 $0x7, v3;
	v4 =	vand.u32 $0xFFFFFFF0, v4  }
0xba: {  	v3 =	vor.u32 v3, v4  }
0xbb: {  	v4 =	vperm.xlane v3, v0;
	_ =	sdelay $0x1  }
0xbc: {  	v3 =	vperm.xlane v3, v2;
	v4 =	vadd.s32 v1, v4;
	_ =	sdelay $0x1  }
0xbd: {  	v3 =	vadd.s32 v1, v3;
	_ =	sdelay $0x1  }
0xbe: {  	s13 =	simm.s32 $0xE600  }
0xbf: {  	[tilespmem:s13], [sflag:$0x1] =	stream.indirect_vreg.gather [hbm4b:s2+s3], $0x80, v4, vm0, $0xb8;
	[tilespmem:$0x10600] =	vst v63  }
0xc0: {  	s30 =	simm.s32 $0xEE00  }
0xc1: {  	[tilespmem:s30], [sflag:$0x1] =	stream.indirect_vreg.gather [hbm4b:s2+s3], $0x80, v3, vm0, $0xb8;
	[tilespmem:$0x10600] =	vst v63  }
0xc2: {  	v3 =	vld [tilespmem:$0x570];
	_ =	sdelay $0x4  }
0xc3: {  	v4 =	vshll.u32 v3, $0x1  }
0xc4: {  	v3 =	vand.u32 $0x7, v3;
	v4 =	vand.u32 $0xFFFFFFF0, v4  }
0xc5: {  	v3 =	vor.u32 v3, v4  }
0xc6: {  	v4 =	vperm.xlane v3, v0;
	_ =	sdelay $0x1  }
0xc7: {  	v3 =	vperm.xlane v3, v2;
	v4 =	vadd.s32 v1, v4;
	_ =	sdelay $0x1  }
0xc8: {  	v3 =	vadd.s32 v1, v3;
	_ =	sdelay $0x1  }
0xc9: {  	s1 =	simm.s32 $0xF600  }
0xca: {  	[tilespmem:s1], [sflag:$0x1] =	stream.indirect_vreg.gather [hbm4b:s2+s3], $0x80, v4, vm0, $0xb8;
	[tilespmem:$0x10600] =	vst v63  }
0xcb: {  	s24 =	simm.s32 $0xFE00  }
0xcc: {  	[tilespmem:s24], [sflag:$0x1] =	stream.indirect_vreg.gather [hbm4b:s2+s3], $0x80, v3, vm0, $0xb8;
	[tilespmem:$0x10600] =	vst v63  }
0xcd: {  	s24 =	simm.s32 $0x1  }
0xce: {  	_ =	swait.ge [sflag:s24], $0x80  }
0xcf: {  	[sflag:s24] =	ssyncset.done $0x0  }
0xd0: {  	[sflag:s24] =	ssyncadd.s32 $0xFFFFFF80  }
0xd1: {  	_ =	swait.ge [sflag:s24], $0x80  }
0xd2: {  	[sflag:s24] =	ssyncset.done $0x0  }
0xd3: {  	[sflag:s24] =	ssyncadd.s32 $0xFFFFFF80  }
0xd4: {  	_ =	swait.ge [sflag:s24], $0x8000  }
0xd5: {  	[sflag:s24] =	ssyncset.done $0x0  }
0xd6: {  	s4 =	simm.s32 $0x3;
	s22 =	rddreg [dreg:$0x12];
	[sflag:s24] =	ssyncadd.s32 $0xFFFF8000  }
0xd7: {  	[hbm4b:s22+s3] =	stream.linear.scatter [tilespmem:s23], [sflag:$0x3], $0x8000, $0x38;
	[tilespmem:$0x10600] =	vst v63  }
0xd8: {  	_ =	swait.ge [sflag:s4], $0x8000  }
0xd9: {  	[sflag:s4] =	ssyncset.done $0x0  }
0xda: {  	[sflag:s4] =	ssyncadd.s32 $0xFFFF8000  }
0xdb: {  	v3 =	vld [tilespmem:$0x80]  }
0xdc: {  	v4 =	vld [tilespmem:$0x180]  }
0xdd: {  	v5 =	vld [tilespmem:$0x90]  }
0xde: {  	v27 =	vld [tilespmem:$0x190]  }
0xdf: {  	v28 =	vld [tilespmem:$0xA0]  }
0xe0: {  	v29 =	vld [tilespmem:$0x1A0]  }
0xe1: {  	v30 =	vld [tilespmem:$0xB0]  }
0xe2: {  	v31 =	vld [tilespmem:$0x1B0]  }
0xe3: {  	v32 =	vld [tilespmem:$0xC0]  }
0xe4: {  	v33 =	vld [tilespmem:$0x1C0]  }
0xe5: {  	v34 =	vld [tilespmem:$0xD0]  }
0xe6: {  	v35 =	vld [tilespmem:$0x1D0];
	v3 =	vmul.u32 $0x900, v3  }
0xe7: {  	v36 =	vld [tilespmem:$0xE0];
	v5 =	vmul.u32 $0x900, v5  }
0xe8: {  	v37 =	vld [tilespmem:$0xF0];
	v3 =	vadd.s32 v4, v3;
	v4 =	vmul.u32 $0x900, v28  }
0xe9: {  	v38 =	vld [tilespmem:$0x1E0];
	[tilespmem:$0x580] =	vst v3;
	v3 =	vadd.s32 v27, v5;
	v5 =	vmul.u32 $0x900, v30  }
0xea: {  	v39 =	vld [tilespmem:$0x1F0];
	[tilespmem:$0x590] =	vst v3;
	v3 =	vadd.s32 v29, v4;
	v4 =	vmul.u32 $0x900, v32  }
0xeb: {  	[tilespmem:$0x5A0] =	vst v3;
	v3 =	vadd.s32 v31, v5;
	v5 =	vmul.u32 $0x900, v34  }
0xec: {  	[tilespmem:$0x5B0] =	vst v3;
	v3 =	vadd.s32 v33, v4;
	v4 =	vmul.u32 $0x900, v36  }
0xed: {  	[tilespmem:$0x5C0] =	vst v3;
	v3 =	vadd.s32 v35, v5;
	v5 =	vmul.u32 $0x900, v37  }
0xee: {  	[tilespmem:$0x5D0] =	vst v3;
	v3 =	vadd.s32 v38, v4  }
0xef: {  	[tilespmem:$0x5E0] =	vst v3;
	v3 =	vadd.s32 v39, v5  }
0xf0: {  	s22 =	simm.s32 $0x280;
	[tilespmem:$0x5F0] =	vst v3  }
0xf1: {  	[tilespmem:s22], [sflag:$0x1] =	stream.indirect.gather [hbm4b:s12+s25], $0x1, s8, s25, $0xb8;
	[tilespmem:$0x10600] =	vst v63  }
0xf2: {  	s12 =	simm.s32 $0x380  }
0xf3: {  	[tilespmem:s12], [sflag:$0x1] =	stream.indirect.gather [hbm4b:s14+s25], $0x1, s8, s25, $0xb8;
	[tilespmem:$0x10600] =	vst v63  }
0xf4: {  	v3 =	vld [tilespmem:$0x580];
	_ =	sdelay $0x4  }
0xf5: {  	v4 =	vshll.u32 v3, $0x1  }
0xf6: {  	v3 =	vand.u32 $0x7, v3;
	v4 =	vand.u32 $0xFFFFFFF0, v4  }
0xf7: {  	v3 =	vor.u32 v3, v4  }
0xf8: {  	v4 =	vperm.xlane v3, v0;
	_ =	sdelay $0x1  }
0xf9: {  	v3 =	vperm.xlane v3, v2;
	v4 =	vadd.s32 v1, v4;
	_ =	sdelay $0x1  }
0xfa: {  	v3 =	vadd.s32 v1, v3;
	_ =	sdelay $0x2  }
0xfb: {  	[tilespmem:s23], [sflag:$0x1] =	stream.indirect_vreg.gather [hbm4b:s2+s3], $0x80, v4, vm0, $0xb8;
	[tilespmem:$0x10600] =	vst v63  }
0xfc: {  	_ = 	snop  }
0xfd: {  	[tilespmem:s28], [sflag:$0x1] =	stream.indirect_vreg.gather [hbm4b:s2+s3], $0x80, v3, vm0, $0xb8;
	[tilespmem:$0x10600] =	vst v63  }
0xfe: {  	v3 =	vld [tilespmem:$0x590];
	_ =	sdelay $0x4  }
0xff: {  	v4 =	vshll.u32 v3, $0x1  }
0x100: {  	v3 =	vand.u32 $0x7, v3;
	v4 =	vand.u32 $0xFFFFFFF0, v4  }
0x101: {  	v3 =	vor.u32 v3, v4  }
0x102: {  	v4 =	vperm.xlane v3, v0;
	_ =	sdelay $0x1  }
0x103: {  	v3 =	vperm.xlane v3, v2;
	v4 =	vadd.s32 v1, v4;
	_ =	sdelay $0x1  }
0x104: {  	v3 =	vadd.s32 v1, v3;
	_ =	sdelay $0x2  }
0x105: {  	[tilespmem:s29], [sflag:$0x1] =	stream.indirect_vreg.gather [hbm4b:s2+s3], $0x80, v4, vm0, $0xb8;
	[tilespmem:$0x10600] =	vst v63  }
0x106: {  	_ = 	snop  }
0x107: {  	[tilespmem:s11], [sflag:$0x1] =	stream.indirect_vreg.gather [hbm4b:s2+s3], $0x80, v3, vm0, $0xb8;
	[tilespmem:$0x10600] =	vst v63  }
0x108: {  	v3 =	vld [tilespmem:$0x5A0];
	_ =	sdelay $0x4  }
0x109: {  	v4 =	vshll.u32 v3, $0x1  }
0x10a: {  	v3 =	vand.u32 $0x7, v3;
	v4 =	vand.u32 $0xFFFFFFF0, v4  }
0x10b: {  	v3 =	vor.u32 v3, v4  }
0x10c: {  	v4 =	vperm.xlane v3, v0;
	_ =	sdelay $0x1  }
0x10d: {  	v3 =	vperm.xlane v3, v2;
	v4 =	vadd.s32 v1, v4;
	_ =	sdelay $0x1  }
0x10e: {  	v3 =	vadd.s32 v1, v3;
	_ =	sdelay $0x2  }
0x10f: {  	[tilespmem:s15], [sflag:$0x1] =	stream.indirect_vreg.gather [hbm4b:s2+s3], $0x80, v4, vm0, $0xb8;
	[tilespmem:$0x10600] =	vst v63  }
0x110: {  	_ = 	snop  }
0x111: {  	[tilespmem:s16], [sflag:$0x1] =	stream.indirect_vreg.gather [hbm4b:s2+s3], $0x80, v3, vm0, $0xb8;
	[tilespmem:$0x10600] =	vst v63  }
0x112: {  	v3 =	vld [tilespmem:$0x5B0];
	_ =	sdelay $0x4  }
0x113: {  	v4 =	vshll.u32 v3, $0x1  }
0x114: {  	v3 =	vand.u32 $0x7, v3;
	v4 =	vand.u32 $0xFFFFFFF0, v4  }
0x115: {  	v3 =	vor.u32 v3, v4  }
0x116: {  	v4 =	vperm.xlane v3, v0;
	_ =	sdelay $0x1  }
0x117: {  	v3 =	vperm.xlane v3, v2;
	v4 =	vadd.s32 v1, v4;
	_ =	sdelay $0x1  }
0x118: {  	v3 =	vadd.s32 v1, v3;
	_ =	sdelay $0x2  }
0x119: {  	[tilespmem:s17], [sflag:$0x1] =	stream.indirect_vreg.gather [hbm4b:s2+s3], $0x80, v4, vm0, $0xb8;
	[tilespmem:$0x10600] =	vst v63  }
0x11a: {  	_ = 	snop  }
0x11b: {  	[tilespmem:s18], [sflag:$0x1] =	stream.indirect_vreg.gather [hbm4b:s2+s3], $0x80, v3, vm0, $0xb8;
	[tilespmem:$0x10600] =	vst v63  }
0x11c: {  	v3 =	vld [tilespmem:$0x5C0];
	_ =	sdelay $0x4  }
0x11d: {  	v4 =	vshll.u32 v3, $0x1  }
0x11e: {  	v3 =	vand.u32 $0x7, v3;
	v4 =	vand.u32 $0xFFFFFFF0, v4  }
0x11f: {  	v3 =	vor.u32 v3, v4  }
0x120: {  	v4 =	vperm.xlane v3, v0;
	_ =	sdelay $0x1  }
0x121: {  	v3 =	vperm.xlane v3, v2;
	v4 =	vadd.s32 v1, v4;
	_ =	sdelay $0x1  }
0x122: {  	v3 =	vadd.s32 v1, v3;
	_ =	sdelay $0x2  }
0x123: {  	[tilespmem:s19], [sflag:$0x1] =	stream.indirect_vreg.gather [hbm4b:s2+s3], $0x80, v4, vm0, $0xb8;
	[tilespmem:$0x10600] =	vst v63  }
0x124: {  	_ = 	snop  }
0x125: {  	[tilespmem:s7], [sflag:$0x1] =	stream.indirect_vreg.gather [hbm4b:s2+s3], $0x80, v3, vm0, $0xb8;
	[tilespmem:$0x10600] =	vst v63  }
0x126: {  	v3 =	vld [tilespmem:$0x5D0];
	_ =	sdelay $0x4  }
0x127: {  	v4 =	vshll.u32 v3, $0x1  }
0x128: {  	v3 =	vand.u32 $0x7, v3;
	v4 =	vand.u32 $0xFFFFFFF0, v4  }
0x129: {  	v3 =	vor.u32 v3, v4  }
0x12a: {  	v4 =	vperm.xlane v3, v0;
	_ =	sdelay $0x1  }
0x12b: {  	v3 =	vperm.xlane v3, v2;
	v4 =	vadd.s32 v1, v4;
	_ =	sdelay $0x1  }
0x12c: {  	v3 =	vadd.s32 v1, v3;
	_ =	sdelay $0x2  }
0x12d: {  	[tilespmem:s20], [sflag:$0x1] =	stream.indirect_vreg.gather [hbm4b:s2+s3], $0x80, v4, vm0, $0xb8;
	[tilespmem:$0x10600] =	vst v63  }
0x12e: {  	_ = 	snop  }
0x12f: {  	[tilespmem:s21], [sflag:$0x1] =	stream.indirect_vreg.gather [hbm4b:s2+s3], $0x80, v3, vm0, $0xb8;
	[tilespmem:$0x10600] =	vst v63  }
0x130: {  	v3 =	vld [tilespmem:$0x5E0];
	_ =	sdelay $0x4  }
0x131: {  	v4 =	vshll.u32 v3, $0x1  }
0x132: {  	v3 =	vand.u32 $0x7, v3;
	v4 =	vand.u32 $0xFFFFFFF0, v4  }
0x133: {  	v3 =	vor.u32 v3, v4  }
0x134: {  	v4 =	vperm.xlane v3, v0;
	_ =	sdelay $0x1  }
0x135: {  	v3 =	vperm.xlane v3, v2;
	v4 =	vadd.s32 v1, v4;
	_ =	sdelay $0x1  }
0x136: {  	v3 =	vadd.s32 v1, v3;
	_ =	sdelay $0x2  }
0x137: {  	[tilespmem:s13], [sflag:$0x1] =	stream.indirect_vreg.gather [hbm4b:s2+s3], $0x80, v4, vm0, $0xb8;
	[tilespmem:$0x10600] =	vst v63  }
0x138: {  	_ = 	snop  }
0x139: {  	[tilespmem:s30], [sflag:$0x1] =	stream.indirect_vreg.gather [hbm4b:s2+s3], $0x80, v3, vm0, $0xb8;
	[tilespmem:$0x10600] =	vst v63  }
0x13a: {  	v3 =	vld [tilespmem:$0x5F0];
	_ =	sdelay $0x4  }
0x13b: {  	v4 =	vshll.u32 v3, $0x1  }
0x13c: {  	v3 =	vand.u32 $0x7, v3;
	v4 =	vand.u32 $0xFFFFFFF0, v4  }
0x13d: {  	v3 =	vor.u32 v3, v4  }
0x13e: {  	v4 =	vperm.xlane v3, v0;
	_ =	sdelay $0x1  }
0x13f: {  	v3 =	vperm.xlane v3, v2;
	v4 =	vadd.s32 v1, v4;
	_ =	sdelay $0x1  }
0x140: {  	v3 =	vadd.s32 v1, v3;
	_ =	sdelay $0x2  }
0x141: {  	[tilespmem:s1], [sflag:$0x1] =	stream.indirect_vreg.gather [hbm4b:s2+s3], $0x80, v4, vm0, $0xb8;
	[tilespmem:$0x10600] =	vst v63  }
0x142: {  	s20 =	simm.s32 $0xFE00  }
0x143: {  	[tilespmem:s20], [sflag:$0x1] =	stream.indirect_vreg.gather [hbm4b:s2+s3], $0x80, v3, vm0, $0xb8;
	[tilespmem:$0x10600] =	vst v63  }
0x144: {  	_ =	swait.ge [sflag:s24], $0x80  }
0x145: {  	[sflag:s24] =	ssyncset.done $0x0  }
0x146: {  	[sflag:s24] =	ssyncadd.s32 $0xFFFFFF80  }
0x147: {  	_ =	swait.ge [sflag:s24], $0x80  }
0x148: {  	[sflag:s24] =	ssyncset.done $0x0  }
0x149: {  	[sflag:s24] =	ssyncadd.s32 $0xFFFFFF80  }
0x14a: {  	_ =	swait.ge [sflag:s24], $0x8000  }
0x14b: {  	[sflag:s24] =	ssyncset.done $0x0  }
0x14c: {  	s13 =	simm.s32 $0x3;
	s21 =	rddreg [dreg:$0x13];
	[sflag:s24] =	ssyncadd.s32 $0xFFFF8000  }
0x14d: {  	[hbm4b:s21+s3] =	stream.linear.scatter [tilespmem:s23], [sflag:$0x3], $0x8000, $0x38;
	[tilespmem:$0x10600] =	vst v63  }
0x14e: {  	_ =	swait.ge [sflag:s13], $0x8000  }
0x14f: {  	[sflag:s13] =	ssyncset.done $0x0  }
0x150: {  	[sflag:s13] =	ssyncadd.s32 $0xFFFF8000  }
0x151: {  	v3 =	vld [tilespmem:$0x0]  }
0x152: {  	v4 =	vld [tilespmem:$0x10]  }
0x153: {  	v5 =	vld [tilespmem:$0x20]  }
0x154: {  	v40 =	vld [tilespmem:$0x30]  }
0x155: {  	v41 =	vld [tilespmem:$0x40]  }
0x156: {  	v42 =	vld [tilespmem:$0x50]  }
0x157: {  	v43 =	vld [tilespmem:$0x60]  }
0x158: {  	v44 =	vld [tilespmem:$0x70]  }
0x159: {  	v45 =	vld [tilespmem:$0x80]  }
0x15a: {  	v46 =	vld [tilespmem:$0x90]  }
0x15b: {  	v47 =	vld [tilespmem:$0xA0]  }
0x15c: {  	v48 =	vld [tilespmem:$0xB0]  }
0x15d: {  	v49 =	vld [tilespmem:$0xC0]  }
0x15e: {  	v16 =	vld [tilespmem:$0xD0]  }
0x15f: {  	v17 =	vld [tilespmem:$0xE0]  }
0x160: {  	v18 =	vld [tilespmem:$0x200]  }
0x161: {  	v19 =	vld [tilespmem:$0xF0]  }
0x162: {  	v20 =	vld [tilespmem:$0x300]  }
0x163: {  	v21 =	vld [tilespmem:$0x210]  }
0x164: {  	v22 =	vld [tilespmem:$0x310]  }
0x165: {  	v24 =	vld [tilespmem:$0x220]  }
0x166: {  	v52 =	vld [tilespmem:$0x320]  }
0x167: {  	v25 =	vld [tilespmem:$0x230];
	v3 =	vmul.u32 $0x9000, v3;
	v4 =	vmul.u32 $0x9000, v4  }
0x168: {  	v56 =	vld [tilespmem:$0x330];
	v5 =	vmul.u32 $0x9000, v5;
	v6 =	vmul.u32 $0x9000, v40;
	v7 =	vmul.u32 $0x9000, v41  }
0x169: {  	v60 =	vld [tilespmem:$0x240];
	v8 =	vmul.u32 $0x9000, v42;
	v9 =	vmul.u32 $0x9000, v43;
	v10 =	vmul.u32 $0x9000, v44  }
0x16a: {  	v63 =	vld [tilespmem:$0x340];
	v11 =	vmul.u32 $0x9000, v45;
	v12 =	vmul.u32 $0x9000, v46;
	v13 =	vmul.u32 $0x9000, v47  }
0x16b: {  	v29 =	vld [tilespmem:$0x250];
	v50 =	vmul.u32 $0x9000, v49;
	v51 =	vmul.u32 $0xC0, v18;
	v16 =	vmul.u32 $0x9000, v16  }
0x16c: {  	v35 =	vld [tilespmem:$0x260];
	v17 =	vmul.u32 $0x9000, v17;
	v19 =	vmul.u32 $0x9000, v19;
	v20 =	vadd.s32 $0xFFFFFFFE, v20  }
0x16d: {  	v39 =	vld [tilespmem:$0x270];
	v18 =	vadd.s32 $0xFFFFFFFE, v18;
	v53 =	vmul.u32 $0xC0, v21;
	v22 =	vadd.s32 $0xFFFFFFFE, v22  }
0x16e: {  	v31 =	vld [tilespmem:$0x350];
	v21 =	vadd.s32 $0xFFFFFFFE, v21;
	v57 =	vadd.s32 $0xFFFFFFFE, v24;
	v58 =	vmul.u32 $0xC0, v24  }
0x16f: {  	v36 =	vld [tilespmem:$0x360];
	v61 =	vadd.s32 $0xFFFFFFFE, v52;
	v24 =	vmul.u32 $0xC0, v25;
	v27 =	vadd.s32 $0xFFFFFFFE, v25  }
0x170: {  	v28 =	vadd.s32 $0xFFFFFFFE, v56;
	v30 =	vmul.u32 $0xC0, v60;
	v33 =	vadd.s32 $0xFFFFFFFE, v63;
	v41 =	vld [tilespmem:$0x370];
	[tilespmem:$0x410] =	vst v4  }
0x171: {  	v34 =	vadd.s32 $0xFFFFFFFE, v60;
	v37 =	vmul.u32 $0xC0, v29;
	v42 =	vmul.u32 $0xC0, v35;
	[tilespmem:$0x420] =	vst v5;
	v23 =	vld [tilespmem:$0x410]  }
0x172: {  	v44 =	vmul.u32 $0xC0, v39;
	v46 =	vadd.s32 $0xFFFFFFFE, v39;
	vm1 =	vlt.u32 v18, $0xC0;
	[tilespmem:$0x430] =	vst v6;
	v54 =	vld [tilespmem:$0x420]  }
0x173: {  	vm2 =	vlt.u32 v20, $0xC0;
	vm3 =	vlt.u32 v28, $0xC0;
	v15 =	vadd.s32 v3, v51;
	[tilespmem:$0x440] =	vst v7;
	v59 =	vld [tilespmem:$0x430]  }
0x174: {  	v4 =	vmul.u32 $0x9000, v48;
	vm1 =	vmand vm1, vm2;
	[tilespmem:$0x450] =	vst v8;
	v5 =	vadd.s32 v20, v15;
	v26 =	vld [tilespmem:$0x440]  }
0x175: {  	vm2 =	vlt.u32 v22, $0xC0;
	v8 =	vadd.s32 $0xFFFFFFFE, v29;
	v32 =	vld [tilespmem:$0x450];
	v5 =	vadd.s32 $0xFFFFFE80, v5  }
0x176: {  	[tilespmem:$0x470] =	vst v10;
	v10 =	vadd.s32 $0xFFFFFFFE, v31;
	v5 =	vnsel vm1, $0x12000, v5;
	vm1 =	vlt.u32 v21, $0xC0  }
0x177: {  	[tilespmem:$0x400] =	vst v3;
	v15 =	vadd.s32 $0xFFFFFFFE, v35;
	v45 =	vadd.s32 $0xFFFFFFFE, v41;
	vm1 =	vmand vm1, vm2  }
0x178: {  	vm2 =	vlt.u32 v57, $0xC0;
	[tilespmem:$0x500] =	vst v5;
	v5 =	vadd.s32 $0xFFFFFFFE, v36;
	v55 =	vadd.s32 v23, v53  }
0x179: {  	[tilespmem:$0x460] =	vst v9;
	v43 =	vld [tilespmem:$0x470];
	v62 =	vadd.s32 v54, v58;
	v7 =	vadd.s32 v59, v24;
	v9 =	vadd.s32 v26, v30  }
0x17a: {  	[tilespmem:$0x480] =	vst v11;
	v40 =	vadd.s32 v32, v37;
	v6 =	vadd.s32 v22, v55;
	v3 =	vadd.s32 v61, v62  }
0x17b: {  	[tilespmem:$0x490] =	vst v12;
	v7 =	vadd.s32 v28, v7;
	v9 =	vadd.s32 v33, v9;
	v6 =	vadd.s32 $0xFFFFFE80, v6  }
0x17c: {  	[tilespmem:$0x4A0] =	vst v13;
	v3 =	vadd.s32 $0xFFFFFE80, v3;
	v6 =	vnsel vm1, $0x12000, v6;
	vm1 =	vlt.u32 v61, $0xC0  }
0x17d: {  	v38 =	vld [tilespmem:$0x460];
	[tilespmem:$0x4B0] =	vst v4;
	v7 =	vadd.s32 $0xFFFFFE80, v7;
	v4 =	vadd.s32 $0xFFFFFE80, v9;
	vm1 =	vmand vm2, vm1  }
0x17e: {  	vm2 =	vlt.u32 v27, $0xC0;
	[tilespmem:$0x510] =	vst v6;
	v6 =	vadd.s32 v43, v44;
	v3 =	vnsel vm1, $0x12000, v3  }
0x17f: {  	[tilespmem:$0x4C0] =	vst v50;
	vm1 =	vmand vm2, vm3;
	vm2 =	vlt.u32 v34, $0xC0;
	vm3 =	vlt.u32 v33, $0xC0  }
0x180: {  	[tilespmem:$0x4D0] =	vst v16;
	vm2 =	vmand vm2, vm3;
	v7 =	vnsel vm1, $0x12000, v7;
	vm1 =	vlt.u32 v8, $0xC0  }
0x181: {  	[tilespmem:$0x4E0] =	vst v17;
	v8 =	vadd.s32 v10, v40;
	vm3 =	vlt.u32 v5, $0xC0;
	v4 =	vnsel vm2, $0x12000, v4  }
0x182: {  	[tilespmem:$0x4F0] =	vst v19;
	vm2 =	vlt.u32 v10, $0xC0;
	v8 =	vadd.s32 $0xFFFFFE80, v8;
	v10 =	vadd.s32 v38, v42  }
0x183: {  	[tilespmem:$0x520] =	vst v3;
	vm1 =	vmand vm1, vm2;
	vm2 =	vlt.u32 v15, $0xC0;
	v5 =	vadd.s32 v5, v10  }
0x184: {  	[tilespmem:$0x540] =	vst v4;
	v4 =	vadd.s32 v45, v6;
	v3 =	vnsel vm1, $0x12000, v8;
	vm1 =	vmand vm2, vm3  }
0x185: {  	[tilespmem:$0x530] =	vst v7;
	v5 =	vadd.s32 $0xFFFFFE80, v5;
	vm2 =	vlt.u32 v46, $0xC0;
	vm3 =	vlt.u32 v45, $0xC0  }
0x186: {  	v4 =	vadd.s32 $0xFFFFFE80, v4;
	[tilespmem:$0x550] =	vst v3;
	v3 =	vnsel vm1, $0x12000, v5;
	vm1 =	vmand vm2, vm3  }
0x187: {  	[tilespmem:$0x560] =	vst v3;
	v3 =	vnsel vm1, $0x12000, v4  }
0x188: {  	[tilespmem:$0x570] =	vst v3  }
0x189: {  	[tilespmem:s9], [sflag:$0x1] =	stream.indirect.gather [hbm4b:s5+s25], $0x80, s26, s25, $0xb8;
	[tilespmem:$0x10600] =	vst v63  }
0x18a: {  	v3 =	vld [tilespmem:$0x280]  }
0x18b: {  	v4 =	vld [tilespmem:$0x380]  }
0x18c: {  	v47 =	vld [tilespmem:$0x290]  }
0x18d: {  	v48 =	vld [tilespmem:$0x390]  }
0x18e: {  	v51 =	vld [tilespmem:$0x3A0]  }
0x18f: {  	v53 =	vld [tilespmem:$0x2B0]  }
0x190: {  	v57 =	vld [tilespmem:$0x2C0]  }
0x191: {  	v61 =	vld [tilespmem:$0x2D0]  }
0x192: {  	v63 =	vld [tilespmem:$0x3D0]  }
0x193: {  	v19 =	vld [tilespmem:$0x2E0]  }
0x194: {  	v23 =	vld [tilespmem:$0x2F0]  }
0x195: {  	v25 =	vld [tilespmem:$0x3F0];
	v49 =	vmul.u32 $0xC0, v3  }
0x196: {  	v5 =	vld [tilespmem:$0x480];
	v3 =	vadd.s32 $0xFFFFFFFE, v3;
	v4 =	vadd.s32 $0xFFFFFFFE, v4;
	v7 =	vadd.s32 $0xFFFFFFFE, v48  }
0x197: {  	v54 =	vld [tilespmem:$0x3B0];
	v6 =	vadd.s32 $0xFFFFFFFE, v47;
	v8 =	vadd.s32 $0xFFFFFFFE, v51;
	v59 =	vmul.u32 $0xC0, v53  }
0x198: {  	v18 =	vld [tilespmem:$0x4D0];
	v9 =	vadd.s32 $0xFFFFFFFE, v53;
	v62 =	vmul.u32 $0xC0, v57;
	v12 =	vadd.s32 $0xFFFFFFFE, v57  }
0x199: {  	v22 =	vld [tilespmem:$0x4E0];
	v21 =	vmul.u32 $0xC0, v61;
	v11 =	vadd.s32 $0xFFFFFFFE, v63;
	v26 =	vmul.u32 $0xC0, v19  }
0x19a: {  	v50 =	vld [tilespmem:$0x490];
	v10 =	vadd.s32 $0xFFFFFFFE, v19;
	v29 =	vadd.s32 $0xFFFFFFFE, v25;
	v30 =	vadd.s32 $0xFFFFFFFE, v23  }
0x19b: {  	v58 =	vld [tilespmem:$0x3C0];
	vm1 =	vlt.u32 v3, $0xC0;
	vm2 =	vlt.u32 v4, $0xC0;
	vm3 =	vlt.u32 v7, $0xC0  }
0x19c: {  	v3 =	vadd.s32 v5, v49;
	v5 =	vld [tilespmem:$0x2A0];
	vm1 =	vmand vm1, vm2;
	vm2 =	vlt.u32 v6, $0xC0  }
0x19d: {  	v52 =	vld [tilespmem:$0x4A0];
	v6 =	vadd.s32 $0xFFFFFFFE, v54;
	v3 =	vadd.s32 v4, v3;
	v4 =	vmul.u32 $0xC0, v47  }
0x19e: {  	v20 =	vld [tilespmem:$0x3E0];
	v24 =	vadd.s32 v18, v21;
	v28 =	vadd.s32 v22, v26;
	vm2 =	vmand vm2, vm3  }
0x19f: {  	v56 =	vld [tilespmem:$0x4B0];
	vm3 =	vlt.u32 v6, $0xC0;
	v3 =	vadd.s32 $0xFFFFFE80, v3;
	v4 =	vadd.s32 v50, v4  }
0x1a0: {  	v60 =	vld [tilespmem:$0x4C0];
	v3 =	vnsel vm1, $0x12000, v3;
	v4 =	vadd.s32 v7, v4;
	v7 =	vadd.s32 $0xFFFFFFFE, v58  }
0x1a1: {  	v27 =	vld [tilespmem:$0x4F0];
	v4 =	vadd.s32 $0xFFFFFE80, v4;
	v55 =	vmul.u32 $0xC0, v5;
	v5 =	vadd.s32 $0xFFFFFFFE, v5  }
0x1a2: {  	v4 =	vnsel vm2, $0x12000, v4;
	vm1 =	vlt.u32 v5, $0xC0;
	vm2 =	vlt.u32 v8, $0xC0  }
0x1a3: {  	[tilespmem:$0x580] =	vst v3;
	v3 =	vadd.s32 $0xFFFFFFFE, v20;
	v5 =	vadd.s32 v52, v55;
	vm1 =	vmand vm1, vm2  }
0x1a4: {  	vm2 =	vlt.u32 v9, $0xC0;
	[tilespmem:$0x590] =	vst v4;
	v4 =	vmul.u32 $0xC0, v23;
	v5 =	vadd.s32 v8, v5  }
0x1a5: {  	v9 =	vadd.s32 $0xFFFFFFFE, v61;
	v8 =	vadd.s32 v56, v59;
	v5 =	vadd.s32 $0xFFFFFE80, v5  }
0x1a6: {  	v6 =	vadd.s32 v6, v8;
	v8 =	vadd.s32 v60, v62;
	v4 =	vadd.s32 v27, v4  }
0x1a7: {  	v5 =	vnsel vm1, $0x12000, v5;
	vm1 =	vmand vm2, vm3;
	v6 =	vadd.s32 $0xFFFFFE80, v6  }
0x1a8: {  	vm2 =	vlt.u32 v12, $0xC0;
	vm3 =	vlt.u32 v7, $0xC0;
	v7 =	vadd.s32 v7, v8  }
0x1a9: {  	v4 =	vadd.s32 v29, v4;
	vm2 =	vmand vm2, vm3;
	v7 =	vadd.s32 $0xFFFFFE80, v7  }
0x1aa: {  	v6 =	vnsel vm1, $0x12000, v6;
	vm1 =	vlt.u32 v9, $0xC0;
	v9 =	vadd.s32 v11, v24  }
0x1ab: {  	vm3 =	vlt.u32 v3, $0xC0;
	v7 =	vnsel vm2, $0x12000, v7;
	vm2 =	vlt.u32 v11, $0xC0  }
0x1ac: {  	v3 =	vadd.s32 v3, v28;
	[tilespmem:$0x5A0] =	vst v5;
	v9 =	vadd.s32 $0xFFFFFE80, v9;
	vm1 =	vmand vm1, vm2  }
0x1ad: {  	v3 =	vadd.s32 $0xFFFFFE80, v3;
	[tilespmem:$0x5B0] =	vst v6;
	vm2 =	vlt.u32 v10, $0xC0;
	v5 =	vnsel vm1, $0x12000, v9  }
0x1ae: {  	[tilespmem:$0x5C0] =	vst v7;
	vm1 =	vmand vm2, vm3;
	vm2 =	vlt.u32 v30, $0xC0;
	vm3 =	vlt.u32 v29, $0xC0  }
0x1af: {  	v4 =	vadd.s32 $0xFFFFFE80, v4;
	[tilespmem:$0x5D0] =	vst v5;
	v3 =	vnsel vm1, $0x12000, v3;
	vm1 =	vmand vm2, vm3  }
0x1b0: {  	[tilespmem:$0x5E0] =	vst v3;
	v3 =	vnsel vm1, $0x12000, v4  }
0x1b1: {  	[tilespmem:$0x5F0] =	vst v3  }
0x1b2: {  	[tilespmem:s31], [sflag:$0x1] =	stream.indirect.gather [hbm4b:s5+s25], $0x80, s8, s25, $0xb8;
	[tilespmem:$0x10600] =	vst v63  }
0x1b3: {  	_ =	swait.ge [sflag:s24], $0x4000  }
0x1b4: {  	[sflag:s24] =	ssyncset.done $0x0  }
0x1b5: {  	[sflag:s24] =	ssyncadd.s32 $0xFFFFC000  }
0x1b6: {  	_ =	swait.ge [sflag:s24], $0x4000  }
0x1b7: {  	[sflag:s24] =	ssyncset.done $0x0  }
0x1b8: {  	s22 =	rddreg [dreg:$0x14];
	[sflag:s24] =	ssyncadd.s32 $0xFFFFC000  }
0x1b9: {  	[hbm4b:s22+s3] =	stream.linear.scatter [tilespmem:s9], [sflag:$0x2], $0x8000, $0x38;
	[tilespmem:$0x10600] =	vst v63  }
0x1ba: {  	v3 =	vld [tilespmem:$0x240]  }
0x1bb: {  	v4 =	vld [tilespmem:$0x270]  }
0x1bc: {  	v5 =	vld [tilespmem:$0x210]  }
0x1bd: {  	v31 =	vld [tilespmem:$0x370]  }
0x1be: {  	v32 =	vld [tilespmem:$0x360]  }
0x1bf: {  	v33 =	vld [tilespmem:$0x320]  }
0x1c0: {  	v34 =	vld [tilespmem:$0x310]  }
0x1c1: {  	v35 =	vld [tilespmem:$0x350]  }
0x1c2: {  	s23 =	smul.u32 $0xCD, s24;
	v36 =	vld [tilespmem:$0x340]  }
0x1c3: {  	v37 =	vld [tilespmem:$0x300]  }
0x1c4: {  	s12 =	sshrl.u32 s23, $0xA;
	v38 =	vld [tilespmem:$0x200]  }
0x1c5: {  	s12 =	sand.u32 $0x3F, s12;
	v39 =	vld [tilespmem:$0x230]  }
0x1c6: {  	s24 =	smul.u32 $0x5, s12;
	v40 =	vld [tilespmem:$0x260]  }
0x1c7: {  	v43 =	vld [tilespmem:$0x330]  }
0x1c8: {  	s28 =	sadd.s32 $0xFFFFFFFE, s12;
	s30 =	ssub.s32 $0x1, s24;
	v45 =	vld [tilespmem:$0x250]  }
0x1c9: {  	v46 =	vld [tilespmem:$0x220];
	s12 =	sand.u32 $0xFF, s30;
	v9 =	vadd.s32 s28, v34;
	v8 =	vadd.s32 s28, v33  }
0x1ca: {  	s29 =	sadd.s32 $0xFFFFFFFE, s12;
	v10 =	vadd.s32 s28, v35;
	v7 =	vadd.s32 s28, v32;
	v11 =	vadd.s32 s28, v36  }
0x1cb: {  	v12 =	vadd.s32 s28, v37;
	v6 =	vadd.s32 s28, v31;
	v13 =	vadd.s32 s29, v38  }
0x1cc: {  	v5 =	vadd.s32 s29, v5;
	v14 =	vadd.s32 s29, v39;
	v15 =	vadd.s32 s29, v40  }
0x1cd: {  	v4 =	vadd.s32 s29, v4;
	v3 =	vadd.s32 s29, v3;
	v51 =	vadd.s32 s28, v43  }
0x1ce: {  	v52 =	vadd.s32 s29, v45;
	v53 =	vadd.s32 s29, v46;
	vm6 =	vlt.u32 v8, $0xC0  }
0x1cf: {  	vm5 =	vlt.u32 v7, $0xC0;
	vm3 =	vlt.u32 v10, $0xC0;
	vm4 =	vlt.u32 v6, $0xC0  }
0x1d0: {  	vm7 =	vlt.u32 v12, $0xC0;
	v44 =	vmul.u32 $0xC0, v13;
	v47 =	vmul.u32 $0xC0, v14  }
0x1d1: {  	v41 =	vld [tilespmem:$0x400];
	vm2 =	vlt.u32 v5, $0xC0;
	vm8 =	vlt.u32 v13, $0xC0;
	vm14 =	vlt.u32 v14, $0xC0  }
0x1d2: {  	v42 =	vld [tilespmem:$0x430];
	vm9 =	vlt.u32 v51, $0xC0;
	v54 =	vmul.u32 $0xC0, v52;
	v55 =	vmul.u32 $0xC0, v3  }
0x1d3: {  	v48 =	vld [tilespmem:$0x450];
	vm15 =	vlt.u32 v53, $0xC0;
	v57 =	vmul.u32 $0xC0, v4;
	vm12 =	vlt.u32 v3, $0xC0  }
0x1d4: {  	v56 =	vld [tilespmem:$0x470];
	vm10 =	vlt.u32 v15, $0xC0;
	v15 =	vmul.u32 $0xC0, v15;
	vm13 =	vlt.u32 v11, $0xC0  }
0x1d5: {  	v17 =	vmul.u32 $0xC0, v53;
	v5 =	vmul.u32 $0xC0, v5;
	vm7 =	vmand vm8, vm7  }
0x1d6: {  	v50 =	vld [tilespmem:$0x440];
	vm8 =	vmand vm14, vm9;
	vm6 =	vmand vm15, vm6;
	vm5 =	vmand vm10, vm5  }
0x1d7: {  	v58 =	vld [tilespmem:$0x420];
	vm14 =	vlt.u32 v52, $0xC0;
	vm9 =	vmand vm12, vm13;
	vm15 =	vlt.u32 v4, $0xC0  }
0x1d8: {  	v59 =	vld [tilespmem:$0x460];
	v16 =	vadd.s32 v44, v41;
	v49 =	vadd.s32 v47, v42;
	v18 =	vadd.s32 v54, v48  }
0x1d9: {  	v60 =	vld [tilespmem:$0x410];
	v4 =	vadd.s32 v57, v56;
	vm3 =	vmand vm14, vm3;
	v12 =	vadd.s32 v12, v16  }
0x1da: {  	vm4 =	vmand vm15, vm4;
	v13 =	vadd.s32 v51, v49;
	v12 =	vnsel vm7, $0x12000, v12  }
0x1db: {  	v16 =	vadd.s32 v55, v50;
	v4 =	vadd.s32 v6, v4;
	v61 =	vnsel vm8, $0x12000, v13;
	[tilespmem:$0x500] =	vst v12  }
0x1dc: {  	v10 =	vadd.s32 v10, v18;
	v3 =	vadd.s32 v11, v16;
	v4 =	vnsel vm4, $0x12000, v4;
	[tilespmem:$0x530] =	vst v61  }
0x1dd: {  	v62 =	vadd.s32 v15, v59;
	v63 =	vnsel vm3, $0x12000, v10;
	v3 =	vnsel vm9, $0x12000, v3;
	[tilespmem:$0x570] =	vst v4  }
0x1de: {  	v4 =	vadd.s32 v5, v60;
	v5 =	vadd.s32 v7, v62;
	[tilespmem:$0x540] =	vst v3;
	v3 =	vadd.s32 v17, v58  }
0x1df: {  	vm1 =	vlt.u32 v9, $0xC0;
	[tilespmem:$0x550] =	vst v63;
	v5 =	vnsel vm5, $0x12000, v5;
	v3 =	vadd.s32 v8, v3  }
0x1e0: {  	vm1 =	vmand vm2, vm1;
	v4 =	vadd.s32 v9, v4;
	[tilespmem:$0x560] =	vst v5;
	v3 =	vnsel vm6, $0x12000, v3  }
0x1e1: {  	[tilespmem:$0x520] =	vst v3;
	v3 =	vnsel vm1, $0x12000, v4  }
0x1e2: {  	[tilespmem:$0x510] =	vst v3  }
0x1e3: {  	_ =	swait.ge [sflag:s0], $0x8000  }
0x1e4: {  	[sflag:s0] =	ssyncset.done $0x0  }
0x1e5: {  	s24 =	rddreg [dreg:$0x18];
	[sflag:s0] =	ssyncadd.s32 $0xFFFF8000  }
0x1e6: {  	[tilespmem:s9], [sflag:$0x1] =	stream.indirect.gather [hbm4b:s5+s25], $0x80, s26, s25, $0xb8;
	[tilespmem:$0x10600] =	vst v63  }
0x1e7: {  	s12 =	simm.s32 $0x2;
	s22 =	smov.u32 s24;
	v3 =	vld [tilespmem:$0x390]  }
.LBB2_3:
0x1e8: {  	p1 =	seq.s32 s12, $0x18  }
0x1e9: {  	v4 =	vld [tilespmem:$0x280];
	s22 =	sadd.s32 $0x10000, s22;
	s14 =	smov.u32 s12;
	s12 =	sadd.s32 $0x1, s12  }
0x1ea: {  	v5 =	vld [tilespmem:$0x3D0]  }
0x1eb: {  	v6 =	vld [tilespmem:$0x4D0]  }
0x1ec: {  	v7 =	vld [tilespmem:$0x2D0]  }
0x1ed: {  	v3 =	vadd.s32 s28, v3;
	v8 =	vld [tilespmem:$0x3B0]  }
0x1ee: {  	v9 =	vld [tilespmem:$0x2C0]  }
0x1ef: {  	v10 =	vld [tilespmem:$0x3C0];
	v5 =	vadd.s32 s28, v5  }
0x1f0: {  	v11 =	vld [tilespmem:$0x2A0]  }
0x1f1: {  	vm2 =	vlt.u32 v5, $0xC0;
	v12 =	vld [tilespmem:$0x2B0];
	v7 =	vadd.s32 s29, v7  }
0x1f2: {  	v13 =	vld [tilespmem:$0x3A0];
	v8 =	vadd.s32 s28, v8;
	vm3 =	vlt.u32 v7, $0xC0;
	v7 =	vmul.u32 $0xC0, v7  }
0x1f3: {  	vm1 =	vlt.u32 v3, $0xC0;
	v14 =	vld [tilespmem:$0x4A0];
	vm4 =	vlt.u32 v8, $0xC0;
	vm2 =	vmand vm3, vm2  }
0x1f4: {  	v9 =	vadd.s32 s29, v9;
	v15 =	vld [tilespmem:$0x380];
	v10 =	vadd.s32 s28, v10;
	v6 =	vadd.s32 v7, v6  }
0x1f5: {  	v16 =	vmul.u32 $0xC0, v9;
	vm3 =	vlt.u32 v10, $0xC0;
	v7 =	vld [tilespmem:$0x4C0];
	v5 =	vadd.s32 v5, v6  }
0x1f6: {  	v4 =	vadd.s32 s29, v4;
	v11 =	vadd.s32 s29, v11;
	v6 =	vld [tilespmem:$0x480];
	v12 =	vadd.s32 s29, v12  }
0x1f7: {  	vm5 =	vlt.u32 v11, $0xC0;
	v11 =	vmul.u32 $0xC0, v11;
	v13 =	vadd.s32 s28, v13;
	v17 =	vld [tilespmem:$0x4B0]  }
0x1f8: {  	vm6 =	vlt.u32 v4, $0xC0;
	v4 =	vmul.u32 $0xC0, v4;
	v19 =	vmul.u32 $0xC0, v12;
	v18 =	vld [tilespmem:$0x290]  }
0x1f9: {  	vm7 =	vlt.u32 v9, $0xC0;
	v11 =	vadd.s32 v11, v14;
	v15 =	vadd.s32 s28, v15;
	v9 =	vld [tilespmem:$0x2E0]  }
0x1fa: {  	vm9 =	vlt.u32 v12, $0xC0;
	vm8 =	vlt.u32 v13, $0xC0;
	v11 =	vadd.s32 v13, v11;
	v12 =	vld [tilespmem:$0x2F0]  }
0x1fb: {  	vm4 =	vmand vm9, vm4;
	v4 =	vadd.s32 v4, v6;
	v6 =	vadd.s32 v16, v7;
	v7 =	vld [tilespmem:$0x3E0]  }
0x1fc: {  	vm5 =	vmand vm5, vm8;
	vm9 =	vlt.u32 v15, $0xC0;
	v4 =	vadd.s32 v15, v4;
	v13 =	vld [tilespmem:$0x3F0]  }
0x1fd: {  	vm3 =	vmand vm7, vm3;
	v14 =	vadd.s32 v19, v17;
	v6 =	vadd.s32 v10, v6;
	v10 =	vld [tilespmem:$0x4E0]  }
0x1fe: {  	v5 =	vnsel vm2, $0x12000, v5;
	vm6 =	vmand vm6, vm9;
	v8 =	vadd.s32 v8, v14;
	v14 =	vld [tilespmem:$0x4F0]  }
0x1ff: {  	v11 =	vnsel vm5, $0x12000, v11;
	v8 =	vnsel vm4, $0x12000, v8;
	v15 =	vld [tilespmem:$0x490];
	[tilespmem:$0x5D0] =	vst v5;
	v5 =	vadd.s32 s29, v12  }
0x200: {  	v4 =	vnsel vm6, $0x12000, v4;
	[tilespmem:$0x5B0] =	vst v8;
	v8 =	vadd.s32 s29, v9;
	v7 =	vadd.s32 s28, v7  }
0x201: {  	v6 =	vnsel vm3, $0x12000, v6;
	[tilespmem:$0x5A0] =	vst v11;
	v9 =	vmul.u32 $0xC0, v8;
	v11 =	vadd.s32 s28, v13  }
0x202: {  	vm3 =	vlt.u32 v5, $0xC0;
	vm2 =	vlt.u32 v8, $0xC0;
	[tilespmem:$0x580] =	vst v4;
	v4 =	vmul.u32 $0xC0, v5  }
0x203: {  	vm4 =	vlt.u32 v7, $0xC0;
	v5 =	vadd.s32 s29, v18;
	vm5 =	vlt.u32 v11, $0xC0;
	[tilespmem:$0x5C0] =	vst v6  }
0x204: {  	v6 =	vmul.u32 $0xC0, v5;
	v8 =	vadd.s32 v9, v10;
	v4 =	vadd.s32 v4, v14  }
0x205: {  	vm3 =	vmand vm3, vm5;
	v7 =	vadd.s32 v7, v8;
	v4 =	vadd.s32 v11, v4  }
0x206: {  	vm2 =	vmand vm2, vm4;
	v6 =	vadd.s32 v6, v15;
	v4 =	vnsel vm3, $0x12000, v4  }
0x207: {  	vm3 =	vlt.u32 v5, $0xC0;
	v3 =	vadd.s32 v3, v6;
	v5 =	vnsel vm2, $0x12000, v7;
	[tilespmem:$0x5F0] =	vst v4  }
0x208: {  	vm1 =	vmand vm3, vm1;
	[tilespmem:$0x5E0] =	vst v5  }
0x209: {  	v3 =	vnsel vm1, $0x12000, v3  }
0x20a: {  	[tilespmem:$0x590] =	vst v3  }
0x20b: {  	[tilespmem:s31], [sflag:$0x1] =	stream.indirect.gather [hbm4b:s5+s25], $0x80, s8, s25, $0xb8;
	[tilespmem:$0x10600] =	vst v63  }
0x20c: {  	_ =	swait.ge [sflag:s10], $0x4000  }
0x20d: {  	[sflag:s10] =	ssyncset.done $0x0  }
0x20e: {  	[sflag:s10] =	ssyncadd.s32 $0xFFFFC000  }
0x20f: {  	_ =	swait.ge [sflag:s10], $0x4000  }
0x210: {  	[sflag:s10] =	ssyncset.done $0x0  }
0x211: {  	[sflag:s10] =	ssyncadd.s32 $0xFFFFC000  }
0x212: {  	[hbm4b:s24+s3] =	stream.linear.scatter [tilespmem:s9], [sflag:$0x2], $0x8000, $0x38;
	[tilespmem:$0x10600] =	vst v63  }
0x213: {  	s24 =	smov.u32 s22  }
0x214: {  	v3 =	vld [tilespmem:$0x240]  }
0x215: {  	v4 =	vld [tilespmem:$0x270]  }
0x216: {  	v5 =	vld [tilespmem:$0x210]  }
0x217: {  	v6 =	vld [tilespmem:$0x370]  }
0x218: {  	v7 =	vld [tilespmem:$0x360]  }
0x219: {  	v8 =	vld [tilespmem:$0x320]  }
0x21a: {  	s28 =	smul.u32 $0xCD, s14;
	v9 =	vld [tilespmem:$0x310]  }
0x21b: {  	v10 =	vld [tilespmem:$0x350]  }
0x21c: {  	s28 =	sshrl.u32 s28, $0xA;
	v11 =	vld [tilespmem:$0x340]  }
0x21d: {  	s28 =	sand.u32 $0x3F, s28;
	v12 =	vld [tilespmem:$0x300]  }
0x21e: {  	s29 =	smul.u32 $0x5, s28;
	s28 =	sadd.s32 $0xFFFFFFFE, s28;
	v13 =	vld [tilespmem:$0x200]  }
0x21f: {  	v8 =	vadd.s32 s28, v8;
	v9 =	vadd.s32 s28, v9;
	v14 =	vld [tilespmem:$0x230]  }
0x220: {  	s14 =	ssub.s32 s14, s29;
	v7 =	vadd.s32 s28, v7;
	vm4 =	vlt.u32 v9, $0xC0;
	v10 =	vadd.s32 s28, v10;
	v15 =	vld [tilespmem:$0x260]  }
0x221: {  	s14 =	sand.u32 $0xFF, s14;
	vm3 =	vlt.u32 v7, $0xC0;
	vm5 =	vlt.u32 v8, $0xC0;
	v16 =	vld [tilespmem:$0x400];
	v11 =	vadd.s32 s28, v11  }
0x222: {  	s29 =	sadd.s32 $0xFFFFFFFE, s14;
	v6 =	vadd.s32 s28, v6;
	vm1 =	vlt.u32 v10, $0xC0;
	v12 =	vadd.s32 s28, v12;
	v17 =	vld [tilespmem:$0x430]  }
0x223: {  	v5 =	vadd.s32 s29, v5;
	vm2 =	vlt.u32 v6, $0xC0;
	v13 =	vadd.s32 s29, v13;
	v18 =	vld [tilespmem:$0x330]  }
0x224: {  	vm6 =	vlt.u32 v12, $0xC0;
	v19 =	vmul.u32 $0xC0, v13;
	v14 =	vadd.s32 s29, v14;
	v20 =	vld [tilespmem:$0x250]  }
0x225: {  	v4 =	vadd.s32 s29, v4;
	v21 =	vld [tilespmem:$0x220];
	v22 =	vmul.u32 $0xC0, v14;
	v15 =	vadd.s32 s29, v15  }
0x226: {  	v3 =	vadd.s32 s29, v3;
	vm8 =	vlt.u32 v5, $0xC0;
	v16 =	vadd.s32 v19, v16  }
0x227: {  	vm7 =	vlt.u32 v13, $0xC0;
	v12 =	vadd.s32 v12, v16;
	v13 =	vadd.s32 v22, v17;
	v16 =	vld [tilespmem:$0x450]  }
0x228: {  	vm7 =	vmand vm7, vm6;
	vm6 =	vlt.u32 v14, $0xC0;
	v17 =	vadd.s32 s28, v18;
	v14 =	vld [tilespmem:$0x440]  }
0x229: {  	vm9 =	vlt.u32 v17, $0xC0;
	v13 =	vadd.s32 v17, v13;
	v17 =	vadd.s32 s29, v20  }
0x22a: {  	v18 =	vadd.s32 s29, v21;
	vm6 =	vmand vm6, vm9;
	v19 =	vmul.u32 $0xC0, v17;
	v20 =	vld [tilespmem:$0x470]  }
0x22b: {  	v22 =	vmul.u32 $0xC0, v4;
	v21 =	vmul.u32 $0xC0, v3;
	vm9 =	vlt.u32 v18, $0xC0  }
0x22c: {  	vm4 =	vmand vm8, vm4;
	vm5 =	vmand vm9, vm5;
	v16 =	vadd.s32 v19, v16;
	v19 =	vld [tilespmem:$0x460]  }
0x22d: {  	vm8 =	vlt.u32 v3, $0xC0;
	vm9 =	vlt.u32 v15, $0xC0;
	v23 =	vld [tilespmem:$0x420];
	v3 =	vadd.s32 v21, v14  }
0x22e: {  	v15 =	vmul.u32 $0xC0, v15;
	vm3 =	vmand vm9, vm3;
	v14 =	vld [tilespmem:$0x410];
	v3 =	vadd.s32 v11, v3  }
0x22f: {  	vm10 =	vlt.u32 v4, $0xC0;
	vm9 =	vlt.u32 v17, $0xC0;
	v4 =	vadd.s32 v22, v20  }
0x230: {  	v17 =	vmul.u32 $0xC0, v18;
	vm1 =	vmand vm9, vm1;
	v4 =	vadd.s32 v6, v4  }
0x231: {  	v5 =	vmul.u32 $0xC0, v5;
	vm2 =	vmand vm10, vm2;
	v6 =	vadd.s32 v15, v19  }
0x232: {  	v12 =	vnsel vm7, $0x12000, v12;
	vm7 =	vlt.u32 v11, $0xC0;
	v15 =	vadd.s32 v17, v23  }
0x233: {  	vm7 =	vmand vm8, vm7;
	[tilespmem:$0x500] =	vst v12;
	v5 =	vadd.s32 v5, v14;
	v8 =	vadd.s32 v8, v15  }
0x234: {  	v3 =	vnsel vm7, $0x12000, v3;
	v5 =	vadd.s32 v9, v5;
	v8 =	vnsel vm5, $0x12000, v8  }
0x235: {  	v9 =	vnsel vm6, $0x12000, v13;
	v5 =	vnsel vm4, $0x12000, v5;
	[tilespmem:$0x540] =	vst v3;
	v3 =	vadd.s32 v10, v16  }
0x236: {  	v4 =	vnsel vm2, $0x12000, v4;
	v6 =	vadd.s32 v7, v6;
	[tilespmem:$0x530] =	vst v9;
	v3 =	vnsel vm1, $0x12000, v3  }
0x237: {  	v6 =	vnsel vm3, $0x12000, v6;
	[tilespmem:$0x570] =	vst v4  }
0x238: {  	[tilespmem:$0x550] =	vst v3  }
0x239: {  	[tilespmem:$0x520] =	vst v8  }
0x23a: {  	[tilespmem:$0x560] =	vst v6  }
0x23b: {  	[tilespmem:$0x510] =	vst v5  }
.Ltmp3:
0x23c: {  	_ =	swait.ge [sflag:s0], $0x8000;
	(pc) =	sbr.rel @!p1 .LBB2_3-.Ltmp3, $4  }
0x23d: {  	[sflag:s0] =	ssyncset.done $0x0  }
0x23e: {  	[sflag:s0] =	ssyncadd.s32 $0xFFFF8000  }
0x23f: {  	[tilespmem:s9], [sflag:$0x1] =	stream.indirect.gather [hbm4b:s5+s25], $0x80, s26, s25, $0xb8;
	[tilespmem:$0x10600] =	vst v63  }
0x240: {  	v3 =	vld [tilespmem:$0x390]  }
0x241: {  	v4 =	vld [tilespmem:$0x280]  }
0x242: {  	v5 =	vld [tilespmem:$0x3D0]  }
0x243: {  	v7 =	vld [tilespmem:$0x2D0]  }
0x244: {  	v8 =	vld [tilespmem:$0x3B0]  }
0x245: {  	v9 =	vld [tilespmem:$0x2C0]  }
0x246: {  	v10 =	vld [tilespmem:$0x3C0]  }
0x247: {  	v11 =	vld [tilespmem:$0x2A0]  }
0x248: {  	v12 =	vld [tilespmem:$0x2B0]  }
0x249: {  	v13 =	vld [tilespmem:$0x3A0]  }
0x24a: {  	v14 =	vld [tilespmem:$0x380]  }
0x24b: {  	v53 =	vld [tilespmem:$0x290]  }
0x24c: {  	v3 =	vadd.s32 s28, v3;
	v5 =	vadd.s32 s28, v5;
	v7 =	vadd.s32 s29, v7  }
0x24d: {  	v6 =	vld [tilespmem:$0x4D0];
	v8 =	vadd.s32 s28, v8;
	vm1 =	vlt.u32 v3, $0xC0;
	v10 =	vadd.s32 s28, v10  }
0x24e: {  	v15 =	vld [tilespmem:$0x4A0];
	v9 =	vadd.s32 s29, v9;
	v4 =	vadd.s32 s29, v4;
	v11 =	vadd.s32 s29, v11  }
0x24f: {  	v47 =	vld [tilespmem:$0x2E0];
	v12 =	vadd.s32 s29, v12;
	v13 =	vadd.s32 s28, v13;
	v14 =	vadd.s32 s28, v14  }
0x250: {  	v48 =	vld [tilespmem:$0x2F0];
	v59 =	vadd.s32 s29, v53;
	vm2 =	vlt.u32 v5, $0xC0;
	vm3 =	vlt.u32 v7, $0xC0  }
0x251: {  	v46 =	vld [tilespmem:$0x480];
	v7 =	vmul.u32 $0xC0, v7;
	vm4 =	vlt.u32 v8, $0xC0;
	v45 =	vmul.u32 $0xC0, v9  }
0x252: {  	v16 =	vld [tilespmem:$0x4C0];
	vm5 =	vlt.u32 v11, $0xC0;
	v11 =	vmul.u32 $0xC0, v11;
	vm6 =	vlt.u32 v4, $0xC0  }
0x253: {  	v17 =	vld [tilespmem:$0x4B0];
	v4 =	vmul.u32 $0xC0, v4;
	v18 =	vmul.u32 $0xC0, v12;
	vm7 =	vlt.u32 v9, $0xC0  }
0x254: {  	v50 =	vld [tilespmem:$0x3E0];
	vm8 =	vlt.u32 v13, $0xC0;
	vm9 =	vlt.u32 v12, $0xC0;
	vm13 =	vlt.u32 v14, $0xC0  }
0x255: {  	v56 =	vld [tilespmem:$0x490];
	v12 =	vadd.s32 s29, v48;
	v9 =	vadd.s32 s29, v47;
	v60 =	vmul.u32 $0xC0, v59  }
0x256: {  	vm2 =	vmand vm3, vm2;
	vm3 =	vlt.u32 v10, $0xC0;
	vm4 =	vmand vm9, vm4  }
0x257: {  	v51 =	vld [tilespmem:$0x3F0];
	vm5 =	vmand vm5, vm8;
	vm6 =	vmand vm6, vm13;
	v57 =	vmul.u32 $0xC0, v9  }
0x258: {  	v54 =	vld [tilespmem:$0x4E0];
	v58 =	vmul.u32 $0xC0, v12;
	v6 =	vadd.s32 v7, v6;
	v11 =	vadd.s32 v11, v15  }
0x259: {  	v4 =	vadd.s32 v4, v46;
	v49 =	vadd.s32 v45, v16;
	v52 =	vadd.s32 v18, v17  }
0x25a: {  	vm3 =	vmand vm7, vm3;
	v7 =	vadd.s32 s28, v50;
	v62 =	vadd.s32 v60, v56  }
0x25b: {  	v55 =	vld [tilespmem:$0x4F0];
	v5 =	vadd.s32 v5, v6;
	v11 =	vadd.s32 v13, v11;
	v4 =	vadd.s32 v14, v4  }
0x25c: {  	v6 =	vadd.s32 v10, v49;
	v8 =	vadd.s32 v8, v52;
	v13 =	vadd.s32 s28, v51  }
0x25d: {  	vm14 =	vlt.u32 v7, $0xC0;
	v10 =	vadd.s32 v57, v54;
	v5 =	vnsel vm2, $0x12000, v5  }
0x25e: {  	v11 =	vnsel vm5, $0x12000, v11;
	v8 =	vnsel vm4, $0x12000, v8;
	v4 =	vnsel vm6, $0x12000, v4;
	[tilespmem:$0x5D0] =	vst v5  }
0x25f: {  	v6 =	vnsel vm3, $0x12000, v6;
	vm2 =	vlt.u32 v9, $0xC0;
	vm3 =	vlt.u32 v12, $0xC0;
	[tilespmem:$0x5B0] =	vst v8  }
0x260: {  	vm15 =	vlt.u32 v13, $0xC0;
	v7 =	vadd.s32 v7, v10;
	[tilespmem:$0x5A0] =	vst v11;
	v5 =	vadd.s32 v58, v55  }
0x261: {  	[tilespmem:$0x580] =	vst v4;
	vm3 =	vmand vm3, vm15;
	vm2 =	vmand vm2, vm14;
	v61 =	vadd.s32 v13, v5  }
0x262: {  	[tilespmem:$0x5C0] =	vst v6;
	v63 =	vnsel vm2, $0x12000, v7;
	v4 =	vnsel vm3, $0x12000, v61;
	vm3 =	vlt.u32 v59, $0xC0  }
0x263: {  	v3 =	vadd.s32 v3, v62;
	[tilespmem:$0x5E0] =	vst v63;
	vm1 =	vmand vm3, vm1  }
0x264: {  	[tilespmem:$0x5F0] =	vst v4;
	v3 =	vnsel vm1, $0x12000, v3  }
0x265: {  	[tilespmem:$0x590] =	vst v3  }
0x266: {  	[tilespmem:s31], [sflag:$0x1] =	stream.indirect.gather [hbm4b:s5+s25], $0x80, s8, s25, $0xb8;
	[tilespmem:$0x10600] =	vst v63  }
0x267: {  	_ =	swait.ge [sflag:s10], $0x4000  }
0x268: {  	[sflag:s10] =	ssyncset.done $0x0  }
.Ltmp4:
0x269: {  	[sflag:s10] =	ssyncadd.s32 $0xFFFFC000;
	(pc) =	sbr.rel .LBB2_8-.Ltmp4, $4  }
0x26a: {  	_ =	swait.ge [sflag:s10], $0x4000  }
0x26b: {  	[sflag:s10] =	ssyncset.done $0x0  }
0x26c: {  	s1 =	rddreg [dreg:$0x19];
	[sflag:s10] =	ssyncadd.s32 $0xFFFFC000  }
0x26d: {  	[hbm4b:s24+s3] =	stream.linear.scatter [tilespmem:s9], [sflag:$0x2], $0x8000, $0x38;
	[tilespmem:$0x10600] =	vst v63  }
.LBB2_5:
0x26e: {  	s12 =	rddreg [dreg:$0xd];
	s14 =	simm.s32 $0x100  }
0x26f: {  	[tilespmem:s14], [sflag:$0x3] =	stream.linear.gather [hbm4b:s12+s3], $0x100, $0x38;
	[tilespmem:$0x10600] =	vst v63  }
0x270: {  	_ =	swait.ge [sflag:s13], $0x100  }
0x271: {  	[sflag:s13] =	ssyncset.done $0x0  }
0x272: {  	[sflag:s13] =	ssyncadd.s32 $0xFFFFFF00  }
0x273: {  	v3 =	vld [tilespmem:$0x0]  }
0x274: {  	v4 =	vld [tilespmem:$0x100]  }
0x275: {  	v5 =	vld [tilespmem:$0x10]  }
0x276: {  	v6 =	vld [tilespmem:$0x110]  }
0x277: {  	v7 =	vld [tilespmem:$0x20]  }
0x278: {  	v8 =	vld [tilespmem:$0x120]  }
0x279: {  	v9 =	vld [tilespmem:$0x30]  }
0x27a: {  	v10 =	vld [tilespmem:$0x130]  }
0x27b: {  	v11 =	vld [tilespmem:$0x40]  }
0x27c: {  	v12 =	vld [tilespmem:$0x140]  }
0x27d: {  	v13 =	vld [tilespmem:$0x50]  }
0x27e: {  	v14 =	vld [tilespmem:$0x150];
	v3 =	vmul.u32 $0x900, v3  }
0x27f: {  	v15 =	vld [tilespmem:$0x60];
	v5 =	vmul.u32 $0x900, v5  }
0x280: {  	v24 =	vld [tilespmem:$0x70];
	v3 =	vadd.s32 v4, v3;
	v4 =	vmul.u32 $0x900, v7  }
0x281: {  	v25 =	vld [tilespmem:$0x160];
	[tilespmem:$0x500] =	vst v3;
	v3 =	vadd.s32 v6, v5;
	v5 =	vmul.u32 $0x900, v9  }
0x282: {  	v26 =	vld [tilespmem:$0x170];
	[tilespmem:$0x510] =	vst v3;
	v3 =	vadd.s32 v8, v4;
	v4 =	vmul.u32 $0x900, v11  }
0x283: {  	[tilespmem:$0x520] =	vst v3;
	v3 =	vadd.s32 v10, v5;
	v5 =	vmul.u32 $0x900, v13  }
0x284: {  	[tilespmem:$0x530] =	vst v3;
	v3 =	vadd.s32 v12, v4;
	v4 =	vmul.u32 $0x900, v15  }
0x285: {  	[tilespmem:$0x540] =	vst v3;
	v3 =	vadd.s32 v14, v5;
	v5 =	vmul.u32 $0x900, v24  }
0x286: {  	[tilespmem:$0x550] =	vst v3;
	v3 =	vadd.s32 v25, v4  }
0x287: {  	[tilespmem:$0x560] =	vst v3;
	v3 =	vadd.s32 v26, v5  }
0x288: {  	s23 =	simm.s32 $0x200;
	s12 =	rddreg [dreg:$0xb];
	[tilespmem:$0x570] =	vst v3  }
0x289: {  	[tilespmem:s23], [sflag:$0x1] =	stream.indirect.gather [hbm4b:s12+s25], $0x1, s26, s25, $0xb8;
	[tilespmem:$0x10600] =	vst v63  }
0x28a: {  	s22 =	simm.s32 $0x300;
	s14 =	rddreg [dreg:$0xc]  }
0x28b: {  	[tilespmem:s22], [sflag:$0x1] =	stream.indirect.gather [hbm4b:s14+s25], $0x1, s26, s25, $0xb8;
	[tilespmem:$0x10600] =	vst v63  }
0x28c: {  	v3 =	vld [tilespmem:$0x500];
	_ =	sdelay $0x4  }
0x28d: {  	v4 =	vshll.u32 v3, $0x1  }
0x28e: {  	v3 =	vand.u32 $0x7, v3;
	v4 =	vand.u32 $0xFFFFFFF0, v4  }
0x28f: {  	v3 =	vor.u32 v3, v4  }
0x290: {  	v4 =	vperm.xlane v3, v0;
	_ =	sdelay $0x1  }
0x291: {  	v3 =	vperm.xlane v3, v2;
	v4 =	vadd.s32 v1, v4;
	_ =	sdelay $0x1  }
0x292: {  	v3 =	vadd.s32 v1, v3;
	_ =	sdelay $0x1  }
0x293: {  	s2 =	rddreg [dreg:$0x5];
	s23 =	simm.s32 $0x8600  }
0x294: {  	[tilespmem:s23], [sflag:$0x1] =	stream.indirect_vreg.gather [hbm4b:s2+s3], $0x80, v4, vm0, $0xb8;
	[tilespmem:$0x10600] =	vst v63  }
0x295: {  	s28 =	simm.s32 $0x8E00  }
0x296: {  	[tilespmem:s28], [sflag:$0x1] =	stream.indirect_vreg.gather [hbm4b:s2+s3], $0x80, v3, vm0, $0xb8;
	[tilespmem:$0x10600] =	vst v63  }
0x297: {  	v3 =	vld [tilespmem:$0x510];
	_ =	sdelay $0x4  }
0x298: {  	v4 =	vshll.u32 v3, $0x1  }
0x299: {  	v3 =	vand.u32 $0x7, v3;
	v4 =	vand.u32 $0xFFFFFFF0, v4  }
0x29a: {  	v3 =	vor.u32 v3, v4  }
0x29b: {  	v4 =	vperm.xlane v3, v0;
	_ =	sdelay $0x1  }
0x29c: {  	v3 =	vperm.xlane v3, v2;
	v4 =	vadd.s32 v1, v4;
	_ =	sdelay $0x1  }
0x29d: {  	v3 =	vadd.s32 v1, v3;
	_ =	sdelay $0x1  }
0x29e: {  	s29 =	simm.s32 $0x9600  }
0x29f: {  	[tilespmem:s29], [sflag:$0x1] =	stream.indirect_vreg.gather [hbm4b:s2+s3], $0x80, v4, vm0, $0xb8;
	[tilespmem:$0x10600] =	vst v63  }
0x2a0: {  	s11 =	simm.s32 $0x9E00  }
0x2a1: {  	[tilespmem:s11], [sflag:$0x1] =	stream.indirect_vreg.gather [hbm4b:s2+s3], $0x80, v3, vm0, $0xb8;
	[tilespmem:$0x10600] =	vst v63  }
0x2a2: {  	v3 =	vld [tilespmem:$0x520];
	_ =	sdelay $0x4  }
0x2a3: {  	v4 =	vshll.u32 v3, $0x1  }
0x2a4: {  	v3 =	vand.u32 $0x7, v3;
	v4 =	vand.u32 $0xFFFFFFF0, v4  }
0x2a5: {  	v3 =	vor.u32 v3, v4  }
0x2a6: {  	v4 =	vperm.xlane v3, v0;
	_ =	sdelay $0x1  }
0x2a7: {  	v3 =	vperm.xlane v3, v2;
	v4 =	vadd.s32 v1, v4;
	_ =	sdelay $0x1  }
0x2a8: {  	v3 =	vadd.s32 v1, v3;
	_ =	sdelay $0x1  }
0x2a9: {  	s15 =	simm.s32 $0xA600  }
0x2aa: {  	[tilespmem:s15], [sflag:$0x1] =	stream.indirect_vreg.gather [hbm4b:s2+s3], $0x80, v4, vm0, $0xb8;
	[tilespmem:$0x10600] =	vst v63  }
0x2ab: {  	s16 =	simm.s32 $0xAE00  }
0x2ac: {  	[tilespmem:s16], [sflag:$0x1] =	stream.indirect_vreg.gather [hbm4b:s2+s3], $0x80, v3, vm0, $0xb8;
	[tilespmem:$0x10600] =	vst v63  }
0x2ad: {  	v3 =	vld [tilespmem:$0x530];
	_ =	sdelay $0x4  }
0x2ae: {  	v4 =	vshll.u32 v3, $0x1  }
0x2af: {  	v3 =	vand.u32 $0x7, v3;
	v4 =	vand.u32 $0xFFFFFFF0, v4  }
0x2b0: {  	v3 =	vor.u32 v3, v4  }
0x2b1: {  	v4 =	vperm.xlane v3, v0;
	_ =	sdelay $0x1  }
0x2b2: {  	v3 =	vperm.xlane v3, v2;
	v4 =	vadd.s32 v1, v4;
	_ =	sdelay $0x1  }
0x2b3: {  	v3 =	vadd.s32 v1, v3;
	_ =	sdelay $0x1  }
0x2b4: {  	s17 =	simm.s32 $0xB600  }
0x2b5: {  	[tilespmem:s17], [sflag:$0x1] =	stream.indirect_vreg.gather [hbm4b:s2+s3], $0x80, v4, vm0, $0xb8;
	[tilespmem:$0x10600] =	vst v63  }
0x2b6: {  	s18 =	simm.s32 $0xBE00  }
0x2b7: {  	[tilespmem:s18], [sflag:$0x1] =	stream.indirect_vreg.gather [hbm4b:s2+s3], $0x80, v3, vm0, $0xb8;
	[tilespmem:$0x10600] =	vst v63  }
0x2b8: {  	v3 =	vld [tilespmem:$0x540];
	_ =	sdelay $0x4  }
0x2b9: {  	v4 =	vshll.u32 v3, $0x1  }
0x2ba: {  	v3 =	vand.u32 $0x7, v3;
	v4 =	vand.u32 $0xFFFFFFF0, v4  }
0x2bb: {  	v3 =	vor.u32 v3, v4  }
0x2bc: {  	v4 =	vperm.xlane v3, v0;
	_ =	sdelay $0x1  }
0x2bd: {  	v3 =	vperm.xlane v3, v2;
	v4 =	vadd.s32 v1, v4;
	_ =	sdelay $0x1  }
0x2be: {  	v3 =	vadd.s32 v1, v3;
	_ =	sdelay $0x1  }
0x2bf: {  	s19 =	simm.s32 $0xC600  }
0x2c0: {  	[tilespmem:s19], [sflag:$0x1] =	stream.indirect_vreg.gather [hbm4b:s2+s3], $0x80, v4, vm0, $0xb8;
	[tilespmem:$0x10600] =	vst v63  }
0x2c1: {  	s7 =	simm.s32 $0xCE00  }
0x2c2: {  	[tilespmem:s7], [sflag:$0x1] =	stream.indirect_vreg.gather [hbm4b:s2+s3], $0x80, v3, vm0, $0xb8;
	[tilespmem:$0x10600] =	vst v63  }
0x2c3: {  	v3 =	vld [tilespmem:$0x550];
	_ =	sdelay $0x4  }
0x2c4: {  	v4 =	vshll.u32 v3, $0x1  }
0x2c5: {  	v3 =	vand.u32 $0x7, v3;
	v4 =	vand.u32 $0xFFFFFFF0, v4  }
0x2c6: {  	v3 =	vor.u32 v3, v4  }
0x2c7: {  	v4 =	vperm.xlane v3, v0;
	_ =	sdelay $0x1  }
0x2c8: {  	v3 =	vperm.xlane v3, v2;
	v4 =	vadd.s32 v1, v4;
	_ =	sdelay $0x1  }
0x2c9: {  	v3 =	vadd.s32 v1, v3;
	_ =	sdelay $0x1  }
0x2ca: {  	s20 =	simm.s32 $0xD600  }
0x2cb: {  	[tilespmem:s20], [sflag:$0x1] =	stream.indirect_vreg.gather [hbm4b:s2+s3], $0x80, v4, vm0, $0xb8;
	[tilespmem:$0x10600] =	vst v63  }
0x2cc: {  	s21 =	simm.s32 $0xDE00  }
0x2cd: {  	[tilespmem:s21], [sflag:$0x1] =	stream.indirect_vreg.gather [hbm4b:s2+s3], $0x80, v3, vm0, $0xb8;
	[tilespmem:$0x10600] =	vst v63  }
0x2ce: {  	v3 =	vld [tilespmem:$0x560];
	_ =	sdelay $0x4  }
0x2cf: {  	v4 =	vshll.u32 v3, $0x1  }
0x2d0: {  	v3 =	vand.u32 $0x7, v3;
	v4 =	vand.u32 $0xFFFFFFF0, v4  }
0x2d1: {  	v3 =	vor.u32 v3, v4  }
0x2d2: {  	v4 =	vperm.xlane v3, v0;
	_ =	sdelay $0x1  }
0x2d3: {  	v3 =	vperm.xlane v3, v2;
	v4 =	vadd.s32 v1, v4;
	_ =	sdelay $0x1  }
0x2d4: {  	v3 =	vadd.s32 v1, v3;
	_ =	sdelay $0x1  }
0x2d5: {  	s13 =	simm.s32 $0xE600  }
0x2d6: {  	[tilespmem:s13], [sflag:$0x1] =	stream.indirect_vreg.gather [hbm4b:s2+s3], $0x80, v4, vm0, $0xb8;
	[tilespmem:$0x10600] =	vst v63  }
0x2d7: {  	s30 =	simm.s32 $0xEE00  }
0x2d8: {  	[tilespmem:s30], [sflag:$0x1] =	stream.indirect_vreg.gather [hbm4b:s2+s3], $0x80, v3, vm0, $0xb8;
	[tilespmem:$0x10600] =	vst v63  }
0x2d9: {  	v3 =	vld [tilespmem:$0x570];
	_ =	sdelay $0x4  }
0x2da: {  	v4 =	vshll.u32 v3, $0x1  }
0x2db: {  	v3 =	vand.u32 $0x7, v3;
	v4 =	vand.u32 $0xFFFFFFF0, v4  }
0x2dc: {  	v3 =	vor.u32 v3, v4  }
0x2dd: {  	v4 =	vperm.xlane v3, v0;
	_ =	sdelay $0x1  }
0x2de: {  	v3 =	vperm.xlane v3, v2;
	v4 =	vadd.s32 v1, v4;
	_ =	sdelay $0x1  }
0x2df: {  	v3 =	vadd.s32 v1, v3;
	_ =	sdelay $0x1  }
0x2e0: {  	s1 =	simm.s32 $0xF600  }
0x2e1: {  	[tilespmem:s1], [sflag:$0x1] =	stream.indirect_vreg.gather [hbm4b:s2+s3], $0x80, v4, vm0, $0xb8;
	[tilespmem:$0x10600] =	vst v63  }
0x2e2: {  	s24 =	simm.s32 $0xFE00  }
0x2e3: {  	[tilespmem:s24], [sflag:$0x1] =	stream.indirect_vreg.gather [hbm4b:s2+s3], $0x80, v3, vm0, $0xb8;
	[tilespmem:$0x10600] =	vst v63  }
0x2e4: {  	s24 =	simm.s32 $0x1  }
0x2e5: {  	_ =	swait.ge [sflag:s24], $0x80  }
0x2e6: {  	[sflag:s24] =	ssyncset.done $0x0  }
0x2e7: {  	[sflag:s24] =	ssyncadd.s32 $0xFFFFFF80  }
0x2e8: {  	_ =	swait.ge [sflag:s24], $0x80  }
0x2e9: {  	[sflag:s24] =	ssyncset.done $0x0  }
0x2ea: {  	[sflag:s24] =	ssyncadd.s32 $0xFFFFFF80  }
0x2eb: {  	_ =	swait.ge [sflag:s24], $0x8000  }
0x2ec: {  	[sflag:s24] =	ssyncset.done $0x0  }
0x2ed: {  	s4 =	simm.s32 $0x3;
	s22 =	rddreg [dreg:$0xe];
	[sflag:s24] =	ssyncadd.s32 $0xFFFF8000  }
0x2ee: {  	[hbm4b:s22+s3] =	stream.linear.scatter [tilespmem:s23], [sflag:$0x3], $0x8000, $0x38;
	[tilespmem:$0x10600] =	vst v63  }
0x2ef: {  	_ =	swait.ge [sflag:s4], $0x8000  }
0x2f0: {  	[sflag:s4] =	ssyncset.done $0x0  }
0x2f1: {  	[sflag:s4] =	ssyncadd.s32 $0xFFFF8000  }
0x2f2: {  	v3 =	vld [tilespmem:$0x80]  }
0x2f3: {  	v4 =	vld [tilespmem:$0x180]  }
0x2f4: {  	v5 =	vld [tilespmem:$0x90]  }
0x2f5: {  	v27 =	vld [tilespmem:$0x190]  }
0x2f6: {  	v28 =	vld [tilespmem:$0xA0]  }
0x2f7: {  	v29 =	vld [tilespmem:$0x1A0]  }
0x2f8: {  	v30 =	vld [tilespmem:$0xB0]  }
0x2f9: {  	v31 =	vld [tilespmem:$0x1B0]  }
0x2fa: {  	v32 =	vld [tilespmem:$0xC0]  }
0x2fb: {  	v33 =	vld [tilespmem:$0x1C0]  }
0x2fc: {  	v34 =	vld [tilespmem:$0xD0]  }
0x2fd: {  	v35 =	vld [tilespmem:$0x1D0];
	v3 =	vmul.u32 $0x900, v3  }
0x2fe: {  	v36 =	vld [tilespmem:$0xE0];
	v5 =	vmul.u32 $0x900, v5  }
0x2ff: {  	v37 =	vld [tilespmem:$0xF0];
	v3 =	vadd.s32 v4, v3;
	v4 =	vmul.u32 $0x900, v28  }
0x300: {  	v38 =	vld [tilespmem:$0x1E0];
	[tilespmem:$0x580] =	vst v3;
	v3 =	vadd.s32 v27, v5;
	v5 =	vmul.u32 $0x900, v30  }
0x301: {  	v39 =	vld [tilespmem:$0x1F0];
	[tilespmem:$0x590] =	vst v3;
	v3 =	vadd.s32 v29, v4;
	v4 =	vmul.u32 $0x900, v32  }
0x302: {  	[tilespmem:$0x5A0] =	vst v3;
	v3 =	vadd.s32 v31, v5;
	v5 =	vmul.u32 $0x900, v34  }
0x303: {  	[tilespmem:$0x5B0] =	vst v3;
	v3 =	vadd.s32 v33, v4;
	v4 =	vmul.u32 $0x900, v36  }
0x304: {  	[tilespmem:$0x5C0] =	vst v3;
	v3 =	vadd.s32 v35, v5;
	v5 =	vmul.u32 $0x900, v37  }
0x305: {  	[tilespmem:$0x5D0] =	vst v3;
	v3 =	vadd.s32 v38, v4  }
0x306: {  	[tilespmem:$0x5E0] =	vst v3;
	v3 =	vadd.s32 v39, v5  }
0x307: {  	s22 =	simm.s32 $0x280;
	[tilespmem:$0x5F0] =	vst v3  }
0x308: {  	[tilespmem:s22], [sflag:$0x1] =	stream.indirect.gather [hbm4b:s12+s25], $0x1, s8, s25, $0xb8;
	[tilespmem:$0x10600] =	vst v63  }
0x309: {  	s12 =	simm.s32 $0x380  }
0x30a: {  	[tilespmem:s12], [sflag:$0x1] =	stream.indirect.gather [hbm4b:s14+s25], $0x1, s8, s25, $0xb8;
	[tilespmem:$0x10600] =	vst v63  }
0x30b: {  	v3 =	vld [tilespmem:$0x580];
	_ =	sdelay $0x4  }
0x30c: {  	v4 =	vshll.u32 v3, $0x1  }
0x30d: {  	v3 =	vand.u32 $0x7, v3;
	v4 =	vand.u32 $0xFFFFFFF0, v4  }
0x30e: {  	v3 =	vor.u32 v3, v4  }
0x30f: {  	v4 =	vperm.xlane v3, v0;
	_ =	sdelay $0x1  }
0x310: {  	v3 =	vperm.xlane v3, v2;
	v4 =	vadd.s32 v1, v4;
	_ =	sdelay $0x1  }
0x311: {  	v3 =	vadd.s32 v1, v3;
	_ =	sdelay $0x2  }
0x312: {  	[tilespmem:s23], [sflag:$0x1] =	stream.indirect_vreg.gather [hbm4b:s2+s3], $0x80, v4, vm0, $0xb8;
	[tilespmem:$0x10600] =	vst v63  }
0x313: {  	_ = 	snop  }
0x314: {  	[tilespmem:s28], [sflag:$0x1] =	stream.indirect_vreg.gather [hbm4b:s2+s3], $0x80, v3, vm0, $0xb8;
	[tilespmem:$0x10600] =	vst v63  }
0x315: {  	v3 =	vld [tilespmem:$0x590];
	_ =	sdelay $0x4  }
0x316: {  	v4 =	vshll.u32 v3, $0x1  }
0x317: {  	v3 =	vand.u32 $0x7, v3;
	v4 =	vand.u32 $0xFFFFFFF0, v4  }
0x318: {  	v3 =	vor.u32 v3, v4  }
0x319: {  	v4 =	vperm.xlane v3, v0;
	_ =	sdelay $0x1  }
0x31a: {  	v3 =	vperm.xlane v3, v2;
	v4 =	vadd.s32 v1, v4;
	_ =	sdelay $0x1  }
0x31b: {  	v3 =	vadd.s32 v1, v3;
	_ =	sdelay $0x2  }
0x31c: {  	[tilespmem:s29], [sflag:$0x1] =	stream.indirect_vreg.gather [hbm4b:s2+s3], $0x80, v4, vm0, $0xb8;
	[tilespmem:$0x10600] =	vst v63  }
0x31d: {  	_ = 	snop  }
0x31e: {  	[tilespmem:s11], [sflag:$0x1] =	stream.indirect_vreg.gather [hbm4b:s2+s3], $0x80, v3, vm0, $0xb8;
	[tilespmem:$0x10600] =	vst v63  }
0x31f: {  	v3 =	vld [tilespmem:$0x5A0];
	_ =	sdelay $0x4  }
0x320: {  	v4 =	vshll.u32 v3, $0x1  }
0x321: {  	v3 =	vand.u32 $0x7, v3;
	v4 =	vand.u32 $0xFFFFFFF0, v4  }
0x322: {  	v3 =	vor.u32 v3, v4  }
0x323: {  	v4 =	vperm.xlane v3, v0;
	_ =	sdelay $0x1  }
0x324: {  	v3 =	vperm.xlane v3, v2;
	v4 =	vadd.s32 v1, v4;
	_ =	sdelay $0x1  }
0x325: {  	v3 =	vadd.s32 v1, v3;
	_ =	sdelay $0x2  }
0x326: {  	[tilespmem:s15], [sflag:$0x1] =	stream.indirect_vreg.gather [hbm4b:s2+s3], $0x80, v4, vm0, $0xb8;
	[tilespmem:$0x10600] =	vst v63  }
0x327: {  	_ = 	snop  }
0x328: {  	[tilespmem:s16], [sflag:$0x1] =	stream.indirect_vreg.gather [hbm4b:s2+s3], $0x80, v3, vm0, $0xb8;
	[tilespmem:$0x10600] =	vst v63  }
0x329: {  	v3 =	vld [tilespmem:$0x5B0];
	_ =	sdelay $0x4  }
0x32a: {  	v4 =	vshll.u32 v3, $0x1  }
0x32b: {  	v3 =	vand.u32 $0x7, v3;
	v4 =	vand.u32 $0xFFFFFFF0, v4  }
0x32c: {  	v3 =	vor.u32 v3, v4  }
0x32d: {  	v4 =	vperm.xlane v3, v0;
	_ =	sdelay $0x1  }
0x32e: {  	v3 =	vperm.xlane v3, v2;
	v4 =	vadd.s32 v1, v4;
	_ =	sdelay $0x1  }
0x32f: {  	v3 =	vadd.s32 v1, v3;
	_ =	sdelay $0x2  }
0x330: {  	[tilespmem:s17], [sflag:$0x1] =	stream.indirect_vreg.gather [hbm4b:s2+s3], $0x80, v4, vm0, $0xb8;
	[tilespmem:$0x10600] =	vst v63  }
0x331: {  	_ = 	snop  }
0x332: {  	[tilespmem:s18], [sflag:$0x1] =	stream.indirect_vreg.gather [hbm4b:s2+s3], $0x80, v3, vm0, $0xb8;
	[tilespmem:$0x10600] =	vst v63  }
0x333: {  	v3 =	vld [tilespmem:$0x5C0];
	_ =	sdelay $0x4  }
0x334: {  	v4 =	vshll.u32 v3, $0x1  }
0x335: {  	v3 =	vand.u32 $0x7, v3;
	v4 =	vand.u32 $0xFFFFFFF0, v4  }
0x336: {  	v3 =	vor.u32 v3, v4  }
0x337: {  	v4 =	vperm.xlane v3, v0;
	_ =	sdelay $0x1  }
0x338: {  	v3 =	vperm.xlane v3, v2;
	v4 =	vadd.s32 v1, v4;
	_ =	sdelay $0x1  }
0x339: {  	v3 =	vadd.s32 v1, v3;
	_ =	sdelay $0x2  }
0x33a: {  	[tilespmem:s19], [sflag:$0x1] =	stream.indirect_vreg.gather [hbm4b:s2+s3], $0x80, v4, vm0, $0xb8;
	[tilespmem:$0x10600] =	vst v63  }
0x33b: {  	_ = 	snop  }
0x33c: {  	[tilespmem:s7], [sflag:$0x1] =	stream.indirect_vreg.gather [hbm4b:s2+s3], $0x80, v3, vm0, $0xb8;
	[tilespmem:$0x10600] =	vst v63  }
0x33d: {  	v3 =	vld [tilespmem:$0x5D0];
	_ =	sdelay $0x4  }
0x33e: {  	v4 =	vshll.u32 v3, $0x1  }
0x33f: {  	v3 =	vand.u32 $0x7, v3;
	v4 =	vand.u32 $0xFFFFFFF0, v4  }
0x340: {  	v3 =	vor.u32 v3, v4  }
0x341: {  	v4 =	vperm.xlane v3, v0;
	_ =	sdelay $0x1  }
0x342: {  	v3 =	vperm.xlane v3, v2;
	v4 =	vadd.s32 v1, v4;
	_ =	sdelay $0x1  }
0x343: {  	v3 =	vadd.s32 v1, v3;
	_ =	sdelay $0x2  }
0x344: {  	[tilespmem:s20], [sflag:$0x1] =	stream.indirect_vreg.gather [hbm4b:s2+s3], $0x80, v4, vm0, $0xb8;
	[tilespmem:$0x10600] =	vst v63  }
0x345: {  	_ = 	snop  }
0x346: {  	[tilespmem:s21], [sflag:$0x1] =	stream.indirect_vreg.gather [hbm4b:s2+s3], $0x80, v3, vm0, $0xb8;
	[tilespmem:$0x10600] =	vst v63  }
0x347: {  	v3 =	vld [tilespmem:$0x5E0];
	_ =	sdelay $0x4  }
0x348: {  	v4 =	vshll.u32 v3, $0x1  }
0x349: {  	v3 =	vand.u32 $0x7, v3;
	v4 =	vand.u32 $0xFFFFFFF0, v4  }
0x34a: {  	v3 =	vor.u32 v3, v4  }
0x34b: {  	v4 =	vperm.xlane v3, v0;
	_ =	sdelay $0x1  }
0x34c: {  	v3 =	vperm.xlane v3, v2;
	v4 =	vadd.s32 v1, v4;
	_ =	sdelay $0x1  }
0x34d: {  	v3 =	vadd.s32 v1, v3;
	_ =	sdelay $0x2  }
0x34e: {  	[tilespmem:s13], [sflag:$0x1] =	stream.indirect_vreg.gather [hbm4b:s2+s3], $0x80, v4, vm0, $0xb8;
	[tilespmem:$0x10600] =	vst v63  }
0x34f: {  	_ = 	snop  }
0x350: {  	[tilespmem:s30], [sflag:$0x1] =	stream.indirect_vreg.gather [hbm4b:s2+s3], $0x80, v3, vm0, $0xb8;
	[tilespmem:$0x10600] =	vst v63  }
0x351: {  	v3 =	vld [tilespmem:$0x5F0];
	_ =	sdelay $0x4  }
0x352: {  	v4 =	vshll.u32 v3, $0x1  }
0x353: {  	v3 =	vand.u32 $0x7, v3;
	v4 =	vand.u32 $0xFFFFFFF0, v4  }
0x354: {  	v3 =	vor.u32 v3, v4  }
0x355: {  	v4 =	vperm.xlane v3, v0;
	_ =	sdelay $0x1  }
0x356: {  	v3 =	vperm.xlane v3, v2;
	v4 =	vadd.s32 v1, v4;
	_ =	sdelay $0x1  }
0x357: {  	v3 =	vadd.s32 v1, v3;
	_ =	sdelay $0x2  }
0x358: {  	[tilespmem:s1], [sflag:$0x1] =	stream.indirect_vreg.gather [hbm4b:s2+s3], $0x80, v4, vm0, $0xb8;
	[tilespmem:$0x10600] =	vst v63  }
0x359: {  	s20 =	simm.s32 $0xFE00  }
0x35a: {  	[tilespmem:s20], [sflag:$0x1] =	stream.indirect_vreg.gather [hbm4b:s2+s3], $0x80, v3, vm0, $0xb8;
	[tilespmem:$0x10600] =	vst v63  }
0x35b: {  	_ =	swait.ge [sflag:s24], $0x80  }
0x35c: {  	[sflag:s24] =	ssyncset.done $0x0  }
0x35d: {  	[sflag:s24] =	ssyncadd.s32 $0xFFFFFF80  }
0x35e: {  	_ =	swait.ge [sflag:s24], $0x80  }
0x35f: {  	[sflag:s24] =	ssyncset.done $0x0  }
0x360: {  	[sflag:s24] =	ssyncadd.s32 $0xFFFFFF80  }
0x361: {  	_ =	swait.ge [sflag:s24], $0x8000  }
0x362: {  	[sflag:s24] =	ssyncset.done $0x0  }
0x363: {  	s13 =	simm.s32 $0x3;
	s21 =	rddreg [dreg:$0xf];
	[sflag:s24] =	ssyncadd.s32 $0xFFFF8000  }
0x364: {  	[hbm4b:s21+s3] =	stream.linear.scatter [tilespmem:s23], [sflag:$0x3], $0x8000, $0x38;
	[tilespmem:$0x10600] =	vst v63  }
0x365: {  	_ =	swait.ge [sflag:s13], $0x8000  }
0x366: {  	[sflag:s13] =	ssyncset.done $0x0  }
0x367: {  	[sflag:s13] =	ssyncadd.s32 $0xFFFF8000  }
0x368: {  	v3 =	vld [tilespmem:$0x0]  }
0x369: {  	v4 =	vld [tilespmem:$0x10]  }
0x36a: {  	v5 =	vld [tilespmem:$0x20]  }
0x36b: {  	v40 =	vld [tilespmem:$0x30]  }
0x36c: {  	v41 =	vld [tilespmem:$0x40]  }
0x36d: {  	v42 =	vld [tilespmem:$0x50]  }
0x36e: {  	v43 =	vld [tilespmem:$0x60]  }
0x36f: {  	v44 =	vld [tilespmem:$0x70]  }
0x370: {  	v45 =	vld [tilespmem:$0x80]  }
0x371: {  	v46 =	vld [tilespmem:$0x90]  }
0x372: {  	v47 =	vld [tilespmem:$0xA0]  }
0x373: {  	v48 =	vld [tilespmem:$0xB0]  }
0x374: {  	v49 =	vld [tilespmem:$0xC0]  }
0x375: {  	v16 =	vld [tilespmem:$0xD0]  }
0x376: {  	v17 =	vld [tilespmem:$0xE0]  }
0x377: {  	v18 =	vld [tilespmem:$0x200]  }
0x378: {  	v19 =	vld [tilespmem:$0xF0]  }
0x379: {  	v20 =	vld [tilespmem:$0x300]  }
0x37a: {  	v21 =	vld [tilespmem:$0x210]  }
0x37b: {  	v22 =	vld [tilespmem:$0x310]  }
0x37c: {  	v24 =	vld [tilespmem:$0x220]  }
0x37d: {  	v52 =	vld [tilespmem:$0x320]  }
0x37e: {  	v25 =	vld [tilespmem:$0x230];
	v3 =	vmul.u32 $0x9000, v3;
	v4 =	vmul.u32 $0x9000, v4  }
0x37f: {  	v56 =	vld [tilespmem:$0x330];
	v5 =	vmul.u32 $0x9000, v5;
	v6 =	vmul.u32 $0x9000, v40;
	v7 =	vmul.u32 $0x9000, v41  }
0x380: {  	v60 =	vld [tilespmem:$0x240];
	v8 =	vmul.u32 $0x9000, v42;
	v9 =	vmul.u32 $0x9000, v43;
	v10 =	vmul.u32 $0x9000, v44  }
0x381: {  	v63 =	vld [tilespmem:$0x340];
	v11 =	vmul.u32 $0x9000, v45;
	v12 =	vmul.u32 $0x9000, v46;
	v13 =	vmul.u32 $0x9000, v47  }
0x382: {  	v29 =	vld [tilespmem:$0x250];
	v50 =	vmul.u32 $0x9000, v49;
	v51 =	vmul.u32 $0xC0, v18;
	v16 =	vmul.u32 $0x9000, v16  }
0x383: {  	v35 =	vld [tilespmem:$0x260];
	v17 =	vmul.u32 $0x9000, v17;
	v19 =	vmul.u32 $0x9000, v19;
	v20 =	vadd.s32 $0xFFFFFFFE, v20  }
0x384: {  	v39 =	vld [tilespmem:$0x270];
	v18 =	vadd.s32 $0xFFFFFFFE, v18;
	v53 =	vmul.u32 $0xC0, v21;
	v22 =	vadd.s32 $0xFFFFFFFE, v22  }
0x385: {  	v31 =	vld [tilespmem:$0x350];
	v21 =	vadd.s32 $0xFFFFFFFE, v21;
	v57 =	vadd.s32 $0xFFFFFFFE, v24;
	v58 =	vmul.u32 $0xC0, v24  }
0x386: {  	v36 =	vld [tilespmem:$0x360];
	v61 =	vadd.s32 $0xFFFFFFFE, v52;
	v24 =	vmul.u32 $0xC0, v25;
	v27 =	vadd.s32 $0xFFFFFFFE, v25  }
0x387: {  	v28 =	vadd.s32 $0xFFFFFFFE, v56;
	v30 =	vmul.u32 $0xC0, v60;
	v33 =	vadd.s32 $0xFFFFFFFE, v63;
	v41 =	vld [tilespmem:$0x370];
	[tilespmem:$0x410] =	vst v4  }
0x388: {  	v34 =	vadd.s32 $0xFFFFFFFE, v60;
	v37 =	vmul.u32 $0xC0, v29;
	v42 =	vmul.u32 $0xC0, v35;
	[tilespmem:$0x420] =	vst v5;
	v23 =	vld [tilespmem:$0x410]  }
0x389: {  	v44 =	vmul.u32 $0xC0, v39;
	v46 =	vadd.s32 $0xFFFFFFFE, v39;
	vm1 =	vlt.u32 v18, $0xC0;
	[tilespmem:$0x430] =	vst v6;
	v54 =	vld [tilespmem:$0x420]  }
0x38a: {  	vm2 =	vlt.u32 v20, $0xC0;
	vm3 =	vlt.u32 v28, $0xC0;
	v15 =	vadd.s32 v3, v51;
	[tilespmem:$0x440] =	vst v7;
	v59 =	vld [tilespmem:$0x430]  }
0x38b: {  	v4 =	vmul.u32 $0x9000, v48;
	vm1 =	vmand vm1, vm2;
	[tilespmem:$0x450] =	vst v8;
	v5 =	vadd.s32 v20, v15;
	v26 =	vld [tilespmem:$0x440]  }
0x38c: {  	vm2 =	vlt.u32 v22, $0xC0;
	v8 =	vadd.s32 $0xFFFFFFFE, v29;
	v32 =	vld [tilespmem:$0x450];
	v5 =	vadd.s32 $0xFFFFFE80, v5  }
0x38d: {  	[tilespmem:$0x470] =	vst v10;
	v10 =	vadd.s32 $0xFFFFFFFE, v31;
	v5 =	vnsel vm1, $0x12000, v5;
	vm1 =	vlt.u32 v21, $0xC0  }
0x38e: {  	[tilespmem:$0x400] =	vst v3;
	v15 =	vadd.s32 $0xFFFFFFFE, v35;
	v45 =	vadd.s32 $0xFFFFFFFE, v41;
	vm1 =	vmand vm1, vm2  }
0x38f: {  	vm2 =	vlt.u32 v57, $0xC0;
	[tilespmem:$0x500] =	vst v5;
	v5 =	vadd.s32 $0xFFFFFFFE, v36;
	v55 =	vadd.s32 v23, v53  }
0x390: {  	[tilespmem:$0x460] =	vst v9;
	v43 =	vld [tilespmem:$0x470];
	v62 =	vadd.s32 v54, v58;
	v7 =	vadd.s32 v59, v24;
	v9 =	vadd.s32 v26, v30  }
0x391: {  	[tilespmem:$0x480] =	vst v11;
	v40 =	vadd.s32 v32, v37;
	v6 =	vadd.s32 v22, v55;
	v3 =	vadd.s32 v61, v62  }
0x392: {  	[tilespmem:$0x490] =	vst v12;
	v7 =	vadd.s32 v28, v7;
	v9 =	vadd.s32 v33, v9;
	v6 =	vadd.s32 $0xFFFFFE80, v6  }
0x393: {  	[tilespmem:$0x4A0] =	vst v13;
	v3 =	vadd.s32 $0xFFFFFE80, v3;
	v6 =	vnsel vm1, $0x12000, v6;
	vm1 =	vlt.u32 v61, $0xC0  }
0x394: {  	v38 =	vld [tilespmem:$0x460];
	[tilespmem:$0x4B0] =	vst v4;
	v7 =	vadd.s32 $0xFFFFFE80, v7;
	v4 =	vadd.s32 $0xFFFFFE80, v9;
	vm1 =	vmand vm2, vm1  }
0x395: {  	vm2 =	vlt.u32 v27, $0xC0;
	[tilespmem:$0x510] =	vst v6;
	v6 =	vadd.s32 v43, v44;
	v3 =	vnsel vm1, $0x12000, v3  }
0x396: {  	[tilespmem:$0x4C0] =	vst v50;
	vm1 =	vmand vm2, vm3;
	vm2 =	vlt.u32 v34, $0xC0;
	vm3 =	vlt.u32 v33, $0xC0  }
0x397: {  	[tilespmem:$0x4D0] =	vst v16;
	vm2 =	vmand vm2, vm3;
	v7 =	vnsel vm1, $0x12000, v7;
	vm1 =	vlt.u32 v8, $0xC0  }
0x398: {  	[tilespmem:$0x4E0] =	vst v17;
	v8 =	vadd.s32 v10, v40;
	vm3 =	vlt.u32 v5, $0xC0;
	v4 =	vnsel vm2, $0x12000, v4  }
0x399: {  	[tilespmem:$0x4F0] =	vst v19;
	vm2 =	vlt.u32 v10, $0xC0;
	v8 =	vadd.s32 $0xFFFFFE80, v8;
	v10 =	vadd.s32 v38, v42  }
0x39a: {  	[tilespmem:$0x520] =	vst v3;
	vm1 =	vmand vm1, vm2;
	vm2 =	vlt.u32 v15, $0xC0;
	v5 =	vadd.s32 v5, v10  }
0x39b: {  	[tilespmem:$0x540] =	vst v4;
	v4 =	vadd.s32 v45, v6;
	v3 =	vnsel vm1, $0x12000, v8;
	vm1 =	vmand vm2, vm3  }
0x39c: {  	[tilespmem:$0x530] =	vst v7;
	v5 =	vadd.s32 $0xFFFFFE80, v5;
	vm2 =	vlt.u32 v46, $0xC0;
	vm3 =	vlt.u32 v45, $0xC0  }
0x39d: {  	v4 =	vadd.s32 $0xFFFFFE80, v4;
	[tilespmem:$0x550] =	vst v3;
	v3 =	vnsel vm1, $0x12000, v5;
	vm1 =	vmand vm2, vm3  }
0x39e: {  	[tilespmem:$0x560] =	vst v3;
	v3 =	vnsel vm1, $0x12000, v4  }
0x39f: {  	[tilespmem:$0x570] =	vst v3  }
0x3a0: {  	[tilespmem:s9], [sflag:$0x1] =	stream.indirect.gather [hbm4b:s6+s25], $0x80, s26, s25, $0xb8;
	[tilespmem:$0x10600] =	vst v63  }
0x3a1: {  	v3 =	vld [tilespmem:$0x280]  }
0x3a2: {  	v4 =	vld [tilespmem:$0x380]  }
0x3a3: {  	v47 =	vld [tilespmem:$0x290]  }
0x3a4: {  	v48 =	vld [tilespmem:$0x390]  }
0x3a5: {  	v51 =	vld [tilespmem:$0x3A0]  }
0x3a6: {  	v53 =	vld [tilespmem:$0x2B0]  }
0x3a7: {  	v57 =	vld [tilespmem:$0x2C0]  }
0x3a8: {  	v61 =	vld [tilespmem:$0x2D0]  }
0x3a9: {  	v63 =	vld [tilespmem:$0x3D0]  }
0x3aa: {  	v19 =	vld [tilespmem:$0x2E0]  }
0x3ab: {  	v23 =	vld [tilespmem:$0x2F0]  }
0x3ac: {  	v25 =	vld [tilespmem:$0x3F0];
	v49 =	vmul.u32 $0xC0, v3  }
0x3ad: {  	v5 =	vld [tilespmem:$0x480];
	v3 =	vadd.s32 $0xFFFFFFFE, v3;
	v4 =	vadd.s32 $0xFFFFFFFE, v4;
	v7 =	vadd.s32 $0xFFFFFFFE, v48  }
0x3ae: {  	v54 =	vld [tilespmem:$0x3B0];
	v6 =	vadd.s32 $0xFFFFFFFE, v47;
	v8 =	vadd.s32 $0xFFFFFFFE, v51;
	v59 =	vmul.u32 $0xC0, v53  }
0x3af: {  	v18 =	vld [tilespmem:$0x4D0];
	v9 =	vadd.s32 $0xFFFFFFFE, v53;
	v62 =	vmul.u32 $0xC0, v57;
	v12 =	vadd.s32 $0xFFFFFFFE, v57  }
0x3b0: {  	v22 =	vld [tilespmem:$0x4E0];
	v21 =	vmul.u32 $0xC0, v61;
	v11 =	vadd.s32 $0xFFFFFFFE, v63;
	v26 =	vmul.u32 $0xC0, v19  }
0x3b1: {  	v50 =	vld [tilespmem:$0x490];
	v10 =	vadd.s32 $0xFFFFFFFE, v19;
	v29 =	vadd.s32 $0xFFFFFFFE, v25;
	v30 =	vadd.s32 $0xFFFFFFFE, v23  }
0x3b2: {  	v58 =	vld [tilespmem:$0x3C0];
	vm1 =	vlt.u32 v3, $0xC0;
	vm2 =	vlt.u32 v4, $0xC0;
	vm3 =	vlt.u32 v7, $0xC0  }
0x3b3: {  	v3 =	vadd.s32 v5, v49;
	v5 =	vld [tilespmem:$0x2A0];
	vm1 =	vmand vm1, vm2;
	vm2 =	vlt.u32 v6, $0xC0  }
0x3b4: {  	v52 =	vld [tilespmem:$0x4A0];
	v6 =	vadd.s32 $0xFFFFFFFE, v54;
	v3 =	vadd.s32 v4, v3;
	v4 =	vmul.u32 $0xC0, v47  }
0x3b5: {  	v20 =	vld [tilespmem:$0x3E0];
	v24 =	vadd.s32 v18, v21;
	v28 =	vadd.s32 v22, v26;
	vm2 =	vmand vm2, vm3  }
0x3b6: {  	v56 =	vld [tilespmem:$0x4B0];
	vm3 =	vlt.u32 v6, $0xC0;
	v3 =	vadd.s32 $0xFFFFFE80, v3;
	v4 =	vadd.s32 v50, v4  }
0x3b7: {  	v60 =	vld [tilespmem:$0x4C0];
	v3 =	vnsel vm1, $0x12000, v3;
	v4 =	vadd.s32 v7, v4;
	v7 =	vadd.s32 $0xFFFFFFFE, v58  }
0x3b8: {  	v27 =	vld [tilespmem:$0x4F0];
	v4 =	vadd.s32 $0xFFFFFE80, v4;
	v55 =	vmul.u32 $0xC0, v5;
	v5 =	vadd.s32 $0xFFFFFFFE, v5  }
0x3b9: {  	v4 =	vnsel vm2, $0x12000, v4;
	vm1 =	vlt.u32 v5, $0xC0;
	vm2 =	vlt.u32 v8, $0xC0  }
0x3ba: {  	[tilespmem:$0x580] =	vst v3;
	v3 =	vadd.s32 $0xFFFFFFFE, v20;
	v5 =	vadd.s32 v52, v55;
	vm1 =	vmand vm1, vm2  }
0x3bb: {  	vm2 =	vlt.u32 v9, $0xC0;
	[tilespmem:$0x590] =	vst v4;
	v4 =	vmul.u32 $0xC0, v23;
	v5 =	vadd.s32 v8, v5  }
0x3bc: {  	v9 =	vadd.s32 $0xFFFFFFFE, v61;
	v8 =	vadd.s32 v56, v59;
	v5 =	vadd.s32 $0xFFFFFE80, v5  }
0x3bd: {  	v6 =	vadd.s32 v6, v8;
	v8 =	vadd.s32 v60, v62;
	v4 =	vadd.s32 v27, v4  }
0x3be: {  	v5 =	vnsel vm1, $0x12000, v5;
	vm1 =	vmand vm2, vm3;
	v6 =	vadd.s32 $0xFFFFFE80, v6  }
0x3bf: {  	vm2 =	vlt.u32 v12, $0xC0;
	vm3 =	vlt.u32 v7, $0xC0;
	v7 =	vadd.s32 v7, v8  }
0x3c0: {  	v4 =	vadd.s32 v29, v4;
	vm2 =	vmand vm2, vm3;
	v7 =	vadd.s32 $0xFFFFFE80, v7  }
0x3c1: {  	v6 =	vnsel vm1, $0x12000, v6;
	vm1 =	vlt.u32 v9, $0xC0;
	v9 =	vadd.s32 v11, v24  }
0x3c2: {  	vm3 =	vlt.u32 v3, $0xC0;
	v7 =	vnsel vm2, $0x12000, v7;
	vm2 =	vlt.u32 v11, $0xC0  }
0x3c3: {  	v3 =	vadd.s32 v3, v28;
	[tilespmem:$0x5A0] =	vst v5;
	v9 =	vadd.s32 $0xFFFFFE80, v9;
	vm1 =	vmand vm1, vm2  }
0x3c4: {  	v3 =	vadd.s32 $0xFFFFFE80, v3;
	[tilespmem:$0x5B0] =	vst v6;
	vm2 =	vlt.u32 v10, $0xC0;
	v5 =	vnsel vm1, $0x12000, v9  }
0x3c5: {  	[tilespmem:$0x5C0] =	vst v7;
	vm1 =	vmand vm2, vm3;
	vm2 =	vlt.u32 v30, $0xC0;
	vm3 =	vlt.u32 v29, $0xC0  }
0x3c6: {  	v4 =	vadd.s32 $0xFFFFFE80, v4;
	[tilespmem:$0x5D0] =	vst v5;
	v3 =	vnsel vm1, $0x12000, v3;
	vm1 =	vmand vm2, vm3  }
0x3c7: {  	[tilespmem:$0x5E0] =	vst v3;
	v3 =	vnsel vm1, $0x12000, v4  }
0x3c8: {  	[tilespmem:$0x5F0] =	vst v3  }
0x3c9: {  	[tilespmem:s31], [sflag:$0x1] =	stream.indirect.gather [hbm4b:s6+s25], $0x80, s8, s25, $0xb8;
	[tilespmem:$0x10600] =	vst v63  }
0x3ca: {  	_ =	swait.ge [sflag:s24], $0x4000  }
0x3cb: {  	[sflag:s24] =	ssyncset.done $0x0  }
0x3cc: {  	[sflag:s24] =	ssyncadd.s32 $0xFFFFC000  }
0x3cd: {  	_ =	swait.ge [sflag:s24], $0x4000  }
0x3ce: {  	[sflag:s24] =	ssyncset.done $0x0  }
0x3cf: {  	s22 =	rddreg [dreg:$0x10];
	[sflag:s24] =	ssyncadd.s32 $0xFFFFC000  }
0x3d0: {  	[hbm4b:s22+s3] =	stream.linear.scatter [tilespmem:s9], [sflag:$0x2], $0x8000, $0x38;
	[tilespmem:$0x10600] =	vst v63  }
0x3d1: {  	v3 =	vld [tilespmem:$0x240]  }
0x3d2: {  	v4 =	vld [tilespmem:$0x270]  }
0x3d3: {  	v5 =	vld [tilespmem:$0x210]  }
0x3d4: {  	v31 =	vld [tilespmem:$0x370]  }
0x3d5: {  	v32 =	vld [tilespmem:$0x360]  }
0x3d6: {  	v33 =	vld [tilespmem:$0x320]  }
0x3d7: {  	v34 =	vld [tilespmem:$0x310]  }
0x3d8: {  	v35 =	vld [tilespmem:$0x350]  }
0x3d9: {  	s23 =	smul.u32 $0xCD, s24;
	v36 =	vld [tilespmem:$0x340]  }
0x3da: {  	v37 =	vld [tilespmem:$0x300]  }
0x3db: {  	s12 =	sshrl.u32 s23, $0xA;
	v38 =	vld [tilespmem:$0x200]  }
0x3dc: {  	s12 =	sand.u32 $0x3F, s12;
	v39 =	vld [tilespmem:$0x230]  }
0x3dd: {  	s24 =	smul.u32 $0x5, s12;
	v40 =	vld [tilespmem:$0x260]  }
0x3de: {  	v43 =	vld [tilespmem:$0x330]  }
0x3df: {  	s28 =	sadd.s32 $0xFFFFFFFE, s12;
	s30 =	ssub.s32 $0x1, s24;
	v45 =	vld [tilespmem:$0x250]  }
0x3e0: {  	v46 =	vld [tilespmem:$0x220];
	s12 =	sand.u32 $0xFF, s30;
	v9 =	vadd.s32 s28, v34;
	v8 =	vadd.s32 s28, v33  }
0x3e1: {  	s29 =	sadd.s32 $0xFFFFFFFE, s12;
	v10 =	vadd.s32 s28, v35;
	v7 =	vadd.s32 s28, v32;
	v11 =	vadd.s32 s28, v36  }
0x3e2: {  	v12 =	vadd.s32 s28, v37;
	v6 =	vadd.s32 s28, v31;
	v13 =	vadd.s32 s29, v38  }
0x3e3: {  	v5 =	vadd.s32 s29, v5;
	v14 =	vadd.s32 s29, v39;
	v15 =	vadd.s32 s29, v40  }
0x3e4: {  	v4 =	vadd.s32 s29, v4;
	v3 =	vadd.s32 s29, v3;
	v51 =	vadd.s32 s28, v43  }
0x3e5: {  	v52 =	vadd.s32 s29, v45;
	v53 =	vadd.s32 s29, v46;
	vm6 =	vlt.u32 v8, $0xC0  }
0x3e6: {  	vm5 =	vlt.u32 v7, $0xC0;
	vm3 =	vlt.u32 v10, $0xC0;
	vm4 =	vlt.u32 v6, $0xC0  }
0x3e7: {  	vm7 =	vlt.u32 v12, $0xC0;
	v44 =	vmul.u32 $0xC0, v13;
	v47 =	vmul.u32 $0xC0, v14  }
0x3e8: {  	v41 =	vld [tilespmem:$0x400];
	vm2 =	vlt.u32 v5, $0xC0;
	vm8 =	vlt.u32 v13, $0xC0;
	vm14 =	vlt.u32 v14, $0xC0  }
0x3e9: {  	v42 =	vld [tilespmem:$0x430];
	vm9 =	vlt.u32 v51, $0xC0;
	v54 =	vmul.u32 $0xC0, v52;
	v55 =	vmul.u32 $0xC0, v3  }
0x3ea: {  	v48 =	vld [tilespmem:$0x450];
	vm15 =	vlt.u32 v53, $0xC0;
	v57 =	vmul.u32 $0xC0, v4;
	vm12 =	vlt.u32 v3, $0xC0  }
0x3eb: {  	v56 =	vld [tilespmem:$0x470];
	vm10 =	vlt.u32 v15, $0xC0;
	v15 =	vmul.u32 $0xC0, v15;
	vm13 =	vlt.u32 v11, $0xC0  }
0x3ec: {  	v17 =	vmul.u32 $0xC0, v53;
	v5 =	vmul.u32 $0xC0, v5;
	vm7 =	vmand vm8, vm7  }
0x3ed: {  	v50 =	vld [tilespmem:$0x440];
	vm8 =	vmand vm14, vm9;
	vm6 =	vmand vm15, vm6;
	vm5 =	vmand vm10, vm5  }
0x3ee: {  	v58 =	vld [tilespmem:$0x420];
	vm14 =	vlt.u32 v52, $0xC0;
	vm9 =	vmand vm12, vm13;
	vm15 =	vlt.u32 v4, $0xC0  }
0x3ef: {  	v59 =	vld [tilespmem:$0x460];
	v16 =	vadd.s32 v44, v41;
	v49 =	vadd.s32 v47, v42;
	v18 =	vadd.s32 v54, v48  }
0x3f0: {  	v60 =	vld [tilespmem:$0x410];
	v4 =	vadd.s32 v57, v56;
	vm3 =	vmand vm14, vm3;
	v12 =	vadd.s32 v12, v16  }
0x3f1: {  	vm4 =	vmand vm15, vm4;
	v13 =	vadd.s32 v51, v49;
	v12 =	vnsel vm7, $0x12000, v12  }
0x3f2: {  	v16 =	vadd.s32 v55, v50;
	v4 =	vadd.s32 v6, v4;
	v61 =	vnsel vm8, $0x12000, v13;
	[tilespmem:$0x500] =	vst v12  }
0x3f3: {  	v10 =	vadd.s32 v10, v18;
	v3 =	vadd.s32 v11, v16;
	v4 =	vnsel vm4, $0x12000, v4;
	[tilespmem:$0x530] =	vst v61  }
0x3f4: {  	v62 =	vadd.s32 v15, v59;
	v63 =	vnsel vm3, $0x12000, v10;
	v3 =	vnsel vm9, $0x12000, v3;
	[tilespmem:$0x570] =	vst v4  }
0x3f5: {  	v4 =	vadd.s32 v5, v60;
	v5 =	vadd.s32 v7, v62;
	[tilespmem:$0x540] =	vst v3;
	v3 =	vadd.s32 v17, v58  }
0x3f6: {  	vm1 =	vlt.u32 v9, $0xC0;
	[tilespmem:$0x550] =	vst v63;
	v5 =	vnsel vm5, $0x12000, v5;
	v3 =	vadd.s32 v8, v3  }
0x3f7: {  	vm1 =	vmand vm2, vm1;
	v4 =	vadd.s32 v9, v4;
	[tilespmem:$0x560] =	vst v5;
	v3 =	vnsel vm6, $0x12000, v3  }
0x3f8: {  	[tilespmem:$0x520] =	vst v3;
	v3 =	vnsel vm1, $0x12000, v4  }
0x3f9: {  	[tilespmem:$0x510] =	vst v3  }
0x3fa: {  	_ =	swait.ge [sflag:s0], $0x8000  }
0x3fb: {  	[sflag:s0] =	ssyncset.done $0x0  }
0x3fc: {  	s24 =	rddreg [dreg:$0x17];
	[sflag:s0] =	ssyncadd.s32 $0xFFFF8000  }
0x3fd: {  	[tilespmem:s9], [sflag:$0x1] =	stream.indirect.gather [hbm4b:s6+s25], $0x80, s26, s25, $0xb8;
	[tilespmem:$0x10600] =	vst v63  }
0x3fe: {  	s12 =	simm.s32 $0x2;
	s22 =	smov.u32 s24;
	v3 =	vld [tilespmem:$0x390]  }
.LBB2_6:
0x3ff: {  	p1 =	sne.s32 s12, $0x18  }
0x400: {  	v4 =	vld [tilespmem:$0x280];
	s22 =	sadd.s32 $0x10000, s22;
	s14 =	smov.u32 s12;
	s12 =	sadd.s32 $0x1, s12  }
0x401: {  	v5 =	vld [tilespmem:$0x3D0]  }
0x402: {  	v6 =	vld [tilespmem:$0x4D0]  }
0x403: {  	v7 =	vld [tilespmem:$0x2D0]  }
0x404: {  	v3 =	vadd.s32 s28, v3;
	v8 =	vld [tilespmem:$0x3B0]  }
0x405: {  	v9 =	vld [tilespmem:$0x2C0]  }
0x406: {  	v10 =	vld [tilespmem:$0x3C0];
	v5 =	vadd.s32 s28, v5  }
0x407: {  	v11 =	vld [tilespmem:$0x2A0]  }
0x408: {  	vm2 =	vlt.u32 v5, $0xC0;
	v12 =	vld [tilespmem:$0x2B0];
	v7 =	vadd.s32 s29, v7  }
0x409: {  	v13 =	vld [tilespmem:$0x3A0];
	v8 =	vadd.s32 s28, v8;
	vm3 =	vlt.u32 v7, $0xC0;
	v7 =	vmul.u32 $0xC0, v7  }
0x40a: {  	vm1 =	vlt.u32 v3, $0xC0;
	v14 =	vld [tilespmem:$0x4A0];
	vm4 =	vlt.u32 v8, $0xC0;
	vm2 =	vmand vm3, vm2  }
0x40b: {  	v9 =	vadd.s32 s29, v9;
	v15 =	vld [tilespmem:$0x380];
	v10 =	vadd.s32 s28, v10;
	v6 =	vadd.s32 v7, v6  }
0x40c: {  	v16 =	vmul.u32 $0xC0, v9;
	vm3 =	vlt.u32 v10, $0xC0;
	v7 =	vld [tilespmem:$0x4C0];
	v5 =	vadd.s32 v5, v6  }
0x40d: {  	v4 =	vadd.s32 s29, v4;
	v11 =	vadd.s32 s29, v11;
	v6 =	vld [tilespmem:$0x480];
	v12 =	vadd.s32 s29, v12  }
0x40e: {  	vm5 =	vlt.u32 v11, $0xC0;
	v11 =	vmul.u32 $0xC0, v11;
	v13 =	vadd.s32 s28, v13;
	v17 =	vld [tilespmem:$0x4B0]  }
0x40f: {  	vm6 =	vlt.u32 v4, $0xC0;
	v4 =	vmul.u32 $0xC0, v4;
	v19 =	vmul.u32 $0xC0, v12;
	v18 =	vld [tilespmem:$0x290]  }
0x410: {  	vm7 =	vlt.u32 v9, $0xC0;
	v11 =	vadd.s32 v11, v14;
	v15 =	vadd.s32 s28, v15;
	v9 =	vld [tilespmem:$0x2E0]  }
0x411: {  	vm9 =	vlt.u32 v12, $0xC0;
	vm8 =	vlt.u32 v13, $0xC0;
	v11 =	vadd.s32 v13, v11;
	v12 =	vld [tilespmem:$0x2F0]  }
0x412: {  	vm4 =	vmand vm9, vm4;
	v4 =	vadd.s32 v4, v6;
	v6 =	vadd.s32 v16, v7;
	v7 =	vld [tilespmem:$0x3E0]  }
0x413: {  	vm5 =	vmand vm5, vm8;
	vm9 =	vlt.u32 v15, $0xC0;
	v4 =	vadd.s32 v15, v4;
	v13 =	vld [tilespmem:$0x3F0]  }
0x414: {  	vm3 =	vmand vm7, vm3;
	v14 =	vadd.s32 v19, v17;
	v6 =	vadd.s32 v10, v6;
	v10 =	vld [tilespmem:$0x4E0]  }
0x415: {  	v5 =	vnsel vm2, $0x12000, v5;
	vm6 =	vmand vm6, vm9;
	v8 =	vadd.s32 v8, v14;
	v14 =	vld [tilespmem:$0x4F0]  }
0x416: {  	v11 =	vnsel vm5, $0x12000, v11;
	v8 =	vnsel vm4, $0x12000, v8;
	v15 =	vld [tilespmem:$0x490];
	[tilespmem:$0x5D0] =	vst v5;
	v5 =	vadd.s32 s29, v12  }
0x417: {  	v4 =	vnsel vm6, $0x12000, v4;
	[tilespmem:$0x5B0] =	vst v8;
	v8 =	vadd.s32 s29, v9;
	v7 =	vadd.s32 s28, v7  }
0x418: {  	v6 =	vnsel vm3, $0x12000, v6;
	[tilespmem:$0x5A0] =	vst v11;
	v9 =	vmul.u32 $0xC0, v8;
	v11 =	vadd.s32 s28, v13  }
0x419: {  	vm3 =	vlt.u32 v5, $0xC0;
	vm2 =	vlt.u32 v8, $0xC0;
	[tilespmem:$0x580] =	vst v4;
	v4 =	vmul.u32 $0xC0, v5  }
0x41a: {  	vm4 =	vlt.u32 v7, $0xC0;
	v5 =	vadd.s32 s29, v18;
	vm5 =	vlt.u32 v11, $0xC0;
	[tilespmem:$0x5C0] =	vst v6  }
0x41b: {  	v6 =	vmul.u32 $0xC0, v5;
	v8 =	vadd.s32 v9, v10;
	v4 =	vadd.s32 v4, v14  }
0x41c: {  	vm3 =	vmand vm3, vm5;
	v7 =	vadd.s32 v7, v8;
	v4 =	vadd.s32 v11, v4  }
0x41d: {  	vm2 =	vmand vm2, vm4;
	v6 =	vadd.s32 v6, v15;
	v4 =	vnsel vm3, $0x12000, v4  }
0x41e: {  	vm3 =	vlt.u32 v5, $0xC0;
	v3 =	vadd.s32 v3, v6;
	v5 =	vnsel vm2, $0x12000, v7;
	[tilespmem:$0x5F0] =	vst v4  }
0x41f: {  	vm1 =	vmand vm3, vm1;
	[tilespmem:$0x5E0] =	vst v5  }
0x420: {  	v3 =	vnsel vm1, $0x12000, v3  }
0x421: {  	[tilespmem:$0x590] =	vst v3  }
0x422: {  	[tilespmem:s31], [sflag:$0x1] =	stream.indirect.gather [hbm4b:s6+s25], $0x80, s8, s25, $0xb8;
	[tilespmem:$0x10600] =	vst v63  }
0x423: {  	_ =	swait.ge [sflag:s10], $0x4000  }
0x424: {  	[sflag:s10] =	ssyncset.done $0x0  }
0x425: {  	[sflag:s10] =	ssyncadd.s32 $0xFFFFC000  }
0x426: {  	_ =	swait.ge [sflag:s10], $0x4000  }
0x427: {  	[sflag:s10] =	ssyncset.done $0x0  }
0x428: {  	[sflag:s10] =	ssyncadd.s32 $0xFFFFC000  }
0x429: {  	[hbm4b:s24+s3] =	stream.linear.scatter [tilespmem:s9], [sflag:$0x2], $0x8000, $0x38;
	[tilespmem:$0x10600] =	vst v63  }
0x42a: {  	s24 =	smov.u32 s22  }
0x42b: {  	v3 =	vld [tilespmem:$0x240]  }
0x42c: {  	v4 =	vld [tilespmem:$0x270]  }
0x42d: {  	v5 =	vld [tilespmem:$0x210]  }
0x42e: {  	v6 =	vld [tilespmem:$0x370]  }
0x42f: {  	v7 =	vld [tilespmem:$0x360]  }
0x430: {  	v8 =	vld [tilespmem:$0x320]  }
0x431: {  	s28 =	smul.u32 $0xCD, s14;
	v9 =	vld [tilespmem:$0x310]  }
0x432: {  	v10 =	vld [tilespmem:$0x350]  }
0x433: {  	s28 =	sshrl.u32 s28, $0xA;
	v11 =	vld [tilespmem:$0x340]  }
0x434: {  	s28 =	sand.u32 $0x3F, s28;
	v12 =	vld [tilespmem:$0x300]  }
0x435: {  	s29 =	smul.u32 $0x5, s28;
	s28 =	sadd.s32 $0xFFFFFFFE, s28;
	v13 =	vld [tilespmem:$0x200]  }
0x436: {  	v8 =	vadd.s32 s28, v8;
	v9 =	vadd.s32 s28, v9;
	v14 =	vld [tilespmem:$0x230]  }
0x437: {  	s14 =	ssub.s32 s14, s29;
	v7 =	vadd.s32 s28, v7;
	vm4 =	vlt.u32 v9, $0xC0;
	v10 =	vadd.s32 s28, v10;
	v15 =	vld [tilespmem:$0x260]  }
0x438: {  	s14 =	sand.u32 $0xFF, s14;
	vm3 =	vlt.u32 v7, $0xC0;
	vm5 =	vlt.u32 v8, $0xC0;
	v16 =	vld [tilespmem:$0x400];
	v11 =	vadd.s32 s28, v11  }
0x439: {  	s29 =	sadd.s32 $0xFFFFFFFE, s14;
	v6 =	vadd.s32 s28, v6;
	vm1 =	vlt.u32 v10, $0xC0;
	v12 =	vadd.s32 s28, v12;
	v17 =	vld [tilespmem:$0x430]  }
0x43a: {  	v5 =	vadd.s32 s29, v5;
	vm2 =	vlt.u32 v6, $0xC0;
	v13 =	vadd.s32 s29, v13;
	v18 =	vld [tilespmem:$0x330]  }
0x43b: {  	vm6 =	vlt.u32 v12, $0xC0;
	v19 =	vmul.u32 $0xC0, v13;
	v14 =	vadd.s32 s29, v14;
	v20 =	vld [tilespmem:$0x250]  }
0x43c: {  	v4 =	vadd.s32 s29, v4;
	v21 =	vld [tilespmem:$0x220];
	v22 =	vmul.u32 $0xC0, v14;
	v15 =	vadd.s32 s29, v15  }
0x43d: {  	v3 =	vadd.s32 s29, v3;
	vm8 =	vlt.u32 v5, $0xC0;
	v16 =	vadd.s32 v19, v16  }
0x43e: {  	vm7 =	vlt.u32 v13, $0xC0;
	v12 =	vadd.s32 v12, v16;
	v13 =	vadd.s32 v22, v17;
	v16 =	vld [tilespmem:$0x450]  }
0x43f: {  	vm7 =	vmand vm7, vm6;
	vm6 =	vlt.u32 v14, $0xC0;
	v17 =	vadd.s32 s28, v18;
	v14 =	vld [tilespmem:$0x440]  }
0x440: {  	vm9 =	vlt.u32 v17, $0xC0;
	v13 =	vadd.s32 v17, v13;
	v17 =	vadd.s32 s29, v20  }
0x441: {  	v18 =	vadd.s32 s29, v21;
	vm6 =	vmand vm6, vm9;
	v19 =	vmul.u32 $0xC0, v17;
	v20 =	vld [tilespmem:$0x470]  }
0x442: {  	v22 =	vmul.u32 $0xC0, v4;
	v21 =	vmul.u32 $0xC0, v3;
	vm9 =	vlt.u32 v18, $0xC0  }
0x443: {  	vm4 =	vmand vm8, vm4;
	vm5 =	vmand vm9, vm5;
	v16 =	vadd.s32 v19, v16;
	v19 =	vld [tilespmem:$0x460]  }
0x444: {  	vm8 =	vlt.u32 v3, $0xC0;
	vm9 =	vlt.u32 v15, $0xC0;
	v23 =	vld [tilespmem:$0x420];
	v3 =	vadd.s32 v21, v14  }
0x445: {  	v15 =	vmul.u32 $0xC0, v15;
	vm3 =	vmand vm9, vm3;
	v14 =	vld [tilespmem:$0x410];
	v3 =	vadd.s32 v11, v3  }
0x446: {  	vm10 =	vlt.u32 v4, $0xC0;
	vm9 =	vlt.u32 v17, $0xC0;
	v4 =	vadd.s32 v22, v20  }
0x447: {  	v17 =	vmul.u32 $0xC0, v18;
	vm1 =	vmand vm9, vm1;
	v4 =	vadd.s32 v6, v4  }
0x448: {  	v5 =	vmul.u32 $0xC0, v5;
	vm2 =	vmand vm10, vm2;
	v6 =	vadd.s32 v15, v19  }
0x449: {  	v12 =	vnsel vm7, $0x12000, v12;
	vm7 =	vlt.u32 v11, $0xC0;
	v15 =	vadd.s32 v17, v23  }
0x44a: {  	vm7 =	vmand vm8, vm7;
	[tilespmem:$0x500] =	vst v12;
	v5 =	vadd.s32 v5, v14;
	v8 =	vadd.s32 v8, v15  }
0x44b: {  	v3 =	vnsel vm7, $0x12000, v3;
	v5 =	vadd.s32 v9, v5;
	v8 =	vnsel vm5, $0x12000, v8  }
0x44c: {  	v9 =	vnsel vm6, $0x12000, v13;
	v5 =	vnsel vm4, $0x12000, v5;
	[tilespmem:$0x540] =	vst v3;
	v3 =	vadd.s32 v10, v16  }
0x44d: {  	v4 =	vnsel vm2, $0x12000, v4;
	v6 =	vadd.s32 v7, v6;
	[tilespmem:$0x530] =	vst v9;
	v3 =	vnsel vm1, $0x12000, v3  }
0x44e: {  	v6 =	vnsel vm3, $0x12000, v6;
	[tilespmem:$0x570] =	vst v4  }
0x44f: {  	[tilespmem:$0x550] =	vst v3  }
0x450: {  	[tilespmem:$0x520] =	vst v8  }
0x451: {  	[tilespmem:$0x560] =	vst v6  }
0x452: {  	[tilespmem:$0x510] =	vst v5  }
.Ltmp5:
0x453: {  	_ =	swait.ge [sflag:s0], $0x8000;
	(pc) =	sbr.rel @p1 .LBB2_6-.Ltmp5, $4  }
0x454: {  	[sflag:s0] =	ssyncset.done $0x0  }
0x455: {  	[sflag:s0] =	ssyncadd.s32 $0xFFFF8000  }
0x456: {  	[tilespmem:s9], [sflag:$0x1] =	stream.indirect.gather [hbm4b:s6+s25], $0x80, s26, s25, $0xb8;
	[tilespmem:$0x10600] =	vst v63  }
0x457: {  	v3 =	vld [tilespmem:$0x390]  }
.Ltmp6:
0x458: {  	_ = 	snop;
	(pc) =	sbr.rel .LBB2_7-.Ltmp6, $1  }
0x459: {  	_ =	sdelay $0x3  }
.LBB2_9:
0x45a: {  	_ =	sfence.sel $0x180000  }
0x45b: {  	[bflag:$0x0] =	sbarrier.arrive $0xFFFF  }
0x45c: {  	_ =	strace $0x9000004D  }
0x45d: {  	s0 =	stileid.u32;
	[bflag:$0x2] =	sbarrier.arrive $0xFFFF  }
0x45e: {  	p0 =	sne.s32 s0, $0x0;
	s0 =	rddreg [dreg:$0x8]  }
0x45f: {  	s0 =	sadd.s32 @!p0 $0x100000, s0  }
0x460: {  	[sflag:s0] =	ssyncadd.tile.s32 @!p0 $0x1;
	_ =	shalt  }
.Lfunc_end2:
_tile_overlayer_lowered:
.L_overlay_start_2:
0x461: {  	(tag) =	ssettag $0x2  }
0x462: {  	s0 =	rddreg [dreg:$0x0];
	s2 =	stileid.u32  }
0x463: {  	s1 =	rddreg [dreg:$0x1];
	p0 =	sne.s32 s2, $0x0  }
0x464: {  	s3 =	rddreg [dreg:$0x2];
	[bflag:$0x3] =	sbarrier.arrive $0xFFFF;
	s2 =	simm.s32 @!p0 $0x1C03  }
0x465: {  	[timem:s3], [sflag:s2] =	dma.local @!p0 [hbm:s0], s1  }
0x466: {  	s0 =	simm.s32 @!p0 $0x3  }
0x467: {  	_ =	swait.ge @!p0 [sflag:s0], s1  }
0x468: {  	s1 =	ssub.s32 @!p0 $0x0, s1;
	[sflag:s0] =	ssyncset.done @!p0 $0x0  }
0x469: {  	[sflag:s0] =	ssyncadd.s32 @!p0 s1  }
0x46a: {  	[bflag:$0x3] =	sbarrier.arrive $0xFFFF  }
0x46b: {  	_ =	shalt  }

// kernel: sparse-core-data-format-call.1.cloned.1.call-start
scs
called_computation.1_lowered:
.L_overlay_start_0:
0x0: {  	s2 =	sld [smem:$0x3FD9]  }
0x1: {  	s3 =	sld [smem:$0x3FFE];
	_ =	sdelay $0x1  }
0x2: {  	s1 =	srdreg.scid  }
0x3: {  	s0 =	sand.u32 $0x1, s1  }
0x4: {  	s16 =	sshll.u32 s0, $0xA;
	s2 =	sadd.s32 s3, s2  }
0x5: {  	s2 =	sadd.s32 s2, s16  }
0x6: {  	[smem:$0x3FBB] =	sst s2  }
0x7: {  	_ = 	snop  }
0x8: {  	s2 =	sld [smem:$0x3FD0];
	_ =	sdelay $0x2  }
0x9: {  	s4 =	simm.s32 $0xB;
	s5 =	simm.s32 $0x10;
	s17 =	sld [smem:$0x3FC9]  }
0xa: {  	[smem:s5], [sflag:s4] =	dma.local [hbm:s2], $0x1  }
0xb: {  	_ =	swait.eq [sflag:s4], $0x1  }
0xc: {  	[sflag:s4] =	ssyncset.done $0x0  }
0xd: {  	[sflag:s4] =	ssyncadd.s32 $0xFFFFFFFF  }
0xe: {  	s18 =	sld [smem:$0x10];
	(tm) =	ssettm $0x1  }
0xf: {  	s19 =	sld [smem:$0x3FFB];
	_ =	sdelay $0x3  }
0x10: {  	_ =	strace s19  }
0x11: {  	s4 =	sld [smem:$0x3FFC];
	_ =	sdelay $0x3  }
0x12: {  	_ =	strace s4  }
0x13: {  	s4 =	sld [smem:$0x3FFD];
	_ =	sdelay $0x3  }
0x14: {  	_ =	strace s4  }
0x15: {  	_ =	strace $0x8FFFFFFF  }
0x16: {  	s20 =	sld [smem:$0x3FDB];
	_ =	sdelay $0x1  }
0x17: {  	s21 =	simm.s32 $_scs_section_size  }
0x18: {  	s6 =	simm.s32 $_size__tile_overlayer_lowered;
	s7 =	simm.s32 $_tile_overlayer_lowered  }
0x19: {  	s24 =	simm.s32 $0x1BFF;
	s23 =	sshll.u32 s7, $0x1;
	s4 =	sadd.s32 s21, s20  }
0x1a: {  	s8 =	simm.s32 $0x0;
	s22 =	sshll.u32 s6, $0x1;
	s6 =	sadd.s32 s23, s4  }
0x1b: {  	[timem:s8], [sflag:s24] =	dma.local [hbm:s6], s22  }
0x1c: {  	_ =	swait.ge [sflag:s24], s22  }
0x1d: {  	s5 =	ssub.s32 $0x0, s22;
	[sflag:s24] =	ssyncset.done $0x0  }
0x1e: {  	[sflag:s24] =	ssyncadd.s32 s5;
	_ =	sdelay $0x1  }
0x1f: {  	s25 =	simm.s32 $0x1B8B  }
0x20: {  	_ =	swait.ge [sflag:s25], $0x1  }
0x21: {  	[sflag:s25] =	ssyncset.done $0x0  }
0x22: {  	s26 =	simm.s32 $0x1B8E;
	[sflag:s25] =	ssyncadd.s32 $0xFFFFFFFF  }
0x23: {  	s27 =	simm.s32 $execute0_lowered;
	[smem:$0x3FD2] =	sst s26  }
0x24: {  	s5 =	sshll.u32 s27, $0x1;
	_ =	strace $0x80000046;
	[dreg:$0x1] =	wrdreg $0xFFFFFFFF  }
0x25: {  	s28 =	simm.s32 $_size_execute0_lowered;
	s4 =	sadd.s32 s4, s5;
	[dreg:$0x0] =	wrdreg $0x0  }
0x26: {  	s5 =	sshll.u32 s28, $0x1;
	[dreg:$0x2] =	wrdreg s4  }
0x27: {  	[dreg:$0x3] =	wrdreg s5  }
0x28: {  	[dreg:$0x4] =	wrdreg $0xC0  }
0x29: {  	_ =	task [dreg:s8], $0x5FFFF  }
0x2a: {  	[dreg:$0x1] =	wrdreg $0xFFFFFFFF  }
0x2b: {  	[dreg:$0x0] =	wrdreg $0x60  }
0x2c: {  	[dreg:$0x2] =	wrdreg s17  }
0x2d: {  	[dreg:$0x3] =	wrdreg s18  }
0x2e: {  	[dreg:$0x4] =	wrdreg $0xA  }
0x2f: {  	_ =	task.clear_ibuf [dreg:s8], $0x5FFFF;
	_ =	strace $0x90000046  }
0x30: {  	s29 =	simm.s32 $0xA;
	_ =	strace $0x80000048  }
0x31: {  	_ =	swait.ge [sflag:s29], $0x1  }
0x32: {  	[sflag:s29] =	ssyncadd.s32 $0xFFFFFFFF  }
0x33: {  	_ =	strace $0x90000048  }
0x34: {  	_ =	sfence  }
0x35: {  	s30 =	sld [smem:$0x0];
	_ =	sdelay $0x2  }
0x36: {  	s31 =	sshll.u32 s1, $0xD;
	s1 =	sshrl.u32 s1, $0x2  }
0x37: {  	s3 =	sand.u32 $0x4000, s31;
	s1 =	sadd.s32 s1, s30  }
0x38: {  	s0 =	sor.u32 s3, s0;
	s1 =	sshll.u32 s1, $0x11  }
0x39: {  	s0 =	sor.u32 s1, s0  }
0x3a: {  	s0 =	sadd.s32 $0x8F2B, s0  }
0x3b: {  	[sflag:s0] =	ssyncadd.remote.s32 $0x1  }
0x3c: {  	_ =	sfence.sel $0xFFFF  }
0x3d: {  	[dreg:$0x0] =	wrdreg $0xFFFFFFFF;
	(pc) =	sbr.abs _section_cstart, $3  }
0x3e: {  	[dreg:$0x1] =	wrdreg $0xFFFFFFFF  }
0x3f: {  	_ =	task.clear_ibuf [dreg:s8], $0x2FFFF;
	_ =	strace $0x9FFFFFFF  }
0x40: {  	(tm) =	ssettm $0x7FFFFFFF  }
0x41: {  	_ =	shalt  }
tec
execute0_lowered:
.L_overlay_start_1:
0x0: {  	(tag) =	ssettag $0x1  }
0x1: {  	s1 =	srdreg.scid  }
0x2: {  	s0 =	stileid.u32;
	s1 =	sshll.u32 s1, $0x4  }
0x3: {  	s1 =	sor.u32 s0, s1  }
0x4: {  	s3 =	rddreg [dreg:$0x0];
	s31 =	simm.s32 $0x2;
	s1 =	sand.u32 $0x1E, s1  }
0x5: {  	s16 =	simm.s32 $0x0;
	s2 =	sand.u32 $0x1, s0;
	s4 =	ssub.s32 $0xC0, s1  }
0x6: {  	s9 =	simm.s32 $0x100;
	s5 =	ssub.s32 $0x2, s2;
	s6 =	sand.u32 $0x1E, s4  }
0x7: {  	s7 =	sshrl.u32 s5, $0x1;
	p0 =	sne.s32 s6, $0x0;
	s6 =	simm.s32 $0x1  }
0x8: {  	s8 =	sand.u32 $0x1, s5;
	s4 =	sshrl.u32 s4, $0x5;
	s6 =	simm.s32 @!p0 $0x0  }
0x9: {  	s10 =	simm.s32 $0x6000;
	s7 =	sadd.s32 s8, s7;
	s6 =	sadd.s32 s6, s4  }
0xa: {  	s11 =	simm.s32 $0x0;
	s18 =	simm.s32 $0x0;
	s7 =	smul.u32 s6, s7  }
.Ltmp0:
0xb: {  	s17 =	simm.s32 $0x0;
	s5 =	rddreg [dreg:$0x1];
	(pc) =	sbr.rel .LBB1_1-.Ltmp0, $4  }
0xc: {  	s12 =	simm.s32 $0x0;
	s15 =	simm.s32 $0x0;
	s4 =	rddreg [dreg:$0x2]  }
0xd: {  	_ =	strace $0x80000047;
	s6 =	simm.s32 $0x1;
	s7 =	smul.u32 $0x3, s7  }
0xe: {  	s25 =	simm.s32 $0x0;
	s14 =	smov.u32 s2;
	[sflag:s6] =	ssyncpa.u1 $0x0  }
0xf: {  	s13 =	smov.u32 s1;
	[sflag:s31] =	ssyncpa.u1 $0x0;
	s8 =	sadd.s32 $0x1, s7  }
.LBB1_7:
0x10: {  	s19 =	sadd.s32 $0x40, s12  }
0x11: {  	s16 =	sadd.s32 $0x20, s13;
	s20 =	smov.u32 s13;
	p1 =	sgt.s32 s19, $0xBF  }
0x12: {  	s20 =	smov.u32 @p1 s16  }
0x13: {  	s22 =	smov.u32 s14;
	s16 =	sadd.s32 $0x2, s14;
	p2 =	sgt.s32 s20, $0xBF  }
0x14: {  	s22 =	smov.u32 @p2 s16  }
0x15: {  	s19 =	simm.s32 @p1 $0x0;
	p1 =	sgt.s32 s22, $0x1  }
0x16: {  	p0 =	slt.u32 s15, $0x2;
	s22 =	smov.u32 @p1 s2;
	p1 =	sne.s32 s15, s8  }
.Ltmp1:
0x17: {  	s21 =	simm.s32 @!p0 $0x2;
	(pc) =	sbr.rel @!p1 .LBB1_8-.Ltmp1, $4  }
0x18: {  	s18 =	smov.u32 s13;
	s17 =	smov.u32 s14;
	_ =	swait.ge @!p0 [sflag:s21], $0x4000  }
0x19: {  	s11 =	sadd.s32 $0x4000, s11;
	[sflag:s21] =	ssyncset.done @!p0 $0x0;
	s20 =	smov.u32 @p2 s1  }
0x1a: {  	s16 =	smov.u32 s12;
	[sflag:s21] =	ssyncadd.s32 @!p0 $0xFFFFC000;
	s12 =	smov.u32 s19  }
0x1b: {  	s13 =	smov.u32 s20;
	s15 =	sadd.s32 $0x1, s15;
	s14 =	smov.u32 s22  }
.LBB1_1:
0x1c: {  	p0 =	sge.u32 s15, s7  }
0x1d: {  	s19 =	sand.u32 @!p0 $0x1FFFFFF, s12;
	s21 =	smul.u32 @!p0 $0x90000, s14  }
0x1e: {  	s20 =	smulhi.u32 @!p0 $0x1555556, s19  }
0x1f: {  	s23 =	smul.u32 @!p0 $0xC00, s13  }
0x20: {  	s20 =	smul.u32 @!p0 $0xC0, s20  }
0x21: {  	s31 =	sadd.s32 $0xFFFFFFFF, s15;
	s21 =	sadd.s32 @!p0 s3, s21  }
0x22: {  	s22 =	sxor.u32 @!p0 $0xFFFFFFFF, s15;
	s21 =	sadd.s32 @!p0 s23, s21;
	s19 =	ssub.s32 @!p0 s19, s20  }
0x23: {  	s20 =	sshll.u32 @!p0 s22, $0xE;
	s22 =	simm.s32 @!p0 $0x6000;
	s19 =	sshll.u32 @!p0 s19, $0x4  }
0x24: {  	s20 =	sand.u32 @!p0 $0x4000, s20;
	s19 =	sadd.s32 @!p0 s19, s21;
	s21 =	simm.s32 @!p0 $0x2000  }
0x25: {  	[tilespmem:s20], [sflag:$0x1] =	stream.strided.gather @!p0 [hbm4b:s19+s21], $0x4000, s22, s21, $0x38;
	[tilespmem:$0x10000] =	vst v63  }
0x26: {  	p0 =	sge.u32 s31, s7  }
.Ltmp2:
0x27: {  	_ = 	snop;
	(pc) =	sbr.rel @p0 .LBB1_7-.Ltmp2, $1  }
0x28: {  	_ =	sdelay $0x3  }
0x29: {  	s19 =	sshll.u32 s11, $0x2  }
0x2a: {  	_ =	swait.ge [sflag:s6], $0x4000;
	s20 =	sshll.u32 s15, $0xE;
	s22 =	simm.s32 $0x0  }
0x2b: {  	p1 =	por $0x1, $0x1;
	s19 =	sand.u32 $0x10000, s19;
	[sflag:s6] =	ssyncset.done $0x0  }
0x2c: {  	s20 =	sand.u32 $0x4000, s20;
	s21 =	sshrl.u32 s19, $0x2;
	[sflag:s6] =	ssyncadd.s32 $0xFFFFC000  }
0x2d: {  	s19 =	sor.u32 $0x8000, s20;
	s20 =	sadd.s32 $0x8040, s21;
	s21 =	sadd.s32 $0x40, s21  }
.LBB1_3:
0x2e: {  	s23 =	sshll.u32 s22, $0xD  }
0x2f: {  	s23 =	sand.u32 $0x3FFFE000, s23  }
0x30: {  	s23 =	sadd.s32 s23, s21  }
0x31: {  	v0 =	vmov s23;
	_ =	sdelay $0x4  }
0x32: {  	v6 =	vld.idx.msk [tilespmem:v0+s25+$0x30 ss:$0x1], $0xffff  }
0x33: {  	v7 =	vld.idx.msk [tilespmem:v0+s25+$0xFFFFFFC0 ss:$0x1], $0xffff  }
0x34: {  	v1 =	vld.idx.msk [tilespmem:v0+s25+$0xFFFFFFD0 ss:$0x1], $0xffff  }
0x35: {  	s31 =	sshll.u32 s22, $0x7;
	v2 =	vld.idx.msk [tilespmem:v0+s25+$0xFFFFFFE0 ss:$0x1], $0xffff  }
0x36: {  	s22 =	sand.u32 $0x3FFFFF80, s31;
	v3 =	vld.idx.msk [tilespmem:v0+s25+$0xFFFFFFF0 ss:$0x1], $0xffff  }
0x37: {  	s22 =	sadd.s32 s22, s20;
	v4 =	vld.idx.msk [tilespmem:v0+s25+$0x0 ss:$0x1], $0xffff  }
0x38: {  	v5 =	vld.idx.msk [tilespmem:v0+s25+$0x10 ss:$0x1], $0xffff;
	[tilespmem:s22+$0x30] =	vst v6  }
0x39: {  	p0 =	por p1, p1;
	s24 =	simm.s32 $0x400;
	s23 =	simm.s32 $0x80;
	[tilespmem:s22+$0xFFFFFFC0] =	vst v7;
	v6 =	vld.idx.msk [tilespmem:v0+s25+$0x20 ss:$0x1], $0xffff  }
.LBB1_4:
0x3a: {  	p1 =	sne.s32 s24, $0x7E00;
	v7 =	vld.idx.msk [tilespmem:v0+s23+$0x30 ss:$0x1], $0xffff;
	[tilespmem:s22+$0xFFFFFFD0] =	vst v1  }
0x3b: {  	v8 =	vld.idx.msk [tilespmem:v0+s23+$0xFFFFFFC0 ss:$0x1], $0xffff;
	[tilespmem:s22+$0xFFFFFFE0] =	vst v2  }
0x3c: {  	v1 =	vld.idx.msk [tilespmem:v0+s23+$0xFFFFFFD0 ss:$0x1], $0xffff;
	[tilespmem:s22+$0xFFFFFFF0] =	vst v3  }
.Ltmp3:
0x3d: {  	v2 =	vld.idx.msk [tilespmem:v0+s23+$0xFFFFFFE0 ss:$0x1], $0xffff;
	[tilespmem:s22+$0x0] =	vst v4;
	(pc) =	sbr.rel @p1 .LBB1_4-.Ltmp3, $4  }
0x3e: {  	v3 =	vld.idx.msk [tilespmem:v0+s23+$0xFFFFFFF0 ss:$0x1], $0xffff;
	[tilespmem:s22+$0x10] =	vst v5  }
0x3f: {  	v4 =	vld.idx.msk [tilespmem:v0+s23+$0x0 ss:$0x1], $0xffff;
	[tilespmem:s22+$0x20] =	vst v6;
	s22 =	sadd.s32 $0x100, s22  }
0x40: {  	v5 =	vld.idx.msk [tilespmem:v0+s23+$0x10 ss:$0x1], $0xffff;
	[tilespmem:s22+$0x30] =	vst v7  }
0x41: {  	[tilespmem:s22+$0xFFFFFFC0] =	vst v8;
	v6 =	vld.idx.msk [tilespmem:v0+s23+$0x20 ss:$0x1], $0xffff;
	s23 =	sshra.s32 s24, $0x2;
	s24 =	sadd.s32 $0x200, s24  }
0x42: {  	_ =	sdelay $0x2  }
0x43: {  	[tilespmem:s22+$0xFFFFFFD0] =	vst v1  }
0x44: {  	v56 =	vld.idx.msk [tilespmem:v0+s23+$0x30 ss:$0x1], $0xffff;
	[tilespmem:s22+$0xFFFFFFE0] =	vst v2  }
0x45: {  	v57 =	vld.idx.msk [tilespmem:v0+s23+$0xFFFFFFC0 ss:$0x1], $0xffff;
	[tilespmem:s22+$0xFFFFFFF0] =	vst v3  }
0x46: {  	v58 =	vld.idx.msk [tilespmem:v0+s23+$0xFFFFFFD0 ss:$0x1], $0xffff;
	[tilespmem:s22+$0x0] =	vst v4  }
0x47: {  	v59 =	vld.idx.msk [tilespmem:v0+s23+$0xFFFFFFE0 ss:$0x1], $0xffff;
	[tilespmem:s22+$0x10] =	vst v5  }
0x48: {  	v60 =	vld.idx.msk [tilespmem:v0+s23+$0xFFFFFFF0 ss:$0x1], $0xffff;
	s31 =	sadd.s32 $0x100, s22;
	[tilespmem:s22+$0x20] =	vst v6  }
0x49: {  	v61 =	vld.idx.msk [tilespmem:v0+s23+$0x0 ss:$0x1], $0xffff;
	[tilespmem:s31+$0x30] =	vst v56  }
0x4a: {  	v62 =	vld.idx.msk [tilespmem:v0+s23+$0x10 ss:$0x1], $0xffff;
	[tilespmem:s31+$0xFFFFFFC0] =	vst v57  }
0x4b: {  	v63 =	vld.idx.msk [tilespmem:v0+s23+$0x20 ss:$0x1], $0xffff;
	[tilespmem:s31+$0xFFFFFFD0] =	vst v58  }
.Ltmp4:
0x4c: {  	[tilespmem:s31+$0xFFFFFFE0] =	vst v59;
	(pc) =	sbr.rel @p0 .LBB1_3-.Ltmp4, $4  }
0x4d: {  	[tilespmem:s31+$0xFFFFFFF0] =	vst v60  }
0x4e: {  	[tilespmem:s31+$0x0] =	vst v61  }
0x4f: {  	[tilespmem:s31+$0x10] =	vst v62  }
0x50: {  	p1 =	por $0x0, $0x0;
	s22 =	simm.s32 $0x1;
	[tilespmem:s31+$0x20] =	vst v63  }
0x51: {  	s18 =	sand.u32 $0x1FFFFFF, s18;
	s17 =	smul.u32 $0x90000, s17  }
0x52: {  	s20 =	smulhi.u32 $0x1555556, s18  }
0x53: {  	s16 =	smul.u32 $0xC00, s16  }
0x54: {  	s20 =	smul.u32 $0xC0, s20  }
.Ltmp5:
0x55: {  	_ = 	snop;
	(pc) =	sbr.rel .LBB1_7-.Ltmp5, $4  }
0x56: {  	s17 =	sadd.s32 s5, s17;
	s18 =	ssub.s32 s18, s20  }
0x57: {  	s16 =	sadd.s32 s16, s17;
	s18 =	sshll.u32 s18, $0x4  }
0x58: {  	s16 =	sadd.s32 s18, s16  }
0x59: {  	[hbm4b:s16+s9] =	stream.strided.scatter [tilespmem:s19], [sflag:$0x2], $0x4000, s10, s9, $0x38;
	[tilespmem:$0x10000] =	vst v63  }
.LBB1_8:
0x5a: {  	_ =	sfence.sel $0x180000  }
0x5b: {  	s1 =	simm.s32 $0x1;
	[bflag:$0x0] =	sbarrier.arrive $0xFFFF  }
0x5c: {  	s31 =	simm.s32 $0x2;
	[sflag:s1] =	ssyncpa.u1 $0x1  }
0x5d: {  	[sflag:s31] =	ssyncpa.u1 $0x1  }
0x5e: {  	p0 =	sne.s32 s0, $0x0;
	_ =	strace $0x90000047  }
0x5f: {  	s0 =	sadd.s32 @!p0 $0x100000, s4;
	[bflag:$0x2] =	sbarrier.arrive $0xFFFF  }
0x60: {  	[sflag:s0] =	ssyncadd.tile.s32 @!p0 $0x1;
	_ =	shalt  }
.Lfunc_end1:
_tile_overlayer_lowered:
.L_overlay_start_2:
0x61: {  	(tag) =	ssettag $0x2  }
0x62: {  	s0 =	rddreg [dreg:$0x0];
	s2 =	stileid.u32  }
0x63: {  	s1 =	rddreg [dreg:$0x1];
	p0 =	sne.s32 s2, $0x0  }
0x64: {  	s3 =	rddreg [dreg:$0x2];
	[bflag:$0x3] =	sbarrier.arrive $0xFFFF;
	s2 =	simm.s32 @!p0 $0x1C01  }
0x65: {  	[timem:s3], [sflag:s2] =	dma.local @!p0 [hbm:s0], s1  }
0x66: {  	s0 =	simm.s32 @!p0 $0x1  }
0x67: {  	_ =	swait.ge @!p0 [sflag:s0], s1  }
0x68: {  	s1 =	ssub.s32 @!p0 $0x0, s1;
	[sflag:s0] =	ssyncset.done @!p0 $0x0  }
0x69: {  	[sflag:s0] =	ssyncadd.s32 @!p0 s1  }
0x6a: {  	[bflag:$0x3] =	sbarrier.arrive $0xFFFF  }
0x6b: {  	_ =	shalt  }

// kernel: sparse-core-data-format-call.cloned.1.call-start
scs
called_computation_lowered:
.L_overlay_start_0:
0x0: {  	s2 =	sld [smem:$0x3FD9]  }
0x1: {  	s3 =	sld [smem:$0x3FFE];
	_ =	sdelay $0x1  }
0x2: {  	s1 =	srdreg.scid  }
0x3: {  	s0 =	sand.u32 $0x1, s1  }
0x4: {  	s17 =	sshll.u32 s0, $0xA;
	s2 =	sadd.s32 s3, s2  }
0x5: {  	s2 =	sadd.s32 s2, s17  }
0x6: {  	[smem:$0x3FBB] =	sst s2  }
0x7: {  	_ = 	snop  }
0x8: {  	s18 =	sld [smem:$0x3FD0];
	_ =	sdelay $0x2  }
0x9: {  	s4 =	simm.s32 $0xB;
	s5 =	simm.s32 $0x10;
	s2 =	sld [smem:$0x3FC8]  }
0xa: {  	[smem:s5], [sflag:s4] =	dma.local [hbm:s18], $0x1  }
0xb: {  	_ =	swait.eq [sflag:s4], $0x1  }
0xc: {  	[sflag:s4] =	ssyncset.done $0x0  }
0xd: {  	[sflag:s4] =	ssyncadd.s32 $0xFFFFFFFF  }
0xe: {  	s19 =	sld [smem:$0x11];
	(tm) =	ssettm $0x1  }
0xf: {  	s20 =	sld [smem:$0x3FFB];
	_ =	sdelay $0x3  }
0x10: {  	_ =	strace s20  }
0x11: {  	s3 =	sld [smem:$0x3FFC];
	_ =	sdelay $0x3  }
0x12: {  	_ =	strace s3  }
0x13: {  	s3 =	sld [smem:$0x3FFD];
	_ =	sdelay $0x3  }
0x14: {  	_ =	strace s3  }
0x15: {  	_ =	strace $0x8FFFFFFF  }
0x16: {  	s21 =	sld [smem:$0x3FDB];
	_ =	sdelay $0x1  }
0x17: {  	s22 =	simm.s32 $_scs_section_size  }
0x18: {  	s6 =	simm.s32 $_size__tile_overlayer_lowered;
	s7 =	simm.s32 $_tile_overlayer_lowered  }
0x19: {  	s8 =	simm.s32 $0x1BFF;
	s23 =	sshll.u32 s7, $0x1;
	s5 =	sadd.s32 s22, s21  }
0x1a: {  	s24 =	simm.s32 $0x0;
	s6 =	sshll.u32 s6, $0x1;
	s7 =	sadd.s32 s23, s5  }
0x1b: {  	[timem:s24], [sflag:s8] =	dma.local [hbm:s7], s6  }
0x1c: {  	_ =	swait.ge [sflag:s8], s6  }
0x1d: {  	s6 =	ssub.s32 $0x0, s6;
	[sflag:s8] =	ssyncset.done $0x0  }
0x1e: {  	[sflag:s8] =	ssyncadd.s32 s6;
	_ =	sdelay $0x1  }
0x1f: {  	s25 =	simm.s32 $0x1B8B  }
0x20: {  	_ =	swait.ge [sflag:s25], $0x1  }
0x21: {  	[sflag:s25] =	ssyncset.done $0x0  }
0x22: {  	[sflag:s25] =	ssyncadd.s32 $0xFFFFFFFF  }
0x23: {  	s6 =	sld [smem:$0x0]  }
0x24: {  	s7 =	sand.u32 $0xFFFFFFFE, s1  }
0x25: {  	p0 =	sne.s32 s1, s7  }
0x26: {  	s7 =	sshll.u32 @p0 s7, $0xE  }
0x27: {  	s7 =	sadd.s32 @p0 $0x11B8D, s7;
	s8 =	sshll.u32 @p0 s6, $0x11  }
0x28: {  	s7 =	sor.u32 @p0 s8, s7  }
0x29: {  	[sflag:s7] =	ssyncadd.remote.s32 @p0 $0x1;
	_ =	sdelay $0x1  }
0x2a: {  	s7 =	simm.s32 @p0 $0x1B8D  }
0x2b: {  	_ =	swait.eq @p0 [sflag:s7], $0x1  }
0x2c: {  	[sflag:s7] =	ssyncadd.s32 @p0 $0xFFFFFFFF  }
0x2d: {  	s8 =	sshll.u32 @!p0 s1, $0xE  }
0x2e: {  	s8 =	sor.u32 @!p0 $0x4000, s8;
	s7 =	simm.s32 @!p0 $0x1B8D  }
0x2f: {  	s6 =	sshll.u32 @!p0 s6, $0x11;
	s8 =	sadd.s32 @!p0 $0x11B8D, s8;
	_ =	swait.eq @!p0 [sflag:s7], $0x1  }
0x30: {  	s6 =	sor.u32 @!p0 s6, s8;
	[sflag:s7] =	ssyncadd.s32 @!p0 $0xFFFFFFFF  }
0x31: {  	s26 =	simm.s32 $0x1B8E;
	[sflag:s6] =	ssyncadd.remote.s32 @!p0 $0x1  }
0x32: {  	s27 =	simm.s32 $execute0_lowered;
	[smem:$0x3FD2] =	sst s26  }
0x33: {  	s6 =	sshll.u32 s27, $0x1;
	_ =	strace $0x80000049;
	[dreg:$0x1] =	wrdreg $0xFFFFFFFF  }
0x34: {  	s28 =	simm.s32 $_size_execute0_lowered;
	s5 =	sadd.s32 s5, s6;
	[dreg:$0x0] =	wrdreg $0x0  }
0x35: {  	s6 =	sshll.u32 s28, $0x1;
	[dreg:$0x2] =	wrdreg s5  }
0x36: {  	[dreg:$0x3] =	wrdreg s6  }
0x37: {  	[dreg:$0x4] =	wrdreg $0xC0  }
0x38: {  	_ =	task [dreg:s24], $0x5FFFF  }
0x39: {  	[dreg:$0x1] =	wrdreg $0xFFFFFFFF  }
0x3a: {  	[dreg:$0x0] =	wrdreg $0x60  }
0x3b: {  	[dreg:$0x2] =	wrdreg s2  }
0x3c: {  	[dreg:$0x3] =	wrdreg s19  }
0x3d: {  	[dreg:$0x4] =	wrdreg $0x9  }
0x3e: {  	_ =	task.clear_ibuf [dreg:s24], $0x5FFFF;
	_ =	strace $0x90000049  }
0x3f: {  	s29 =	simm.s32 $0x9;
	_ =	strace $0x8000004B  }
0x40: {  	_ =	swait.ge [sflag:s29], $0x1  }
0x41: {  	[sflag:s29] =	ssyncadd.s32 $0xFFFFFFFF  }
0x42: {  	_ =	strace $0x9000004B  }
0x43: {  	_ =	sfence  }
0x44: {  	s30 =	sld [smem:$0x0];
	_ =	sdelay $0x2  }
0x45: {  	s31 =	sshll.u32 s1, $0xD;
	s1 =	sshrl.u32 s1, $0x2  }
0x46: {  	s4 =	sand.u32 $0x4000, s31;
	s1 =	sadd.s32 s1, s30  }
0x47: {  	s0 =	sor.u32 s4, s0;
	s1 =	sshll.u32 s1, $0x11  }
0x48: {  	s0 =	sor.u32 s1, s0  }
0x49: {  	s0 =	sadd.s32 $0x8F2B, s0  }
0x4a: {  	[sflag:s0] =	ssyncadd.remote.s32 $0x1  }
0x4b: {  	_ =	sfence.sel $0xFFFF  }
0x4c: {  	[dreg:$0x0] =	wrdreg $0xFFFFFFFF;
	(pc) =	sbr.abs _section_cstart, $3  }
0x4d: {  	[dreg:$0x1] =	wrdreg $0xFFFFFFFF  }
0x4e: {  	_ =	task.clear_ibuf [dreg:s24], $0x2FFFF;
	_ =	strace $0x9FFFFFFF  }
0x4f: {  	(tm) =	ssettm $0x7FFFFFFF  }
tec
execute0_lowered:
.L_overlay_start_1:
0x0: {  	(tag) =	ssettag $0x1  }
0x1: {  	s1 =	srdreg.scid  }
0x2: {  	s0 =	stileid.u32;
	s1 =	sshll.u32 s1, $0x4  }
0x3: {  	s1 =	sor.u32 s0, s1  }
0x4: {  	s3 =	rddreg [dreg:$0x0];
	s31 =	simm.s32 $0x2;
	s1 =	sand.u32 $0x1E, s1  }
0x5: {  	s16 =	simm.s32 $0x0;
	s2 =	sand.u32 $0x1, s0;
	s4 =	ssub.s32 $0xC0, s1  }
0x6: {  	s9 =	simm.s32 $0x100;
	s5 =	ssub.s32 $0x2, s2;
	s6 =	sand.u32 $0x1E, s4  }
0x7: {  	s7 =	sshrl.u32 s5, $0x1;
	p0 =	sne.s32 s6, $0x0;
	s6 =	simm.s32 $0x1  }
0x8: {  	s8 =	sand.u32 $0x1, s5;
	s4 =	sshrl.u32 s4, $0x5;
	s6 =	simm.s32 @!p0 $0x0  }
0x9: {  	s10 =	simm.s32 $0x6000;
	s7 =	sadd.s32 s8, s7;
	s6 =	sadd.s32 s6, s4  }
0xa: {  	s11 =	simm.s32 $0x0;
	s18 =	simm.s32 $0x0;
	s7 =	smul.u32 s6, s7  }
.Ltmp0:
0xb: {  	s17 =	simm.s32 $0x0;
	s5 =	rddreg [dreg:$0x1];
	(pc) =	sbr.rel .LBB1_1-.Ltmp0, $4  }
0xc: {  	s12 =	simm.s32 $0x0;
	s15 =	simm.s32 $0x0;
	s4 =	rddreg [dreg:$0x2]  }
0xd: {  	_ =	strace $0x8000004A;
	s6 =	simm.s32 $0x1;
	s7 =	smul.u32 $0x3, s7  }
0xe: {  	s25 =	simm.s32 $0x0;
	s14 =	smov.u32 s2;
	[sflag:s6] =	ssyncpa.u1 $0x0  }
0xf: {  	s13 =	smov.u32 s1;
	[sflag:s31] =	ssyncpa.u1 $0x0;
	s8 =	sadd.s32 $0x1, s7  }
.LBB1_7:
0x10: {  	s19 =	sadd.s32 $0x40, s12  }
0x11: {  	s16 =	sadd.s32 $0x20, s13;
	s20 =	smov.u32 s13;
	p1 =	sgt.s32 s19, $0xBF  }
0x12: {  	s20 =	smov.u32 @p1 s16  }
0x13: {  	s22 =	smov.u32 s14;
	s16 =	sadd.s32 $0x2, s14;
	p2 =	sgt.s32 s20, $0xBF  }
0x14: {  	s22 =	smov.u32 @p2 s16  }
0x15: {  	s19 =	simm.s32 @p1 $0x0;
	p1 =	sgt.s32 s22, $0x1  }
0x16: {  	p0 =	slt.u32 s15, $0x2;
	s22 =	smov.u32 @p1 s2;
	p1 =	sne.s32 s15, s8  }
.Ltmp1:
0x17: {  	s21 =	simm.s32 @!p0 $0x2;
	(pc) =	sbr.rel @!p1 .LBB1_8-.Ltmp1, $4  }
0x18: {  	s18 =	smov.u32 s13;
	s17 =	smov.u32 s14;
	_ =	swait.ge @!p0 [sflag:s21], $0x4000  }
0x19: {  	s11 =	sadd.s32 $0x4000, s11;
	[sflag:s21] =	ssyncset.done @!p0 $0x0;
	s20 =	smov.u32 @p2 s1  }
0x1a: {  	s16 =	smov.u32 s12;
	[sflag:s21] =	ssyncadd.s32 @!p0 $0xFFFFC000;
	s12 =	smov.u32 s19  }
0x1b: {  	s13 =	smov.u32 s20;
	s15 =	sadd.s32 $0x1, s15;
	s14 =	smov.u32 s22  }
.LBB1_1:
0x1c: {  	p0 =	sge.u32 s15, s7  }
0x1d: {  	s19 =	sand.u32 @!p0 $0x1FFFFFF, s12;
	s21 =	smul.u32 @!p0 $0x90000, s14  }
0x1e: {  	s20 =	smulhi.u32 @!p0 $0x1555556, s19  }
0x1f: {  	s23 =	smul.u32 @!p0 $0xC00, s13  }
0x20: {  	s20 =	smul.u32 @!p0 $0xC0, s20  }
0x21: {  	s31 =	sadd.s32 $0xFFFFFFFF, s15;
	s21 =	sadd.s32 @!p0 s3, s21  }
0x22: {  	s22 =	sxor.u32 @!p0 $0xFFFFFFFF, s15;
	s21 =	sadd.s32 @!p0 s23, s21;
	s19 =	ssub.s32 @!p0 s19, s20  }
0x23: {  	s20 =	sshll.u32 @!p0 s22, $0xE;
	s22 =	simm.s32 @!p0 $0x6000;
	s19 =	sshll.u32 @!p0 s19, $0x4  }
0x24: {  	s20 =	sand.u32 @!p0 $0x4000, s20;
	s19 =	sadd.s32 @!p0 s19, s21;
	s21 =	simm.s32 @!p0 $0x2000  }
0x25: {  	[tilespmem:s20], [sflag:$0x1] =	stream.strided.gather @!p0 [hbm4b:s19+s21], $0x4000, s22, s21, $0x38;
	[tilespmem:$0x10000] =	vst v63  }
0x26: {  	p0 =	sge.u32 s31, s7  }
.Ltmp2:
0x27: {  	_ = 	snop;
	(pc) =	sbr.rel @p0 .LBB1_7-.Ltmp2, $1  }
0x28: {  	_ =	sdelay $0x3  }
0x29: {  	s19 =	sshll.u32 s11, $0x2  }
0x2a: {  	_ =	swait.ge [sflag:s6], $0x4000;
	s20 =	sshll.u32 s15, $0xE;
	s22 =	simm.s32 $0x0  }
0x2b: {  	p1 =	por $0x1, $0x1;
	s19 =	sand.u32 $0x10000, s19;
	[sflag:s6] =	ssyncset.done $0x0  }
0x2c: {  	s20 =	sand.u32 $0x4000, s20;
	s21 =	sshrl.u32 s19, $0x2;
	[sflag:s6] =	ssyncadd.s32 $0xFFFFC000  }
0x2d: {  	s19 =	sor.u32 $0x8000, s20;
	s20 =	sadd.s32 $0x8040, s21;
	s21 =	sadd.s32 $0x40, s21  }
.LBB1_3:
0x2e: {  	s23 =	sshll.u32 s22, $0xD  }
0x2f: {  	s23 =	sand.u32 $0x3FFFE000, s23  }
0x30: {  	s23 =	sadd.s32 s23, s21  }
0x31: {  	v0 =	vmov s23;
	_ =	sdelay $0x4  }
0x32: {  	v6 =	vld.idx.msk [tilespmem:v0+s25+$0x30 ss:$0x1], $0xffff  }
0x33: {  	v7 =	vld.idx.msk [tilespmem:v0+s25+$0xFFFFFFC0 ss:$0x1], $0xffff  }
0x34: {  	v1 =	vld.idx.msk [tilespmem:v0+s25+$0xFFFFFFD0 ss:$0x1], $0xffff  }
0x35: {  	s31 =	sshll.u32 s22, $0x7;
	v2 =	vld.idx.msk [tilespmem:v0+s25+$0xFFFFFFE0 ss:$0x1], $0xffff  }
0x36: {  	s22 =	sand.u32 $0x3FFFFF80, s31;
	v3 =	vld.idx.msk [tilespmem:v0+s25+$0xFFFFFFF0 ss:$0x1], $0xffff  }
0x37: {  	s22 =	sadd.s32 s22, s20;
	v4 =	vld.idx.msk [tilespmem:v0+s25+$0x0 ss:$0x1], $0xffff  }
0x38: {  	v5 =	vld.idx.msk [tilespmem:v0+s25+$0x10 ss:$0x1], $0xffff;
	[tilespmem:s22+$0x30] =	vst v6  }
0x39: {  	p0 =	por p1, p1;
	s24 =	simm.s32 $0x400;
	s23 =	simm.s32 $0x80;
	[tilespmem:s22+$0xFFFFFFC0] =	vst v7;
	v6 =	vld.idx.msk [tilespmem:v0+s25+$0x20 ss:$0x1], $0xffff  }
.LBB1_4:
0x3a: {  	p1 =	sne.s32 s24, $0x7E00;
	v7 =	vld.idx.msk [tilespmem:v0+s23+$0x30 ss:$0x1], $0xffff;
	[tilespmem:s22+$0xFFFFFFD0] =	vst v1  }
0x3b: {  	v8 =	vld.idx.msk [tilespmem:v0+s23+$0xFFFFFFC0 ss:$0x1], $0xffff;
	[tilespmem:s22+$0xFFFFFFE0] =	vst v2  }
0x3c: {  	v1 =	vld.idx.msk [tilespmem:v0+s23+$0xFFFFFFD0 ss:$0x1], $0xffff;
	[tilespmem:s22+$0xFFFFFFF0] =	vst v3  }
.Ltmp3:
0x3d: {  	v2 =	vld.idx.msk [tilespmem:v0+s23+$0xFFFFFFE0 ss:$0x1], $0xffff;
	[tilespmem:s22+$0x0] =	vst v4;
	(pc) =	sbr.rel @p1 .LBB1_4-.Ltmp3, $4  }
0x3e: {  	v3 =	vld.idx.msk [tilespmem:v0+s23+$0xFFFFFFF0 ss:$0x1], $0xffff;
	[tilespmem:s22+$0x10] =	vst v5  }
0x3f: {  	v4 =	vld.idx.msk [tilespmem:v0+s23+$0x0 ss:$0x1], $0xffff;
	[tilespmem:s22+$0x20] =	vst v6;
	s22 =	sadd.s32 $0x100, s22  }
0x40: {  	v5 =	vld.idx.msk [tilespmem:v0+s23+$0x10 ss:$0x1], $0xffff;
	[tilespmem:s22+$0x30] =	vst v7  }
0x41: {  	[tilespmem:s22+$0xFFFFFFC0] =	vst v8;
	v6 =	vld.idx.msk [tilespmem:v0+s23+$0x20 ss:$0x1], $0xffff;
	s23 =	sshra.s32 s24, $0x2;
	s24 =	sadd.s32 $0x200, s24  }
0x42: {  	_ =	sdelay $0x2  }
0x43: {  	[tilespmem:s22+$0xFFFFFFD0] =	vst v1  }
0x44: {  	v56 =	vld.idx.msk [tilespmem:v0+s23+$0x30 ss:$0x1], $0xffff;
	[tilespmem:s22+$0xFFFFFFE0] =	vst v2  }
0x45: {  	v57 =	vld.idx.msk [tilespmem:v0+s23+$0xFFFFFFC0 ss:$0x1], $0xffff;
	[tilespmem:s22+$0xFFFFFFF0] =	vst v3  }
0x46: {  	v58 =	vld.idx.msk [tilespmem:v0+s23+$0xFFFFFFD0 ss:$0x1], $0xffff;
	[tilespmem:s22+$0x0] =	vst v4  }
0x47: {  	v59 =	vld.idx.msk [tilespmem:v0+s23+$0xFFFFFFE0 ss:$0x1], $0xffff;
	[tilespmem:s22+$0x10] =	vst v5  }
0x48: {  	v60 =	vld.idx.msk [tilespmem:v0+s23+$0xFFFFFFF0 ss:$0x1], $0xffff;
	s31 =	sadd.s32 $0x100, s22;
	[tilespmem:s22+$0x20] =	vst v6  }
0x49: {  	v61 =	vld.idx.msk [tilespmem:v0+s23+$0x0 ss:$0x1], $0xffff;
	[tilespmem:s31+$0x30] =	vst v56  }
0x4a: {  	v62 =	vld.idx.msk [tilespmem:v0+s23+$0x10 ss:$0x1], $0xffff;
	[tilespmem:s31+$0xFFFFFFC0] =	vst v57  }
0x4b: {  	v63 =	vld.idx.msk [tilespmem:v0+s23+$0x20 ss:$0x1], $0xffff;
	[tilespmem:s31+$0xFFFFFFD0] =	vst v58  }
.Ltmp4:
0x4c: {  	[tilespmem:s31+$0xFFFFFFE0] =	vst v59;
	(pc) =	sbr.rel @p0 .LBB1_3-.Ltmp4, $4  }
0x4d: {  	[tilespmem:s31+$0xFFFFFFF0] =	vst v60  }
0x4e: {  	[tilespmem:s31+$0x0] =	vst v61  }
0x4f: {  	[tilespmem:s31+$0x10] =	vst v62  }
0x50: {  	p1 =	por $0x0, $0x0;
	s22 =	simm.s32 $0x1;
	[tilespmem:s31+$0x20] =	vst v63  }
0x51: {  	s18 =	sand.u32 $0x1FFFFFF, s18;
	s17 =	smul.u32 $0x90000, s17  }
0x52: {  	s20 =	smulhi.u32 $0x1555556, s18  }
0x53: {  	s16 =	smul.u32 $0xC00, s16  }
0x54: {  	s20 =	smul.u32 $0xC0, s20  }
.Ltmp5:
0x55: {  	_ = 	snop;
	(pc) =	sbr.rel .LBB1_7-.Ltmp5, $4  }
0x56: {  	s17 =	sadd.s32 s5, s17;
	s18 =	ssub.s32 s18, s20  }
0x57: {  	s16 =	sadd.s32 s16, s17;
	s18 =	sshll.u32 s18, $0x4  }
0x58: {  	s16 =	sadd.s32 s18, s16  }
0x59: {  	[hbm4b:s16+s9] =	stream.strided.scatter [tilespmem:s19], [sflag:$0x2], $0x4000, s10, s9, $0x38;
	[tilespmem:$0x10000] =	vst v63  }
.LBB1_8:
0x5a: {  	_ =	sfence.sel $0x180000  }
0x5b: {  	s1 =	simm.s32 $0x1;
	[bflag:$0x0] =	sbarrier.arrive $0xFFFF  }
0x5c: {  	s31 =	simm.s32 $0x2;
	[sflag:s1] =	ssyncpa.u1 $0x1  }
0x5d: {  	[sflag:s31] =	ssyncpa.u1 $0x1  }
0x5e: {  	p0 =	sne.s32 s0, $0x0;
	_ =	strace $0x9000004A  }
0x5f: {  	s0 =	sadd.s32 @!p0 $0x100000, s4;
	[bflag:$0x2] =	sbarrier.arrive $0xFFFF  }
0x60: {  	[sflag:s0] =	ssyncadd.tile.s32 @!p0 $0x1;
	_ =	shalt  }
.Lfunc_end1:
_tile_overlayer_lowered:
.L_overlay_start_2:
0x61: {  	(tag) =	ssettag $0x2  }
0x62: {  	s0 =	rddreg [dreg:$0x0];
	s2 =	stileid.u32  }
0x63: {  	s1 =	rddreg [dreg:$0x1];
	p0 =	sne.s32 s2, $0x0  }
0x64: {  	s3 =	rddreg [dreg:$0x2];
	[bflag:$0x3] =	sbarrier.arrive $0xFFFF;
	s2 =	simm.s32 @!p0 $0x1C01  }
0x65: {  	[timem:s3], [sflag:s2] =	dma.local @!p0 [hbm:s0], s1  }
0x66: {  	s0 =	simm.s32 @!p0 $0x1  }
0x67: {  	_ =	swait.ge @!p0 [sflag:s0], s1  }
0x68: {  	s1 =	ssub.s32 @!p0 $0x0, s1;
	[sflag:s0] =	ssyncset.done @!p0 $0x0  }
0x69: {  	[sflag:s0] =	ssyncadd.s32 @!p0 s1  }
0x6a: {  	[bflag:$0x3] =	sbarrier.arrive $0xFFFF  }
0x6b: {  	_ =	shalt  }

</sc_bundles>
